<compile_context>
chip_gen: v7x
topology: tpu7x:2x2x1
jax: 0.10.2.dev20260603
libtpu: 0.0.44.dev20260713+nightly
codegen_flags: <defaults>
</compile_context>

<pallas_src>
import jax
import jax.numpy as jnp
from jax import lax
from jax.experimental import pallas as pl
from jax.experimental.pallas import tpu as pltpu
from jax.experimental.pallas import tpu_sc as plsc

N = 10000
D = 256
G = 64
LANES = 16
NJ = D // LANES
CH = 64

NC = 2
NS = 16
NW = NC * NS
SEGS_PER_W = G // NW
SEARCH_STEPS = 14


def _pool_body(x_hbm, gi_hbm, out_hbm, gi_v, buf, stage):
    wid = lax.axis_index("s") * NC + lax.axis_index("c")
    _worker(wid, x_hbm, gi_hbm, out_hbm, gi_v, buf, stage)


def _worker(wid, x_hbm, gi_hbm, out_hbm, gi_v, buf, stage):
    pltpu.sync_copy(gi_hbm, gi_v.at[pl.ds(0, N)])
    gi_v[pl.ds(N, LANES)] = jnp.full((LANES,), G, jnp.int32)

    def lower_bound(g):
        def step(_, lh):
            lo, hi = lh
            mid = (lo + hi) // 2
            p = gi_v[pl.ds(mid, LANES)][0] < g
            return (jnp.where(p, mid + 1, lo), jnp.where(p, hi, mid))
        lo, _ = lax.fori_loop(0, SEARCH_STEPS, step,
                              (jnp.int32(0), jnp.int32(N)))
        return lo

    g0 = wid * SEGS_PER_W
    bounds = [lower_bound(g0 + t) for t in range(SEGS_PER_W + 1)]

    for t in range(SEGS_PER_W):
        g = g0 + t
        s, e = bounds[t], bounds[t + 1]
        cnt = e - s
        nch = (cnt + (CH - 1)) // CH

        def chunk_body(c, acc, s=s, e=e):
            rs = s + c * CH
            base = jnp.minimum(rs, N - CH)
            off = rs - base
            lim = off + jnp.minimum(jnp.int32(CH), e - rs)
            pltpu.sync_copy(x_hbm.at[pl.ds(base * D, CH * D)], buf)

            def row_body(r, acc2):
                sums, maxs = acc2
                new_s, new_m = [], []
                for j in range(NJ):
                    v = buf[pl.ds(r * D + j * LANES, LANES)]
                    new_s.append(sums[j] + v)
                    new_m.append(jnp.maximum(maxs[j], v))
                return (tuple(new_s), tuple(new_m))

            return lax.fori_loop(off, lim, row_body, acc)

        zero = jnp.zeros((LANES,), jnp.float32)
        ninf = jnp.full((LANES,), -jnp.inf, jnp.float32)
        init = (tuple(zero for _ in range(NJ)),
                tuple(ninf for _ in range(NJ)))
        sums, maxs = lax.fori_loop(0, nch, chunk_body, init)

        cntf = jnp.maximum(cnt, 1).astype(jnp.float32)
        inv = jnp.full((LANES,), 1.0, jnp.float32) \
            / jnp.full((LANES,), cntf, jnp.float32)
        for j in range(NJ):
            stage[pl.ds(j * LANES, LANES)] = maxs[j]
            stage[pl.ds(D + j * LANES, LANES)] = sums[j] * inv
            stage[pl.ds(2 * D + j * LANES, LANES)] = sums[j]
        pltpu.sync_copy(stage, out_hbm.at[pl.ds(g * 3 * D, 3 * D)])


def kernel(x, edge_index, graph_indices):
    del edge_index
    mesh = plsc.VectorSubcoreMesh(core_axis_name="c", subcore_axis_name="s",
                                  num_cores=NC, num_subcores=NS)
    f = pl.kernel(
        _pool_body,
        out_type=jax.ShapeDtypeStruct((G * 3 * D,), jnp.float32),
        mesh=mesh,
        scratch_types=[
            pltpu.VMEM((N + LANES,), jnp.int32),
            pltpu.VMEM((CH * D,), jnp.float32),
            pltpu.VMEM((3 * D,), jnp.float32),
        ],
    )
    return f(x.reshape(-1), graph_indices).reshape(G, 3 * D)

# --- scband reference (transcript-rebuilt; emitter-appended) ---
"""Pipeline reference for scband-naive-global-pooling-33500744909408 (READ-ONLY COPY).

The authoritative reference and input builder live on the scoring server;
editing this copy changes nothing except your own understanding.
"""

import jax, jax.numpy as jnp
import numpy as np

N = 10000
D = 256
E = 160000
G = 64

def setup_inputs(seed: int = 0) -> dict:
    key = jax.random.key(seed)
    k1, k2, k3 = jax.random.split(key, 3)
    x = jax.random.normal(k1, (N, D), dtype=jnp.float32)
    edge_index = jax.random.randint(k2, (2, E), 0, N, dtype=jnp.int32)
    graph_indices = jnp.sort(jax.random.randint(k3, (N,), 0, G, dtype=jnp.int32))
    return {"x": x, "edge_index": edge_index, "graph_indices": graph_indices}

def reference(x, edge_index, graph_indices):
    # edge_index is unused by the original module's forward, kept for signature fidelity.
    # gmp: global max pool -> segment_max over graphs
    gmax = jax.ops.segment_max(x, graph_indices, num_segments=G)
    # gsp: global add pool -> segment_sum over graphs
    gsum = jax.ops.segment_sum(x, graph_indices, num_segments=G)
    # gap: global mean pool -> segment_sum / counts
    counts = jax.ops.segment_sum(jnp.ones((x.shape[0], 1), dtype=x.dtype), graph_indices, num_segments=G)
    gmean = gsum / jnp.maximum(counts, 1.0)
    return jnp.concatenate([gmax, gmean, gsum], axis=-1)

if __name__ == "__main__":
    import jax
    _d = setup_inputs()
    print(jax.jit(kernel)(*tuple(_d.values())))

</pallas_src>

<mosaic_0001>
#map = affine_map<(d0, d1) -> (0)>
module attributes {stable_mosaic.version = 14 : i64} {
  func.func @_pool_body(%arg0: i32, %arg1: i32, %arg2: memref<2560000xf32, #tpu.memory_space<hbm>>, %arg3: memref<10000xi32, #tpu.memory_space<hbm>>, %arg4: memref<49152xf32, #tpu.memory_space<hbm>>, %arg5: memref<10016xi32, #tpu.memory_space<vmem>>, %arg6: memref<16384xf32, #tpu.memory_space<vmem>>, %arg7: memref<768xf32, #tpu.memory_space<vmem>>) attributes {dimension_semantics = [#tpu.dimension_semantics<core_parallel>, #tpu.dimension_semantics<subcore_parallel>], iteration_bounds = array<i64: 2, 16>, scalar_prefetch = 0 : i64, scratch_operands = 3 : i64, tpu.core_type = #tpu.core_type<sc_vector_subcore>, window_params = [{transform_indices = #map}, {transform_indices = #map}, {transform_indices = #map}]} {
    %mul3A = arith.constant 2 : i32
    %mul3A_0 = arith.muli %arg1, %mul3A : i32
    %add3A = arith.addi %mul3A_0, %arg0 : i32
    "tpu.region"() ({
      %run_scoped3A = tpu.sem_alloc : memref<!tpu.dma_semaphore, #tpu.memory_space<semaphore_mem>>
      %dma_start3A = arith.constant 0 : i32
      %dma_start3A_551 = tpu.memref_slice %arg5[%dma_start3A] : memref<10016xi32, #tpu.memory_space<vmem>> -> memref<10000xi32, #tpu.memory_space<vmem>>
      %dma_start3A_552 = arith.constant 0 : i32
      %dma_start3A_553 = tpu.memref_slice %arg5[%dma_start3A_552] : memref<10016xi32, #tpu.memory_space<vmem>> -> memref<10000xi32, #tpu.memory_space<vmem>>
      tpu.enqueue_dma source(%arg3 : memref<10000xi32, #tpu.memory_space<hbm>>) target(%dma_start3A_553 : memref<10000xi32, #tpu.memory_space<vmem>>) target_semaphore(%run_scoped3A : memref<!tpu.dma_semaphore, #tpu.memory_space<semaphore_mem>>)
      %dma_wait3A = arith.constant 0 : i32
      %dma_wait3A_554 = tpu.memref_slice %arg5[%dma_wait3A] : memref<10016xi32, #tpu.memory_space<vmem>> -> memref<10000xi32, #tpu.memory_space<vmem>>
      %dma_wait3A_555 = arith.constant 0 : i32
      %dma_wait3A_556 = tpu.memref_slice %arg5[%dma_wait3A_555] : memref<10016xi32, #tpu.memory_space<vmem>> -> memref<10000xi32, #tpu.memory_space<vmem>>
      tpu.wait_dma2 semaphore(%run_scoped3A : memref<!tpu.dma_semaphore, #tpu.memory_space<semaphore_mem>>) src(%arg3 : memref<10000xi32, #tpu.memory_space<hbm>>) dst(%dma_wait3A_556 : memref<10000xi32, #tpu.memory_space<vmem>>)
      tpu.yield
    }) : () -> ()
    %broadcast_in_dim3A = arith.constant 64 : i32
    %broadcast_in_dim3A_1 = vector.broadcast %broadcast_in_dim3A : i32 to vector<16xi32>
    %swap3A = arith.constant 10000 : index
    %swap3A_2 = tpu.vector_load %arg5[%swap3A] {strides = array<i32>} : memref<10016xi32, #tpu.memory_space<vmem>>, vector<16xi32>,
    %swap3A_3 = vector.shape_cast %swap3A_2 : vector<16xi32> to vector<16xi32>
    %swap3A_4 = vector.shape_cast %broadcast_in_dim3A_1 : vector<16xi32> to vector<16xi32>
    tpu.vector_store %arg5[%swap3A], %swap3A_4 {strides = array<i32>} : memref<10016xi32, #tpu.memory_space<vmem>>, vector<16xi32>,
    %mul3A_5 = arith.constant 2 : i32
    %mul3A_6 = arith.muli %add3A, %mul3A_5 : i32
    %add3A_7 = arith.constant 0 : i32
    %add3A_8 = arith.addi %mul3A_6, %add3A_7 : i32
    %scan3A = arith.constant 0 : i32
    %scan3A_9 = arith.constant 10000 : i32
    %scan3A_10 = arith.constant 0 : i32
    %scan3A_11 = arith.constant 14 : i32
    %scan3A_12 = arith.addi %scan3A_10, %scan3A_11 : i32
    %scan3A_13 = arith.constant 1 : i32
    %scan3A_14:2 = scf.for %scan3A_551 = %scan3A_10 to %scan3A_12 step %scan3A_13 iter_args(%scan3A_552 = %scan3A, %scan3A_553 = %scan3A_9) -> (i32, i32)  : i32 {
      %add3A_554 = arith.addi %scan3A_552, %scan3A_553 : i32
      %jit3A_555 = arith.constant 2 : i32
      %div3A_556 = arith.divsi %add3A_554, %jit3A_555 : i32
      %sign3A_557 = arith.constant 0 : i32
      %sign3A_558 = arith.cmpi sgt, %add3A_554, %sign3A_557 : i32
      %sign3A_559 = arith.extui %sign3A_558 : i1 to i32
      %sign3A_560 = arith.constant 0 : i32
      %sign3A_561 = arith.cmpi slt, %add3A_554, %sign3A_560 : i32
      %sign3A_562 = arith.extui %sign3A_561 : i1 to i32
      %sign3A_563 = arith.subi %sign3A_559, %sign3A_562 : i32
      %sign3A_564 = arith.constant 0 : i32
      %sign3A_565 = arith.cmpi sgt, %jit3A_555, %sign3A_564 : i32
      %sign3A_566 = arith.extui %sign3A_565 : i1 to i32
      %sign3A_567 = arith.constant 0 : i32
      %sign3A_568 = arith.cmpi slt, %jit3A_555, %sign3A_567 : i32
      %sign3A_569 = arith.extui %sign3A_568 : i1 to i32
      %sign3A_570 = arith.subi %sign3A_566, %sign3A_569 : i32
      %ne3A_571 = arith.cmpi ne, %sign3A_563, %sign3A_570 : i32
      %rem3A_572 = arith.remsi %add3A_554, %jit3A_555 : i32
      %ne3A_573 = arith.constant 0 : i32
      %ne3A_574 = arith.cmpi ne, %rem3A_572, %ne3A_573 : i32
      %and3A_575 = arith.andi %ne3A_571, %ne3A_574 : i1
      %sub3A_576 = arith.constant 1 : i32
      %sub3A_577 = arith.subi %div3A_556, %sub3A_576 : i32
      %select_n3A_578 = arith.select %and3A_575, %sub3A_577, %div3A_556 : i32
      %get3A = arith.index_cast %select_n3A_578 : i32 to index
      %get3A_579 = tpu.vector_load %arg5[%get3A] {strides = array<i32>} : memref<10016xi32, #tpu.memory_space<vmem>>, vector<16xi32>,
      %get3A_580 = vector.shape_cast %get3A_579 : vector<16xi32> to vector<16xi32>
      %slice3A = vector.extract_strided_slice %get3A_580 {offsets = [0], sizes = [1], strides = [1]} : vector<16xi32> to vector<1xi32>
      %squeeze3A = vector.extract %slice3A[0] : i32 from vector<1xi32>
      %lt3A = arith.cmpi slt, %squeeze3A, %add3A_8 : i32
      %add3A_581 = arith.constant 1 : i32
      %add3A_582 = arith.addi %select_n3A_578, %add3A_581 : i32
      %select_n3A_583 = arith.select %lt3A, %add3A_582, %scan3A_552 : i32
      %select_n3A_584 = arith.select %lt3A, %scan3A_553, %select_n3A_578 : i32
      scf.yield %select_n3A_583, %select_n3A_584 : i32, i32
    }
    %scan3A_15 = arith.constant 14 : i32
    %add3A_16 = arith.constant 1 : i32
    %add3A_17 = arith.addi %mul3A_6, %add3A_16 : i32
    %scan3A_18 = arith.constant 0 : i32
    %scan3A_19 = arith.constant 10000 : i32
    %scan3A_20 = arith.constant 0 : i32
    %scan3A_21 = arith.constant 14 : i32
    %scan3A_22 = arith.addi %scan3A_20, %scan3A_21 : i32
    %scan3A_23 = arith.constant 1 : i32
    %scan3A_24:2 = scf.for %scan3A_551 = %scan3A_20 to %scan3A_22 step %scan3A_23 iter_args(%scan3A_552 = %scan3A_18, %scan3A_553 = %scan3A_19) -> (i32, i32)  : i32 {
      %add3A_554 = arith.addi %scan3A_552, %scan3A_553 : i32
      %jit3A_555 = arith.constant 2 : i32
      %div3A_556 = arith.divsi %add3A_554, %jit3A_555 : i32
      %sign3A_557 = arith.constant 0 : i32
      %sign3A_558 = arith.cmpi sgt, %add3A_554, %sign3A_557 : i32
      %sign3A_559 = arith.extui %sign3A_558 : i1 to i32
      %sign3A_560 = arith.constant 0 : i32
      %sign3A_561 = arith.cmpi slt, %add3A_554, %sign3A_560 : i32
      %sign3A_562 = arith.extui %sign3A_561 : i1 to i32
      %sign3A_563 = arith.subi %sign3A_559, %sign3A_562 : i32
      %sign3A_564 = arith.constant 0 : i32
      %sign3A_565 = arith.cmpi sgt, %jit3A_555, %sign3A_564 : i32
      %sign3A_566 = arith.extui %sign3A_565 : i1 to i32
      %sign3A_567 = arith.constant 0 : i32
      %sign3A_568 = arith.cmpi slt, %jit3A_555, %sign3A_567 : i32
      %sign3A_569 = arith.extui %sign3A_568 : i1 to i32
      %sign3A_570 = arith.subi %sign3A_566, %sign3A_569 : i32
      %ne3A_571 = arith.cmpi ne, %sign3A_563, %sign3A_570 : i32
      %rem3A_572 = arith.remsi %add3A_554, %jit3A_555 : i32
      %ne3A_573 = arith.constant 0 : i32
      %ne3A_574 = arith.cmpi ne, %rem3A_572, %ne3A_573 : i32
      %and3A_575 = arith.andi %ne3A_571, %ne3A_574 : i1
      %sub3A_576 = arith.constant 1 : i32
      %sub3A_577 = arith.subi %div3A_556, %sub3A_576 : i32
      %select_n3A_578 = arith.select %and3A_575, %sub3A_577, %div3A_556 : i32
      %get3A = arith.index_cast %select_n3A_578 : i32 to index
      %get3A_579 = tpu.vector_load %arg5[%get3A] {strides = array<i32>} : memref<10016xi32, #tpu.memory_space<vmem>>, vector<16xi32>,
      %get3A_580 = vector.shape_cast %get3A_579 : vector<16xi32> to vector<16xi32>
      %slice3A = vector.extract_strided_slice %get3A_580 {offsets = [0], sizes = [1], strides = [1]} : vector<16xi32> to vector<1xi32>
      %squeeze3A = vector.extract %slice3A[0] : i32 from vector<1xi32>
      %lt3A = arith.cmpi slt, %squeeze3A, %add3A_17 : i32
      %add3A_581 = arith.constant 1 : i32
      %add3A_582 = arith.addi %select_n3A_578, %add3A_581 : i32
      %select_n3A_583 = arith.select %lt3A, %add3A_582, %scan3A_552 : i32
      %select_n3A_584 = arith.select %lt3A, %scan3A_553, %select_n3A_578 : i32
      scf.yield %select_n3A_583, %select_n3A_584 : i32, i32
    }
    %scan3A_25 = arith.constant 14 : i32
    %add3A_26 = arith.constant 2 : i32
    %add3A_27 = arith.addi %mul3A_6, %add3A_26 : i32
    %scan3A_28 = arith.constant 0 : i32
    %scan3A_29 = arith.constant 10000 : i32
    %scan3A_30 = arith.constant 0 : i32
    %scan3A_31 = arith.constant 14 : i32
    %scan3A_32 = arith.addi %scan3A_30, %scan3A_31 : i32
    %scan3A_33 = arith.constant 1 : i32
    %scan3A_34:2 = scf.for %scan3A_551 = %scan3A_30 to %scan3A_32 step %scan3A_33 iter_args(%scan3A_552 = %scan3A_28, %scan3A_553 = %scan3A_29) -> (i32, i32)  : i32 {
      %add3A_554 = arith.addi %scan3A_552, %scan3A_553 : i32
      %jit3A_555 = arith.constant 2 : i32
      %div3A_556 = arith.divsi %add3A_554, %jit3A_555 : i32
      %sign3A_557 = arith.constant 0 : i32
      %sign3A_558 = arith.cmpi sgt, %add3A_554, %sign3A_557 : i32
      %sign3A_559 = arith.extui %sign3A_558 : i1 to i32
      %sign3A_560 = arith.constant 0 : i32
      %sign3A_561 = arith.cmpi slt, %add3A_554, %sign3A_560 : i32
      %sign3A_562 = arith.extui %sign3A_561 : i1 to i32
      %sign3A_563 = arith.subi %sign3A_559, %sign3A_562 : i32
      %sign3A_564 = arith.constant 0 : i32
      %sign3A_565 = arith.cmpi sgt, %jit3A_555, %sign3A_564 : i32
      %sign3A_566 = arith.extui %sign3A_565 : i1 to i32
      %sign3A_567 = arith.constant 0 : i32
      %sign3A_568 = arith.cmpi slt, %jit3A_555, %sign3A_567 : i32
      %sign3A_569 = arith.extui %sign3A_568 : i1 to i32
      %sign3A_570 = arith.subi %sign3A_566, %sign3A_569 : i32
      %ne3A_571 = arith.cmpi ne, %sign3A_563, %sign3A_570 : i32
      %rem3A_572 = arith.remsi %add3A_554, %jit3A_555 : i32
      %ne3A_573 = arith.constant 0 : i32
      %ne3A_574 = arith.cmpi ne, %rem3A_572, %ne3A_573 : i32
      %and3A_575 = arith.andi %ne3A_571, %ne3A_574 : i1
      %sub3A_576 = arith.constant 1 : i32
      %sub3A_577 = arith.subi %div3A_556, %sub3A_576 : i32
      %select_n3A_578 = arith.select %and3A_575, %sub3A_577, %div3A_556 : i32
      %get3A = arith.index_cast %select_n3A_578 : i32 to index
      %get3A_579 = tpu.vector_load %arg5[%get3A] {strides = array<i32>} : memref<10016xi32, #tpu.memory_space<vmem>>, vector<16xi32>,
      %get3A_580 = vector.shape_cast %get3A_579 : vector<16xi32> to vector<16xi32>
      %slice3A = vector.extract_strided_slice %get3A_580 {offsets = [0], sizes = [1], strides = [1]} : vector<16xi32> to vector<1xi32>
      %squeeze3A = vector.extract %slice3A[0] : i32 from vector<1xi32>
      %lt3A = arith.cmpi slt, %squeeze3A, %add3A_27 : i32
      %add3A_581 = arith.constant 1 : i32
      %add3A_582 = arith.addi %select_n3A_578, %add3A_581 : i32
      %select_n3A_583 = arith.select %lt3A, %add3A_582, %scan3A_552 : i32
      %select_n3A_584 = arith.select %lt3A, %scan3A_553, %select_n3A_578 : i32
      scf.yield %select_n3A_583, %select_n3A_584 : i32, i32
    }
    %scan3A_35 = arith.constant 14 : i32
    %add3A_36 = arith.constant 0 : i32
    %add3A_37 = arith.addi %mul3A_6, %add3A_36 : i32
    %sub3A = arith.subi %scan3A_24#0, %scan3A_14#0 : i32
    %add3A_38 = arith.constant 63 : i32
    %add3A_39 = arith.addi %sub3A, %add3A_38 : i32
    %jit3A = arith.constant 64 : i32
    %div3A = arith.divsi %add3A_39, %jit3A : i32
    %sign3A = arith.constant 0 : i32
    %sign3A_40 = arith.cmpi sgt, %add3A_39, %sign3A : i32
    %sign3A_41 = arith.extui %sign3A_40 : i1 to i32
    %sign3A_42 = arith.constant 0 : i32
    %sign3A_43 = arith.cmpi slt, %add3A_39, %sign3A_42 : i32
    %sign3A_44 = arith.extui %sign3A_43 : i1 to i32
    %sign3A_45 = arith.subi %sign3A_41, %sign3A_44 : i32
    %sign3A_46 = arith.constant 0 : i32
    %sign3A_47 = arith.cmpi sgt, %jit3A, %sign3A_46 : i32
    %sign3A_48 = arith.extui %sign3A_47 : i1 to i32
    %sign3A_49 = arith.constant 0 : i32
    %sign3A_50 = arith.cmpi slt, %jit3A, %sign3A_49 : i32
    %sign3A_51 = arith.extui %sign3A_50 : i1 to i32
    %sign3A_52 = arith.subi %sign3A_48, %sign3A_51 : i32
    %ne3A = arith.cmpi ne, %sign3A_45, %sign3A_52 : i32
    %rem3A = arith.remsi %add3A_39, %jit3A : i32
    %ne3A_53 = arith.constant 0 : i32
    %ne3A_54 = arith.cmpi ne, %rem3A, %ne3A_53 : i32
    %and3A = arith.andi %ne3A, %ne3A_54 : i1
    %sub3A_55 = arith.constant 1 : i32
    %sub3A_56 = arith.subi %div3A, %sub3A_55 : i32
    %select_n3A = arith.select %and3A, %sub3A_56, %div3A : i32
    %broadcast_in_dim3A_57 = arith.constant 0.000000e+00 : f32
    %broadcast_in_dim3A_58 = vector.broadcast %broadcast_in_dim3A_57 : f32 to vector<16xf32>
    %broadcast_in_dim3A_59 = arith.constant 0xFF800000 : f32
    %broadcast_in_dim3A_60 = vector.broadcast %broadcast_in_dim3A_59 : f32 to vector<16xf32>
    %while3A = arith.constant 0 : i32
    %while3A_61 = arith.subi %select_n3A, %while3A : i32
    %while3A_62 = arith.addi %while3A, %while3A_61 : i32
    %while3A_63 = arith.constant 1 : i32
    %while3A_64 = arith.divsi %while3A_61, %while3A_63 : i32
    %while3A_65 = arith.muli %while3A_64, %while3A_63 : i32
    %while3A_66 = arith.addi %while3A, %while3A_65 : i32
    %while3A_67 = arith.constant 1 : i32
    %while3A_68:32 = scf.for %while3A_551 = %while3A to %while3A_66 step %while3A_67 iter_args(%while3A_552 = %broadcast_in_dim3A_58, %while3A_553 = %broadcast_in_dim3A_58, %while3A_554 = %broadcast_in_dim3A_58, %while3A_555 = %broadcast_in_dim3A_58, %while3A_556 = %broadcast_in_dim3A_58, %while3A_557 = %broadcast_in_dim3A_58, %while3A_558 = %broadcast_in_dim3A_58, %while3A_559 = %broadcast_in_dim3A_58, %while3A_560 = %broadcast_in_dim3A_58, %while3A_561 = %broadcast_in_dim3A_58, %while3A_562 = %broadcast_in_dim3A_58, %while3A_563 = %broadcast_in_dim3A_58, %while3A_564 = %broadcast_in_dim3A_58, %while3A_565 = %broadcast_in_dim3A_58, %while3A_566 = %broadcast_in_dim3A_58, %while3A_567 = %broadcast_in_dim3A_58, %while3A_568 = %broadcast_in_dim3A_60, %while3A_569 = %broadcast_in_dim3A_60, %while3A_570 = %broadcast_in_dim3A_60, %while3A_571 = %broadcast_in_dim3A_60, %while3A_572 = %broadcast_in_dim3A_60, %while3A_573 = %broadcast_in_dim3A_60, %while3A_574 = %broadcast_in_dim3A_60, %while3A_575 = %broadcast_in_dim3A_60, %while3A_576 = %broadcast_in_dim3A_60, %while3A_577 = %broadcast_in_dim3A_60, %while3A_578 = %broadcast_in_dim3A_60, %while3A_579 = %broadcast_in_dim3A_60, %while3A_580 = %broadcast_in_dim3A_60, %while3A_581 = %broadcast_in_dim3A_60, %while3A_582 = %broadcast_in_dim3A_60, %while3A_583 = %broadcast_in_dim3A_60) -> (vector<16xf32>, vector<16xf32>, vector<16xf32>, vector<16xf32>, vector<16xf32>, vector<16xf32>, vector<16xf32>, vector<16xf32>, vector<16xf32>, vector<16xf32>, vector<16xf32>, vector<16xf32>, vector<16xf32>, vector<16xf32>, vector<16xf32>, vector<16xf32>, vector<16xf32>, vector<16xf32>, vector<16xf32>, vector<16xf32>, vector<16xf32>, vector<16xf32>, vector<16xf32>, vector<16xf32>, vector<16xf32>, vector<16xf32>, vector<16xf32>, vector<16xf32>, vector<16xf32>, vector<16xf32>, vector<16xf32>, vector<16xf32>)  : i32 {
      %mul3A_584 = arith.constant 64 : i32
      %mul3A_585 = arith.muli %while3A_551, %mul3A_584 : i32
      %add3A_586 = arith.addi %scan3A_14#0, %mul3A_585 : i32
      %min3A = arith.constant 9936 : i32
      %min3A_587 = arith.minsi %add3A_586, %min3A : i32
      %sub3A_588 = arith.subi %add3A_586, %min3A_587 : i32
      %sub3A_589 = arith.subi %scan3A_24#0, %add3A_586 : i32
      %min3A_590 = arith.constant 64 : i32
      %min3A_591 = arith.minsi %min3A_590, %sub3A_589 : i32
      %add3A_592 = arith.addi %sub3A_588, %min3A_591 : i32
      %mul3A_593 = arith.constant 256 : i32
      %mul3A_594 = arith.muli %min3A_587, %mul3A_593 : i32
      "tpu.region"() ({
        %run_scoped3A = tpu.sem_alloc : memref<!tpu.dma_semaphore, #tpu.memory_space<semaphore_mem>>
        %dma_start3A = tpu.memref_slice %arg2[%mul3A_594] : memref<2560000xf32, #tpu.memory_space<hbm>> -> memref<16384xf32, #tpu.memory_space<hbm>>
        %dma_start3A_605 = tpu.memref_slice %arg2[%mul3A_594] : memref<2560000xf32, #tpu.memory_space<hbm>> -> memref<16384xf32, #tpu.memory_space<hbm>>
        tpu.enqueue_dma source(%dma_start3A_605 : memref<16384xf32, #tpu.memory_space<hbm>>) target(%arg6 : memref<16384xf32, #tpu.memory_space<vmem>>) target_semaphore(%run_scoped3A : memref<!tpu.dma_semaphore, #tpu.memory_space<semaphore_mem>>)
        %dma_wait3A = tpu.memref_slice %arg2[%mul3A_594] : memref<2560000xf32, #tpu.memory_space<hbm>> -> memref<16384xf32, #tpu.memory_space<hbm>>
        %dma_wait3A_606 = tpu.memref_slice %arg2[%mul3A_594] : memref<2560000xf32, #tpu.memory_space<hbm>> -> memref<16384xf32, #tpu.memory_space<hbm>>
        tpu.wait_dma2 semaphore(%run_scoped3A : memref<!tpu.dma_semaphore, #tpu.memory_space<semaphore_mem>>) src(%dma_wait3A_606 : memref<16384xf32, #tpu.memory_space<hbm>>) dst(%arg6 : memref<16384xf32, #tpu.memory_space<vmem>>)
        tpu.yield
      }) : () -> ()
      %while3A_595 = arith.subi %add3A_592, %sub3A_588 : i32
      %while3A_596 = arith.addi %sub3A_588, %while3A_595 : i32
      %while3A_597 = arith.constant 1 : i32
      %while3A_598 = arith.divsi %while3A_595, %while3A_597 : i32
      %while3A_599 = arith.muli %while3A_598, %while3A_597 : i32
      %while3A_600 = arith.addi %sub3A_588, %while3A_599 : i32
      %while3A_601 = arith.constant 1 : i32
      %while3A_602:32 = scf.for %while3A_605 = %sub3A_588 to %while3A_600 step %while3A_601 iter_args(%while3A_606 = %while3A_552, %while3A_607 = %while3A_553, %while3A_608 = %while3A_554, %while3A_609 = %while3A_555, %while3A_610 = %while3A_556, %while3A_611 = %while3A_557, %while3A_612 = %while3A_558, %while3A_613 = %while3A_559, %while3A_614 = %while3A_560, %while3A_615 = %while3A_561, %while3A_616 = %while3A_562, %while3A_617 = %while3A_563, %while3A_618 = %while3A_564, %while3A_619 = %while3A_565, %while3A_620 = %while3A_566, %while3A_621 = %while3A_567, %while3A_622 = %while3A_568, %while3A_623 = %while3A_569, %while3A_624 = %while3A_570, %while3A_625 = %while3A_571, %while3A_626 = %while3A_572, %while3A_627 = %while3A_573, %while3A_628 = %while3A_574, %while3A_629 = %while3A_575, %while3A_630 = %while3A_576, %while3A_631 = %while3A_577, %while3A_632 = %while3A_578, %while3A_633 = %while3A_579, %while3A_634 = %while3A_580, %while3A_635 = %while3A_581, %while3A_636 = %while3A_582, %while3A_637 = %while3A_583) -> (vector<16xf32>, vector<16xf32>, vector<16xf32>, vector<16xf32>, vector<16xf32>, vector<16xf32>, vector<16xf32>, vector<16xf32>, vector<16xf32>, vector<16xf32>, vector<16xf32>, vector<16xf32>, vector<16xf32>, vector<16xf32>, vector<16xf32>, vector<16xf32>, vector<16xf32>, vector<16xf32>, vector<16xf32>, vector<16xf32>, vector<16xf32>, vector<16xf32>, vector<16xf32>, vector<16xf32>, vector<16xf32>, vector<16xf32>, vector<16xf32>, vector<16xf32>, vector<16xf32>, vector<16xf32>, vector<16xf32>, vector<16xf32>)  : i32 {
        %mul3A_638 = arith.constant 256 : i32
        %mul3A_639 = arith.muli %while3A_605, %mul3A_638 : i32
        %add3A_640 = arith.constant 0 : i32
        %add3A_641 = arith.addi %mul3A_639, %add3A_640 : i32
        %get3A = arith.index_cast %add3A_641 : i32 to index
        %get3A_642 = tpu.vector_load %arg6[%get3A] {strides = array<i32>} : memref<16384xf32, #tpu.memory_space<vmem>>, vector<16xf32>,
        %get3A_643 = vector.shape_cast %get3A_642 : vector<16xf32> to vector<16xf32>
        %add3A_644 = arith.addf %while3A_606, %get3A_643 : vector<16xf32>
        %max3A_645 = arith.maximumf %while3A_622, %get3A_643 : vector<16xf32>
        %mul3A_646 = arith.constant 256 : i32
        %mul3A_647 = arith.muli %while3A_605, %mul3A_646 : i32
        %add3A_648 = arith.constant 16 : i32
        %add3A_649 = arith.addi %mul3A_647, %add3A_648 : i32
        %get3A_650 = arith.index_cast %add3A_649 : i32 to index
        %get3A_651 = tpu.vector_load %arg6[%get3A_650] {strides = array<i32>} : memref<16384xf32, #tpu.memory_space<vmem>>, vector<16xf32>,
        %get3A_652 = vector.shape_cast %get3A_651 : vector<16xf32> to vector<16xf32>
        %add3A_653 = arith.addf %while3A_607, %get3A_652 : vector<16xf32>
        %max3A_654 = arith.maximumf %while3A_623, %get3A_652 : vector<16xf32>
        %mul3A_655 = arith.constant 256 : i32
        %mul3A_656 = arith.muli %while3A_605, %mul3A_655 : i32
        %add3A_657 = arith.constant 32 : i32
        %add3A_658 = arith.addi %mul3A_656, %add3A_657 : i32
        %get3A_659 = arith.index_cast %add3A_658 : i32 to index
        %get3A_660 = tpu.vector_load %arg6[%get3A_659] {strides = array<i32>} : memref<16384xf32, #tpu.memory_space<vmem>>, vector<16xf32>,
        %get3A_661 = vector.shape_cast %get3A_660 : vector<16xf32> to vector<16xf32>
        %add3A_662 = arith.addf %while3A_608, %get3A_661 : vector<16xf32>
        %max3A_663 = arith.maximumf %while3A_624, %get3A_661 : vector<16xf32>
        %mul3A_664 = arith.constant 256 : i32
        %mul3A_665 = arith.muli %while3A_605, %mul3A_664 : i32
        %add3A_666 = arith.constant 48 : i32
        %add3A_667 = arith.addi %mul3A_665, %add3A_666 : i32
        %get3A_668 = arith.index_cast %add3A_667 : i32 to index
        %get3A_669 = tpu.vector_load %arg6[%get3A_668] {strides = array<i32>} : memref<16384xf32, #tpu.memory_space<vmem>>, vector<16xf32>,
        %get3A_670 = vector.shape_cast %get3A_669 : vector<16xf32> to vector<16xf32>
        %add3A_671 = arith.addf %while3A_609, %get3A_670 : vector<16xf32>
        %max3A_672 = arith.maximumf %while3A_625, %get3A_670 : vector<16xf32>
        %mul3A_673 = arith.constant 256 : i32
        %mul3A_674 = arith.muli %while3A_605, %mul3A_673 : i32
        %add3A_675 = arith.constant 64 : i32
        %add3A_676 = arith.addi %mul3A_674, %add3A_675 : i32
        %get3A_677 = arith.index_cast %add3A_676 : i32 to index
        %get3A_678 = tpu.vector_load %arg6[%get3A_677] {strides = array<i32>} : memref<16384xf32, #tpu.memory_space<vmem>>, vector<16xf32>,
        %get3A_679 = vector.shape_cast %get3A_678 : vector<16xf32> to vector<16xf32>
        %add3A_680 = arith.addf %while3A_610, %get3A_679 : vector<16xf32>
        %max3A_681 = arith.maximumf %while3A_626, %get3A_679 : vector<16xf32>
        %mul3A_682 = arith.constant 256 : i32
        %mul3A_683 = arith.muli %while3A_605, %mul3A_682 : i32
        %add3A_684 = arith.constant 80 : i32
        %add3A_685 = arith.addi %mul3A_683, %add3A_684 : i32
        %get3A_686 = arith.index_cast %add3A_685 : i32 to index
        %get3A_687 = tpu.vector_load %arg6[%get3A_686] {strides = array<i32>} : memref<16384xf32, #tpu.memory_space<vmem>>, vector<16xf32>,
        %get3A_688 = vector.shape_cast %get3A_687 : vector<16xf32> to vector<16xf32>
        %add3A_689 = arith.addf %while3A_611, %get3A_688 : vector<16xf32>
        %max3A_690 = arith.maximumf %while3A_627, %get3A_688 : vector<16xf32>
        %mul3A_691 = arith.constant 256 : i32
        %mul3A_692 = arith.muli %while3A_605, %mul3A_691 : i32
        %add3A_693 = arith.constant 96 : i32
        %add3A_694 = arith.addi %mul3A_692, %add3A_693 : i32
        %get3A_695 = arith.index_cast %add3A_694 : i32 to index
        %get3A_696 = tpu.vector_load %arg6[%get3A_695] {strides = array<i32>} : memref<16384xf32, #tpu.memory_space<vmem>>, vector<16xf32>,
        %get3A_697 = vector.shape_cast %get3A_696 : vector<16xf32> to vector<16xf32>
        %add3A_698 = arith.addf %while3A_612, %get3A_697 : vector<16xf32>
        %max3A_699 = arith.maximumf %while3A_628, %get3A_697 : vector<16xf32>
        %mul3A_700 = arith.constant 256 : i32
        %mul3A_701 = arith.muli %while3A_605, %mul3A_700 : i32
        %add3A_702 = arith.constant 112 : i32
        %add3A_703 = arith.addi %mul3A_701, %add3A_702 : i32
        %get3A_704 = arith.index_cast %add3A_703 : i32 to index
        %get3A_705 = tpu.vector_load %arg6[%get3A_704] {strides = array<i32>} : memref<16384xf32, #tpu.memory_space<vmem>>, vector<16xf32>,
        %get3A_706 = vector.shape_cast %get3A_705 : vector<16xf32> to vector<16xf32>
        %add3A_707 = arith.addf %while3A_613, %get3A_706 : vector<16xf32>
        %max3A_708 = arith.maximumf %while3A_629, %get3A_706 : vector<16xf32>
        %mul3A_709 = arith.constant 256 : i32
        %mul3A_710 = arith.muli %while3A_605, %mul3A_709 : i32
        %add3A_711 = arith.constant 128 : i32
        %add3A_712 = arith.addi %mul3A_710, %add3A_711 : i32
        %get3A_713 = arith.index_cast %add3A_712 : i32 to index
        %get3A_714 = tpu.vector_load %arg6[%get3A_713] {strides = array<i32>} : memref<16384xf32, #tpu.memory_space<vmem>>, vector<16xf32>,
        %get3A_715 = vector.shape_cast %get3A_714 : vector<16xf32> to vector<16xf32>
        %add3A_716 = arith.addf %while3A_614, %get3A_715 : vector<16xf32>
        %max3A_717 = arith.maximumf %while3A_630, %get3A_715 : vector<16xf32>
        %mul3A_718 = arith.constant 256 : i32
        %mul3A_719 = arith.muli %while3A_605, %mul3A_718 : i32
        %add3A_720 = arith.constant 144 : i32
        %add3A_721 = arith.addi %mul3A_719, %add3A_720 : i32
        %get3A_722 = arith.index_cast %add3A_721 : i32 to index
        %get3A_723 = tpu.vector_load %arg6[%get3A_722] {strides = array<i32>} : memref<16384xf32, #tpu.memory_space<vmem>>, vector<16xf32>,
        %get3A_724 = vector.shape_cast %get3A_723 : vector<16xf32> to vector<16xf32>
        %add3A_725 = arith.addf %while3A_615, %get3A_724 : vector<16xf32>
        %max3A_726 = arith.maximumf %while3A_631, %get3A_724 : vector<16xf32>
        %mul3A_727 = arith.constant 256 : i32
        %mul3A_728 = arith.muli %while3A_605, %mul3A_727 : i32
        %add3A_729 = arith.constant 160 : i32
        %add3A_730 = arith.addi %mul3A_728, %add3A_729 : i32
        %get3A_731 = arith.index_cast %add3A_730 : i32 to index
        %get3A_732 = tpu.vector_load %arg6[%get3A_731] {strides = array<i32>} : memref<16384xf32, #tpu.memory_space<vmem>>, vector<16xf32>,
        %get3A_733 = vector.shape_cast %get3A_732 : vector<16xf32> to vector<16xf32>
        %add3A_734 = arith.addf %while3A_616, %get3A_733 : vector<16xf32>
        %max3A_735 = arith.maximumf %while3A_632, %get3A_733 : vector<16xf32>
        %mul3A_736 = arith.constant 256 : i32
        %mul3A_737 = arith.muli %while3A_605, %mul3A_736 : i32
        %add3A_738 = arith.constant 176 : i32
        %add3A_739 = arith.addi %mul3A_737, %add3A_738 : i32
        %get3A_740 = arith.index_cast %add3A_739 : i32 to index
        %get3A_741 = tpu.vector_load %arg6[%get3A_740] {strides = array<i32>} : memref<16384xf32, #tpu.memory_space<vmem>>, vector<16xf32>,
        %get3A_742 = vector.shape_cast %get3A_741 : vector<16xf32> to vector<16xf32>
        %add3A_743 = arith.addf %while3A_617, %get3A_742 : vector<16xf32>
        %max3A_744 = arith.maximumf %while3A_633, %get3A_742 : vector<16xf32>
        %mul3A_745 = arith.constant 256 : i32
        %mul3A_746 = arith.muli %while3A_605, %mul3A_745 : i32
        %add3A_747 = arith.constant 192 : i32
        %add3A_748 = arith.addi %mul3A_746, %add3A_747 : i32
        %get3A_749 = arith.index_cast %add3A_748 : i32 to index
        %get3A_750 = tpu.vector_load %arg6[%get3A_749] {strides = array<i32>} : memref<16384xf32, #tpu.memory_space<vmem>>, vector<16xf32>,
        %get3A_751 = vector.shape_cast %get3A_750 : vector<16xf32> to vector<16xf32>
        %add3A_752 = arith.addf %while3A_618, %get3A_751 : vector<16xf32>
        %max3A_753 = arith.maximumf %while3A_634, %get3A_751 : vector<16xf32>
        %mul3A_754 = arith.constant 256 : i32
        %mul3A_755 = arith.muli %while3A_605, %mul3A_754 : i32
        %add3A_756 = arith.constant 208 : i32
        %add3A_757 = arith.addi %mul3A_755, %add3A_756 : i32
        %get3A_758 = arith.index_cast %add3A_757 : i32 to index
        %get3A_759 = tpu.vector_load %arg6[%get3A_758] {strides = array<i32>} : memref<16384xf32, #tpu.memory_space<vmem>>, vector<16xf32>,
        %get3A_760 = vector.shape_cast %get3A_759 : vector<16xf32> to vector<16xf32>
        %add3A_761 = arith.addf %while3A_619, %get3A_760 : vector<16xf32>
        %max3A_762 = arith.maximumf %while3A_635, %get3A_760 : vector<16xf32>
        %mul3A_763 = arith.constant 256 : i32
        %mul3A_764 = arith.muli %while3A_605, %mul3A_763 : i32
        %add3A_765 = arith.constant 224 : i32
        %add3A_766 = arith.addi %mul3A_764, %add3A_765 : i32
        %get3A_767 = arith.index_cast %add3A_766 : i32 to index
        %get3A_768 = tpu.vector_load %arg6[%get3A_767] {strides = array<i32>} : memref<16384xf32, #tpu.memory_space<vmem>>, vector<16xf32>,
        %get3A_769 = vector.shape_cast %get3A_768 : vector<16xf32> to vector<16xf32>
        %add3A_770 = arith.addf %while3A_620, %get3A_769 : vector<16xf32>
        %max3A_771 = arith.maximumf %while3A_636, %get3A_769 : vector<16xf32>
        %mul3A_772 = arith.constant 256 : i32
        %mul3A_773 = arith.muli %while3A_605, %mul3A_772 : i32
        %add3A_774 = arith.constant 240 : i32
        %add3A_775 = arith.addi %mul3A_773, %add3A_774 : i32
        %get3A_776 = arith.index_cast %add3A_775 : i32 to index
        %get3A_777 = tpu.vector_load %arg6[%get3A_776] {strides = array<i32>} : memref<16384xf32, #tpu.memory_space<vmem>>, vector<16xf32>,
        %get3A_778 = vector.shape_cast %get3A_777 : vector<16xf32> to vector<16xf32>
        %add3A_779 = arith.addf %while3A_621, %get3A_778 : vector<16xf32>
        %max3A_780 = arith.maximumf %while3A_637, %get3A_778 : vector<16xf32>
        scf.yield %add3A_644, %add3A_653, %add3A_662, %add3A_671, %add3A_680, %add3A_689, %add3A_698, %add3A_707, %add3A_716, %add3A_725, %add3A_734, %add3A_743, %add3A_752, %add3A_761, %add3A_770, %add3A_779, %max3A_645, %max3A_654, %max3A_663, %max3A_672, %max3A_681, %max3A_690, %max3A_699, %max3A_708, %max3A_717, %max3A_726, %max3A_735, %max3A_744, %max3A_753, %max3A_762, %max3A_771, %max3A_780 : vector<16xf32>, vector<16xf32>, vector<16xf32>, vector<16xf32>, vector<16xf32>, vector<16xf32>, vector<16xf32>, vector<16xf32>, vector<16xf32>, vector<16xf32>, vector<16xf32>, vector<16xf32>, vector<16xf32>, vector<16xf32>, vector<16xf32>, vector<16xf32>, vector<16xf32>, vector<16xf32>, vector<16xf32>, vector<16xf32>, vector<16xf32>, vector<16xf32>, vector<16xf32>, vector<16xf32>, vector<16xf32>, vector<16xf32>, vector<16xf32>, vector<16xf32>, vector<16xf32>, vector<16xf32>, vector<16xf32>, vector<16xf32>
      }
      %while3A_603 = arith.constant 1 : i32
      %while3A_604:32 = scf.for %while3A_605 = %while3A_600 to %while3A_596 step %while3A_603 iter_args(%while3A_606 = %while3A_602#0, %while3A_607 = %while3A_602#1, %while3A_608 = %while3A_602#2, %while3A_609 = %while3A_602#3, %while3A_610 = %while3A_602#4, %while3A_611 = %while3A_602#5, %while3A_612 = %while3A_602#6, %while3A_613 = %while3A_602#7, %while3A_614 = %while3A_602#8, %while3A_615 = %while3A_602#9, %while3A_616 = %while3A_602#10, %while3A_617 = %while3A_602#11, %while3A_618 = %while3A_602#12, %while3A_619 = %while3A_602#13, %while3A_620 = %while3A_602#14, %while3A_621 = %while3A_602#15, %while3A_622 = %while3A_602#16, %while3A_623 = %while3A_602#17, %while3A_624 = %while3A_602#18, %while3A_625 = %while3A_602#19, %while3A_626 = %while3A_602#20, %while3A_627 = %while3A_602#21, %while3A_628 = %while3A_602#22, %while3A_629 = %while3A_602#23, %while3A_630 = %while3A_602#24, %while3A_631 = %while3A_602#25, %while3A_632 = %while3A_602#26, %while3A_633 = %while3A_602#27, %while3A_634 = %while3A_602#28, %while3A_635 = %while3A_602#29, %while3A_636 = %while3A_602#30, %while3A_637 = %while3A_602#31) -> (vector<16xf32>, vector<16xf32>, vector<16xf32>, vector<16xf32>, vector<16xf32>, vector<16xf32>, vector<16xf32>, vector<16xf32>, vector<16xf32>, vector<16xf32>, vector<16xf32>, vector<16xf32>, vector<16xf32>, vector<16xf32>, vector<16xf32>, vector<16xf32>, vector<16xf32>, vector<16xf32>, vector<16xf32>, vector<16xf32>, vector<16xf32>, vector<16xf32>, vector<16xf32>, vector<16xf32>, vector<16xf32>, vector<16xf32>, vector<16xf32>, vector<16xf32>, vector<16xf32>, vector<16xf32>, vector<16xf32>, vector<16xf32>)  : i32 {
        %mul3A_638 = arith.constant 256 : i32
        %mul3A_639 = arith.muli %while3A_605, %mul3A_638 : i32
        %add3A_640 = arith.constant 0 : i32
        %add3A_641 = arith.addi %mul3A_639, %add3A_640 : i32
        %get3A = arith.index_cast %add3A_641 : i32 to index
        %get3A_642 = tpu.vector_load %arg6[%get3A] {strides = array<i32>} : memref<16384xf32, #tpu.memory_space<vmem>>, vector<16xf32>,
        %get3A_643 = vector.shape_cast %get3A_642 : vector<16xf32> to vector<16xf32>
        %add3A_644 = arith.addf %while3A_606, %get3A_643 : vector<16xf32>
        %max3A_645 = arith.maximumf %while3A_622, %get3A_643 : vector<16xf32>
        %mul3A_646 = arith.constant 256 : i32
        %mul3A_647 = arith.muli %while3A_605, %mul3A_646 : i32
        %add3A_648 = arith.constant 16 : i32
        %add3A_649 = arith.addi %mul3A_647, %add3A_648 : i32
        %get3A_650 = arith.index_cast %add3A_649 : i32 to index
        %get3A_651 = tpu.vector_load %arg6[%get3A_650] {strides = array<i32>} : memref<16384xf32, #tpu.memory_space<vmem>>, vector<16xf32>,
        %get3A_652 = vector.shape_cast %get3A_651 : vector<16xf32> to vector<16xf32>
        %add3A_653 = arith.addf %while3A_607, %get3A_652 : vector<16xf32>
        %max3A_654 = arith.maximumf %while3A_623, %get3A_652 : vector<16xf32>
        %mul3A_655 = arith.constant 256 : i32
        %mul3A_656 = arith.muli %while3A_605, %mul3A_655 : i32
        %add3A_657 = arith.constant 32 : i32
        %add3A_658 = arith.addi %mul3A_656, %add3A_657 : i32
        %get3A_659 = arith.index_cast %add3A_658 : i32 to index
        %get3A_660 = tpu.vector_load %arg6[%get3A_659] {strides = array<i32>} : memref<16384xf32, #tpu.memory_space<vmem>>, vector<16xf32>,
        %get3A_661 = vector.shape_cast %get3A_660 : vector<16xf32> to vector<16xf32>
        %add3A_662 = arith.addf %while3A_608, %get3A_661 : vector<16xf32>
        %max3A_663 = arith.maximumf %while3A_624, %get3A_661 : vector<16xf32>
        %mul3A_664 = arith.constant 256 : i32
        %mul3A_665 = arith.muli %while3A_605, %mul3A_664 : i32
        %add3A_666 = arith.constant 48 : i32
        %add3A_667 = arith.addi %mul3A_665, %add3A_666 : i32
        %get3A_668 = arith.index_cast %add3A_667 : i32 to index
        %get3A_669 = tpu.vector_load %arg6[%get3A_668] {strides = array<i32>} : memref<16384xf32, #tpu.memory_space<vmem>>, vector<16xf32>,
        %get3A_670 = vector.shape_cast %get3A_669 : vector<16xf32> to vector<16xf32>
        %add3A_671 = arith.addf %while3A_609, %get3A_670 : vector<16xf32>
        %max3A_672 = arith.maximumf %while3A_625, %get3A_670 : vector<16xf32>
        %mul3A_673 = arith.constant 256 : i32
        %mul3A_674 = arith.muli %while3A_605, %mul3A_673 : i32
        %add3A_675 = arith.constant 64 : i32
        %add3A_676 = arith.addi %mul3A_674, %add3A_675 : i32
        %get3A_677 = arith.index_cast %add3A_676 : i32 to index
        %get3A_678 = tpu.vector_load %arg6[%get3A_677] {strides = array<i32>} : memref<16384xf32, #tpu.memory_space<vmem>>, vector<16xf32>,
        %get3A_679 = vector.shape_cast %get3A_678 : vector<16xf32> to vector<16xf32>
        %add3A_680 = arith.addf %while3A_610, %get3A_679 : vector<16xf32>
        %max3A_681 = arith.maximumf %while3A_626, %get3A_679 : vector<16xf32>
        %mul3A_682 = arith.constant 256 : i32
        %mul3A_683 = arith.muli %while3A_605, %mul3A_682 : i32
        %add3A_684 = arith.constant 80 : i32
        %add3A_685 = arith.addi %mul3A_683, %add3A_684 : i32
        %get3A_686 = arith.index_cast %add3A_685 : i32 to index
        %get3A_687 = tpu.vector_load %arg6[%get3A_686] {strides = array<i32>} : memref<16384xf32, #tpu.memory_space<vmem>>, vector<16xf32>,
        %get3A_688 = vector.shape_cast %get3A_687 : vector<16xf32> to vector<16xf32>
        %add3A_689 = arith.addf %while3A_611, %get3A_688 : vector<16xf32>
        %max3A_690 = arith.maximumf %while3A_627, %get3A_688 : vector<16xf32>
        %mul3A_691 = arith.constant 256 : i32
        %mul3A_692 = arith.muli %while3A_605, %mul3A_691 : i32
        %add3A_693 = arith.constant 96 : i32
        %add3A_694 = arith.addi %mul3A_692, %add3A_693 : i32
        %get3A_695 = arith.index_cast %add3A_694 : i32 to index
        %get3A_696 = tpu.vector_load %arg6[%get3A_695] {strides = array<i32>} : memref<16384xf32, #tpu.memory_space<vmem>>, vector<16xf32>,
        %get3A_697 = vector.shape_cast %get3A_696 : vector<16xf32> to vector<16xf32>
        %add3A_698 = arith.addf %while3A_612, %get3A_697 : vector<16xf32>
        %max3A_699 = arith.maximumf %while3A_628, %get3A_697 : vector<16xf32>
        %mul3A_700 = arith.constant 256 : i32
        %mul3A_701 = arith.muli %while3A_605, %mul3A_700 : i32
        %add3A_702 = arith.constant 112 : i32
        %add3A_703 = arith.addi %mul3A_701, %add3A_702 : i32
        %get3A_704 = arith.index_cast %add3A_703 : i32 to index
        %get3A_705 = tpu.vector_load %arg6[%get3A_704] {strides = array<i32>} : memref<16384xf32, #tpu.memory_space<vmem>>, vector<16xf32>,
        %get3A_706 = vector.shape_cast %get3A_705 : vector<16xf32> to vector<16xf32>
        %add3A_707 = arith.addf %while3A_613, %get3A_706 : vector<16xf32>
        %max3A_708 = arith.maximumf %while3A_629, %get3A_706 : vector<16xf32>
        %mul3A_709 = arith.constant 256 : i32
        %mul3A_710 = arith.muli %while3A_605, %mul3A_709 : i32
        %add3A_711 = arith.constant 128 : i32
        %add3A_712 = arith.addi %mul3A_710, %add3A_711 : i32
        %get3A_713 = arith.index_cast %add3A_712 : i32 to index
        %get3A_714 = tpu.vector_load %arg6[%get3A_713] {strides = array<i32>} : memref<16384xf32, #tpu.memory_space<vmem>>, vector<16xf32>,
        %get3A_715 = vector.shape_cast %get3A_714 : vector<16xf32> to vector<16xf32>
        %add3A_716 = arith.addf %while3A_614, %get3A_715 : vector<16xf32>
        %max3A_717 = arith.maximumf %while3A_630, %get3A_715 : vector<16xf32>
        %mul3A_718 = arith.constant 256 : i32
        %mul3A_719 = arith.muli %while3A_605, %mul3A_718 : i32
        %add3A_720 = arith.constant 144 : i32
        %add3A_721 = arith.addi %mul3A_719, %add3A_720 : i32
        %get3A_722 = arith.index_cast %add3A_721 : i32 to index
        %get3A_723 = tpu.vector_load %arg6[%get3A_722] {strides = array<i32>} : memref<16384xf32, #tpu.memory_space<vmem>>, vector<16xf32>,
        %get3A_724 = vector.shape_cast %get3A_723 : vector<16xf32> to vector<16xf32>
        %add3A_725 = arith.addf %while3A_615, %get3A_724 : vector<16xf32>
        %max3A_726 = arith.maximumf %while3A_631, %get3A_724 : vector<16xf32>
        %mul3A_727 = arith.constant 256 : i32
        %mul3A_728 = arith.muli %while3A_605, %mul3A_727 : i32
        %add3A_729 = arith.constant 160 : i32
        %add3A_730 = arith.addi %mul3A_728, %add3A_729 : i32
        %get3A_731 = arith.index_cast %add3A_730 : i32 to index
        %get3A_732 = tpu.vector_load %arg6[%get3A_731] {strides = array<i32>} : memref<16384xf32, #tpu.memory_space<vmem>>, vector<16xf32>,
        %get3A_733 = vector.shape_cast %get3A_732 : vector<16xf32> to vector<16xf32>
        %add3A_734 = arith.addf %while3A_616, %get3A_733 : vector<16xf32>
        %max3A_735 = arith.maximumf %while3A_632, %get3A_733 : vector<16xf32>
        %mul3A_736 = arith.constant 256 : i32
        %mul3A_737 = arith.muli %while3A_605, %mul3A_736 : i32
        %add3A_738 = arith.constant 176 : i32
        %add3A_739 = arith.addi %mul3A_737, %add3A_738 : i32
        %get3A_740 = arith.index_cast %add3A_739 : i32 to index
        %get3A_741 = tpu.vector_load %arg6[%get3A_740] {strides = array<i32>} : memref<16384xf32, #tpu.memory_space<vmem>>, vector<16xf32>,
        %get3A_742 = vector.shape_cast %get3A_741 : vector<16xf32> to vector<16xf32>
        %add3A_743 = arith.addf %while3A_617, %get3A_742 : vector<16xf32>
        %max3A_744 = arith.maximumf %while3A_633, %get3A_742 : vector<16xf32>
        %mul3A_745 = arith.constant 256 : i32
        %mul3A_746 = arith.muli %while3A_605, %mul3A_745 : i32
        %add3A_747 = arith.constant 192 : i32
        %add3A_748 = arith.addi %mul3A_746, %add3A_747 : i32
        %get3A_749 = arith.index_cast %add3A_748 : i32 to index
        %get3A_750 = tpu.vector_load %arg6[%get3A_749] {strides = array<i32>} : memref<16384xf32, #tpu.memory_space<vmem>>, vector<16xf32>,
        %get3A_751 = vector.shape_cast %get3A_750 : vector<16xf32> to vector<16xf32>
        %add3A_752 = arith.addf %while3A_618, %get3A_751 : vector<16xf32>
        %max3A_753 = arith.maximumf %while3A_634, %get3A_751 : vector<16xf32>
        %mul3A_754 = arith.constant 256 : i32
        %mul3A_755 = arith.muli %while3A_605, %mul3A_754 : i32
        %add3A_756 = arith.constant 208 : i32
        %add3A_757 = arith.addi %mul3A_755, %add3A_756 : i32
        %get3A_758 = arith.index_cast %add3A_757 : i32 to index
        %get3A_759 = tpu.vector_load %arg6[%get3A_758] {strides = array<i32>} : memref<16384xf32, #tpu.memory_space<vmem>>, vector<16xf32>,
        %get3A_760 = vector.shape_cast %get3A_759 : vector<16xf32> to vector<16xf32>
        %add3A_761 = arith.addf %while3A_619, %get3A_760 : vector<16xf32>
        %max3A_762 = arith.maximumf %while3A_635, %get3A_760 : vector<16xf32>
        %mul3A_763 = arith.constant 256 : i32
        %mul3A_764 = arith.muli %while3A_605, %mul3A_763 : i32
        %add3A_765 = arith.constant 224 : i32
        %add3A_766 = arith.addi %mul3A_764, %add3A_765 : i32
        %get3A_767 = arith.index_cast %add3A_766 : i32 to index
        %get3A_768 = tpu.vector_load %arg6[%get3A_767] {strides = array<i32>} : memref<16384xf32, #tpu.memory_space<vmem>>, vector<16xf32>,
        %get3A_769 = vector.shape_cast %get3A_768 : vector<16xf32> to vector<16xf32>
        %add3A_770 = arith.addf %while3A_620, %get3A_769 : vector<16xf32>
        %max3A_771 = arith.maximumf %while3A_636, %get3A_769 : vector<16xf32>
        %mul3A_772 = arith.constant 256 : i32
        %mul3A_773 = arith.muli %while3A_605, %mul3A_772 : i32
        %add3A_774 = arith.constant 240 : i32
        %add3A_775 = arith.addi %mul3A_773, %add3A_774 : i32
        %get3A_776 = arith.index_cast %add3A_775 : i32 to index
        %get3A_777 = tpu.vector_load %arg6[%get3A_776] {strides = array<i32>} : memref<16384xf32, #tpu.memory_space<vmem>>, vector<16xf32>,
        %get3A_778 = vector.shape_cast %get3A_777 : vector<16xf32> to vector<16xf32>
        %add3A_779 = arith.addf %while3A_621, %get3A_778 : vector<16xf32>
        %max3A_780 = arith.maximumf %while3A_637, %get3A_778 : vector<16xf32>
        scf.yield %add3A_644, %add3A_653, %add3A_662, %add3A_671, %add3A_680, %add3A_689, %add3A_698, %add3A_707, %add3A_716, %add3A_725, %add3A_734, %add3A_743, %add3A_752, %add3A_761, %add3A_770, %add3A_779, %max3A_645, %max3A_654, %max3A_663, %max3A_672, %max3A_681, %max3A_690, %max3A_699, %max3A_708, %max3A_717, %max3A_726, %max3A_735, %max3A_744, %max3A_753, %max3A_762, %max3A_771, %max3A_780 : vector<16xf32>, vector<16xf32>, vector<16xf32>, vector<16xf32>, vector<16xf32>, vector<16xf32>, vector<16xf32>, vector<16xf32>, vector<16xf32>, vector<16xf32>, vector<16xf32>, vector<16xf32>, vector<16xf32>, vector<16xf32>, vector<16xf32>, vector<16xf32>, vector<16xf32>, vector<16xf32>, vector<16xf32>, vector<16xf32>, vector<16xf32>, vector<16xf32>, vector<16xf32>, vector<16xf32>, vector<16xf32>, vector<16xf32>, vector<16xf32>, vector<16xf32>, vector<16xf32>, vector<16xf32>, vector<16xf32>, vector<16xf32>
      }
      scf.yield %while3A_604#0, %while3A_604#1, %while3A_604#2, %while3A_604#3, %while3A_604#4, %while3A_604#5, %while3A_604#6, %while3A_604#7, %while3A_604#8, %while3A_604#9, %while3A_604#10, %while3A_604#11, %while3A_604#12, %while3A_604#13, %while3A_604#14, %while3A_604#15, %while3A_604#16, %while3A_604#17, %while3A_604#18, %while3A_604#19, %while3A_604#20, %while3A_604#21, %while3A_604#22, %while3A_604#23, %while3A_604#24, %while3A_604#25, %while3A_604#26, %while3A_604#27, %while3A_604#28, %while3A_604#29, %while3A_604#30, %while3A_604#31 : vector<16xf32>, vector<16xf32>, vector<16xf32>, vector<16xf32>, vector<16xf32>, vector<16xf32>, vector<16xf32>, vector<16xf32>, vector<16xf32>, vector<16xf32>, vector<16xf32>, vector<16xf32>, vector<16xf32>, vector<16xf32>, vector<16xf32>, vector<16xf32>, vector<16xf32>, vector<16xf32>, vector<16xf32>, vector<16xf32>, vector<16xf32>, vector<16xf32>, vector<16xf32>, vector<16xf32>, vector<16xf32>, vector<16xf32>, vector<16xf32>, vector<16xf32>, vector<16xf32>, vector<16xf32>, vector<16xf32>, vector<16xf32>
    }
    %while3A_69 = arith.constant 1 : i32
    %while3A_70:32 = scf.for %while3A_551 = %while3A_66 to %while3A_62 step %while3A_69 iter_args(%while3A_552 = %while3A_68#0, %while3A_553 = %while3A_68#1, %while3A_554 = %while3A_68#2, %while3A_555 = %while3A_68#3, %while3A_556 = %while3A_68#4, %while3A_557 = %while3A_68#5, %while3A_558 = %while3A_68#6, %while3A_559 = %while3A_68#7, %while3A_560 = %while3A_68#8, %while3A_561 = %while3A_68#9, %while3A_562 = %while3A_68#10, %while3A_563 = %while3A_68#11, %while3A_564 = %while3A_68#12, %while3A_565 = %while3A_68#13, %while3A_566 = %while3A_68#14, %while3A_567 = %while3A_68#15, %while3A_568 = %while3A_68#16, %while3A_569 = %while3A_68#17, %while3A_570 = %while3A_68#18, %while3A_571 = %while3A_68#19, %while3A_572 = %while3A_68#20, %while3A_573 = %while3A_68#21, %while3A_574 = %while3A_68#22, %while3A_575 = %while3A_68#23, %while3A_576 = %while3A_68#24, %while3A_577 = %while3A_68#25, %while3A_578 = %while3A_68#26, %while3A_579 = %while3A_68#27, %while3A_580 = %while3A_68#28, %while3A_581 = %while3A_68#29, %while3A_582 = %while3A_68#30, %while3A_583 = %while3A_68#31) -> (vector<16xf32>, vector<16xf32>, vector<16xf32>, vector<16xf32>, vector<16xf32>, vector<16xf32>, vector<16xf32>, vector<16xf32>, vector<16xf32>, vector<16xf32>, vector<16xf32>, vector<16xf32>, vector<16xf32>, vector<16xf32>, vector<16xf32>, vector<16xf32>, vector<16xf32>, vector<16xf32>, vector<16xf32>, vector<16xf32>, vector<16xf32>, vector<16xf32>, vector<16xf32>, vector<16xf32>, vector<16xf32>, vector<16xf32>, vector<16xf32>, vector<16xf32>, vector<16xf32>, vector<16xf32>, vector<16xf32>, vector<16xf32>)  : i32 {
      %mul3A_584 = arith.constant 64 : i32
      %mul3A_585 = arith.muli %while3A_551, %mul3A_584 : i32
      %add3A_586 = arith.addi %scan3A_14#0, %mul3A_585 : i32
      %min3A = arith.constant 9936 : i32
      %min3A_587 = arith.minsi %add3A_586, %min3A : i32
      %sub3A_588 = arith.subi %add3A_586, %min3A_587 : i32
      %sub3A_589 = arith.subi %scan3A_24#0, %add3A_586 : i32
      %min3A_590 = arith.constant 64 : i32
      %min3A_591 = arith.minsi %min3A_590, %sub3A_589 : i32
      %add3A_592 = arith.addi %sub3A_588, %min3A_591 : i32
      %mul3A_593 = arith.constant 256 : i32
      %mul3A_594 = arith.muli %min3A_587, %mul3A_593 : i32
      "tpu.region"() ({
        %run_scoped3A = tpu.sem_alloc : memref<!tpu.dma_semaphore, #tpu.memory_space<semaphore_mem>>
        %dma_start3A = tpu.memref_slice %arg2[%mul3A_594] : memref<2560000xf32, #tpu.memory_space<hbm>> -> memref<16384xf32, #tpu.memory_space<hbm>>
        %dma_start3A_605 = tpu.memref_slice %arg2[%mul3A_594] : memref<2560000xf32, #tpu.memory_space<hbm>> -> memref<16384xf32, #tpu.memory_space<hbm>>
        tpu.enqueue_dma source(%dma_start3A_605 : memref<16384xf32, #tpu.memory_space<hbm>>) target(%arg6 : memref<16384xf32, #tpu.memory_space<vmem>>) target_semaphore(%run_scoped3A : memref<!tpu.dma_semaphore, #tpu.memory_space<semaphore_mem>>)
        %dma_wait3A = tpu.memref_slice %arg2[%mul3A_594] : memref<2560000xf32, #tpu.memory_space<hbm>> -> memref<16384xf32, #tpu.memory_space<hbm>>
        %dma_wait3A_606 = tpu.memref_slice %arg2[%mul3A_594] : memref<2560000xf32, #tpu.memory_space<hbm>> -> memref<16384xf32, #tpu.memory_space<hbm>>
        tpu.wait_dma2 semaphore(%run_scoped3A : memref<!tpu.dma_semaphore, #tpu.memory_space<semaphore_mem>>) src(%dma_wait3A_606 : memref<16384xf32, #tpu.memory_space<hbm>>) dst(%arg6 : memref<16384xf32, #tpu.memory_space<vmem>>)
        tpu.yield
      }) : () -> ()
      %while3A_595 = arith.subi %add3A_592, %sub3A_588 : i32
      %while3A_596 = arith.addi %sub3A_588, %while3A_595 : i32
      %while3A_597 = arith.constant 1 : i32
      %while3A_598 = arith.divsi %while3A_595, %while3A_597 : i32
      %while3A_599 = arith.muli %while3A_598, %while3A_597 : i32
      %while3A_600 = arith.addi %sub3A_588, %while3A_599 : i32
      %while3A_601 = arith.constant 1 : i32
      %while3A_602:32 = scf.for %while3A_605 = %sub3A_588 to %while3A_600 step %while3A_601 iter_args(%while3A_606 = %while3A_552, %while3A_607 = %while3A_553, %while3A_608 = %while3A_554, %while3A_609 = %while3A_555, %while3A_610 = %while3A_556, %while3A_611 = %while3A_557, %while3A_612 = %while3A_558, %while3A_613 = %while3A_559, %while3A_614 = %while3A_560, %while3A_615 = %while3A_561, %while3A_616 = %while3A_562, %while3A_617 = %while3A_563, %while3A_618 = %while3A_564, %while3A_619 = %while3A_565, %while3A_620 = %while3A_566, %while3A_621 = %while3A_567, %while3A_622 = %while3A_568, %while3A_623 = %while3A_569, %while3A_624 = %while3A_570, %while3A_625 = %while3A_571, %while3A_626 = %while3A_572, %while3A_627 = %while3A_573, %while3A_628 = %while3A_574, %while3A_629 = %while3A_575, %while3A_630 = %while3A_576, %while3A_631 = %while3A_577, %while3A_632 = %while3A_578, %while3A_633 = %while3A_579, %while3A_634 = %while3A_580, %while3A_635 = %while3A_581, %while3A_636 = %while3A_582, %while3A_637 = %while3A_583) -> (vector<16xf32>, vector<16xf32>, vector<16xf32>, vector<16xf32>, vector<16xf32>, vector<16xf32>, vector<16xf32>, vector<16xf32>, vector<16xf32>, vector<16xf32>, vector<16xf32>, vector<16xf32>, vector<16xf32>, vector<16xf32>, vector<16xf32>, vector<16xf32>, vector<16xf32>, vector<16xf32>, vector<16xf32>, vector<16xf32>, vector<16xf32>, vector<16xf32>, vector<16xf32>, vector<16xf32>, vector<16xf32>, vector<16xf32>, vector<16xf32>, vector<16xf32>, vector<16xf32>, vector<16xf32>, vector<16xf32>, vector<16xf32>)  : i32 {
        %mul3A_638 = arith.constant 256 : i32
        %mul3A_639 = arith.muli %while3A_605, %mul3A_638 : i32
        %add3A_640 = arith.constant 0 : i32
        %add3A_641 = arith.addi %mul3A_639, %add3A_640 : i32
        %get3A = arith.index_cast %add3A_641 : i32 to index
        %get3A_642 = tpu.vector_load %arg6[%get3A] {strides = array<i32>} : memref<16384xf32, #tpu.memory_space<vmem>>, vector<16xf32>,
        %get3A_643 = vector.shape_cast %get3A_642 : vector<16xf32> to vector<16xf32>
        %add3A_644 = arith.addf %while3A_606, %get3A_643 : vector<16xf32>
        %max3A_645 = arith.maximumf %while3A_622, %get3A_643 : vector<16xf32>
        %mul3A_646 = arith.constant 256 : i32
        %mul3A_647 = arith.muli %while3A_605, %mul3A_646 : i32
        %add3A_648 = arith.constant 16 : i32
        %add3A_649 = arith.addi %mul3A_647, %add3A_648 : i32
        %get3A_650 = arith.index_cast %add3A_649 : i32 to index
        %get3A_651 = tpu.vector_load %arg6[%get3A_650] {strides = array<i32>} : memref<16384xf32, #tpu.memory_space<vmem>>, vector<16xf32>,
        %get3A_652 = vector.shape_cast %get3A_651 : vector<16xf32> to vector<16xf32>
        %add3A_653 = arith.addf %while3A_607, %get3A_652 : vector<16xf32>
        %max3A_654 = arith.maximumf %while3A_623, %get3A_652 : vector<16xf32>
        %mul3A_655 = arith.constant 256 : i32
        %mul3A_656 = arith.muli %while3A_605, %mul3A_655 : i32
        %add3A_657 = arith.constant 32 : i32
        %add3A_658 = arith.addi %mul3A_656, %add3A_657 : i32
        %get3A_659 = arith.index_cast %add3A_658 : i32 to index
        %get3A_660 = tpu.vector_load %arg6[%get3A_659] {strides = array<i32>} : memref<16384xf32, #tpu.memory_space<vmem>>, vector<16xf32>,
        %get3A_661 = vector.shape_cast %get3A_660 : vector<16xf32> to vector<16xf32>
        %add3A_662 = arith.addf %while3A_608, %get3A_661 : vector<16xf32>
        %max3A_663 = arith.maximumf %while3A_624, %get3A_661 : vector<16xf32>
        %mul3A_664 = arith.constant 256 : i32
        %mul3A_665 = arith.muli %while3A_605, %mul3A_664 : i32
        %add3A_666 = arith.constant 48 : i32
        %add3A_667 = arith.addi %mul3A_665, %add3A_666 : i32
        %get3A_668 = arith.index_cast %add3A_667 : i32 to index
        %get3A_669 = tpu.vector_load %arg6[%get3A_668] {strides = array<i32>} : memref<16384xf32, #tpu.memory_space<vmem>>, vector<16xf32>,
        %get3A_670 = vector.shape_cast %get3A_669 : vector<16xf32> to vector<16xf32>
        %add3A_671 = arith.addf %while3A_609, %get3A_670 : vector<16xf32>
        %max3A_672 = arith.maximumf %while3A_625, %get3A_670 : vector<16xf32>
        %mul3A_673 = arith.constant 256 : i32
        %mul3A_674 = arith.muli %while3A_605, %mul3A_673 : i32
        %add3A_675 = arith.constant 64 : i32
        %add3A_676 = arith.addi %mul3A_674, %add3A_675 : i32
        %get3A_677 = arith.index_cast %add3A_676 : i32 to index
        %get3A_678 = tpu.vector_load %arg6[%get3A_677] {strides = array<i32>} : memref<16384xf32, #tpu.memory_space<vmem>>, vector<16xf32>,
        %get3A_679 = vector.shape_cast %get3A_678 : vector<16xf32> to vector<16xf32>
        %add3A_680 = arith.addf %while3A_610, %get3A_679 : vector<16xf32>
        %max3A_681 = arith.maximumf %while3A_626, %get3A_679 : vector<16xf32>
        %mul3A_682 = arith.constant 256 : i32
        %mul3A_683 = arith.muli %while3A_605, %mul3A_682 : i32
        %add3A_684 = arith.constant 80 : i32
        %add3A_685 = arith.addi %mul3A_683, %add3A_684 : i32
        %get3A_686 = arith.index_cast %add3A_685 : i32 to index
        %get3A_687 = tpu.vector_load %arg6[%get3A_686] {strides = array<i32>} : memref<16384xf32, #tpu.memory_space<vmem>>, vector<16xf32>,
        %get3A_688 = vector.shape_cast %get3A_687 : vector<16xf32> to vector<16xf32>
        %add3A_689 = arith.addf %while3A_611, %get3A_688 : vector<16xf32>
        %max3A_690 = arith.maximumf %while3A_627, %get3A_688 : vector<16xf32>
        %mul3A_691 = arith.constant 256 : i32
        %mul3A_692 = arith.muli %while3A_605, %mul3A_691 : i32
        %add3A_693 = arith.constant 96 : i32
        %add3A_694 = arith.addi %mul3A_692, %add3A_693 : i32
        %get3A_695 = arith.index_cast %add3A_694 : i32 to index
        %get3A_696 = tpu.vector_load %arg6[%get3A_695] {strides = array<i32>} : memref<16384xf32, #tpu.memory_space<vmem>>, vector<16xf32>,
        %get3A_697 = vector.shape_cast %get3A_696 : vector<16xf32> to vector<16xf32>
        %add3A_698 = arith.addf %while3A_612, %get3A_697 : vector<16xf32>
        %max3A_699 = arith.maximumf %while3A_628, %get3A_697 : vector<16xf32>
        %mul3A_700 = arith.constant 256 : i32
        %mul3A_701 = arith.muli %while3A_605, %mul3A_700 : i32
        %add3A_702 = arith.constant 112 : i32
        %add3A_703 = arith.addi %mul3A_701, %add3A_702 : i32
        %get3A_704 = arith.index_cast %add3A_703 : i32 to index
        %get3A_705 = tpu.vector_load %arg6[%get3A_704] {strides = array<i32>} : memref<16384xf32, #tpu.memory_space<vmem>>, vector<16xf32>,
        %get3A_706 = vector.shape_cast %get3A_705 : vector<16xf32> to vector<16xf32>
        %add3A_707 = arith.addf %while3A_613, %get3A_706 : vector<16xf32>
        %max3A_708 = arith.maximumf %while3A_629, %get3A_706 : vector<16xf32>
        %mul3A_709 = arith.constant 256 : i32
        %mul3A_710 = arith.muli %while3A_605, %mul3A_709 : i32
        %add3A_711 = arith.constant 128 : i32
        %add3A_712 = arith.addi %mul3A_710, %add3A_711 : i32
        %get3A_713 = arith.index_cast %add3A_712 : i32 to index
        %get3A_714 = tpu.vector_load %arg6[%get3A_713] {strides = array<i32>} : memref<16384xf32, #tpu.memory_space<vmem>>, vector<16xf32>,
        %get3A_715 = vector.shape_cast %get3A_714 : vector<16xf32> to vector<16xf32>
        %add3A_716 = arith.addf %while3A_614, %get3A_715 : vector<16xf32>
        %max3A_717 = arith.maximumf %while3A_630, %get3A_715 : vector<16xf32>
        %mul3A_718 = arith.constant 256 : i32
        %mul3A_719 = arith.muli %while3A_605, %mul3A_718 : i32
        %add3A_720 = arith.constant 144 : i32
        %add3A_721 = arith.addi %mul3A_719, %add3A_720 : i32
        %get3A_722 = arith.index_cast %add3A_721 : i32 to index
        %get3A_723 = tpu.vector_load %arg6[%get3A_722] {strides = array<i32>} : memref<16384xf32, #tpu.memory_space<vmem>>, vector<16xf32>,
        %get3A_724 = vector.shape_cast %get3A_723 : vector<16xf32> to vector<16xf32>
        %add3A_725 = arith.addf %while3A_615, %get3A_724 : vector<16xf32>
        %max3A_726 = arith.maximumf %while3A_631, %get3A_724 : vector<16xf32>
        %mul3A_727 = arith.constant 256 : i32
        %mul3A_728 = arith.muli %while3A_605, %mul3A_727 : i32
        %add3A_729 = arith.constant 160 : i32
        %add3A_730 = arith.addi %mul3A_728, %add3A_729 : i32
        %get3A_731 = arith.index_cast %add3A_730 : i32 to index
        %get3A_732 = tpu.vector_load %arg6[%get3A_731] {strides = array<i32>} : memref<16384xf32, #tpu.memory_space<vmem>>, vector<16xf32>,
        %get3A_733 = vector.shape_cast %get3A_732 : vector<16xf32> to vector<16xf32>
        %add3A_734 = arith.addf %while3A_616, %get3A_733 : vector<16xf32>
        %max3A_735 = arith.maximumf %while3A_632, %get3A_733 : vector<16xf32>
        %mul3A_736 = arith.constant 256 : i32
        %mul3A_737 = arith.muli %while3A_605, %mul3A_736 : i32
        %add3A_738 = arith.constant 176 : i32
        %add3A_739 = arith.addi %mul3A_737, %add3A_738 : i32
        %get3A_740 = arith.index_cast %add3A_739 : i32 to index
        %get3A_741 = tpu.vector_load %arg6[%get3A_740] {strides = array<i32>} : memref<16384xf32, #tpu.memory_space<vmem>>, vector<16xf32>,
        %get3A_742 = vector.shape_cast %get3A_741 : vector<16xf32> to vector<16xf32>
        %add3A_743 = arith.addf %while3A_617, %get3A_742 : vector<16xf32>
        %max3A_744 = arith.maximumf %while3A_633, %get3A_742 : vector<16xf32>
        %mul3A_745 = arith.constant 256 : i32
        %mul3A_746 = arith.muli %while3A_605, %mul3A_745 : i32
        %add3A_747 = arith.constant 192 : i32
        %add3A_748 = arith.addi %mul3A_746, %add3A_747 : i32
        %get3A_749 = arith.index_cast %add3A_748 : i32 to index
        %get3A_750 = tpu.vector_load %arg6[%get3A_749] {strides = array<i32>} : memref<16384xf32, #tpu.memory_space<vmem>>, vector<16xf32>,
        %get3A_751 = vector.shape_cast %get3A_750 : vector<16xf32> to vector<16xf32>
        %add3A_752 = arith.addf %while3A_618, %get3A_751 : vector<16xf32>
        %max3A_753 = arith.maximumf %while3A_634, %get3A_751 : vector<16xf32>
        %mul3A_754 = arith.constant 256 : i32
        %mul3A_755 = arith.muli %while3A_605, %mul3A_754 : i32
        %add3A_756 = arith.constant 208 : i32
        %add3A_757 = arith.addi %mul3A_755, %add3A_756 : i32
        %get3A_758 = arith.index_cast %add3A_757 : i32 to index
        %get3A_759 = tpu.vector_load %arg6[%get3A_758] {strides = array<i32>} : memref<16384xf32, #tpu.memory_space<vmem>>, vector<16xf32>,
        %get3A_760 = vector.shape_cast %get3A_759 : vector<16xf32> to vector<16xf32>
        %add3A_761 = arith.addf %while3A_619, %get3A_760 : vector<16xf32>
        %max3A_762 = arith.maximumf %while3A_635, %get3A_760 : vector<16xf32>
        %mul3A_763 = arith.constant 256 : i32
        %mul3A_764 = arith.muli %while3A_605, %mul3A_763 : i32
        %add3A_765 = arith.constant 224 : i32
        %add3A_766 = arith.addi %mul3A_764, %add3A_765 : i32
        %get3A_767 = arith.index_cast %add3A_766 : i32 to index
        %get3A_768 = tpu.vector_load %arg6[%get3A_767] {strides = array<i32>} : memref<16384xf32, #tpu.memory_space<vmem>>, vector<16xf32>,
        %get3A_769 = vector.shape_cast %get3A_768 : vector<16xf32> to vector<16xf32>
        %add3A_770 = arith.addf %while3A_620, %get3A_769 : vector<16xf32>
        %max3A_771 = arith.maximumf %while3A_636, %get3A_769 : vector<16xf32>
        %mul3A_772 = arith.constant 256 : i32
        %mul3A_773 = arith.muli %while3A_605, %mul3A_772 : i32
        %add3A_774 = arith.constant 240 : i32
        %add3A_775 = arith.addi %mul3A_773, %add3A_774 : i32
        %get3A_776 = arith.index_cast %add3A_775 : i32 to index
        %get3A_777 = tpu.vector_load %arg6[%get3A_776] {strides = array<i32>} : memref<16384xf32, #tpu.memory_space<vmem>>, vector<16xf32>,
        %get3A_778 = vector.shape_cast %get3A_777 : vector<16xf32> to vector<16xf32>
        %add3A_779 = arith.addf %while3A_621, %get3A_778 : vector<16xf32>
        %max3A_780 = arith.maximumf %while3A_637, %get3A_778 : vector<16xf32>
        scf.yield %add3A_644, %add3A_653, %add3A_662, %add3A_671, %add3A_680, %add3A_689, %add3A_698, %add3A_707, %add3A_716, %add3A_725, %add3A_734, %add3A_743, %add3A_752, %add3A_761, %add3A_770, %add3A_779, %max3A_645, %max3A_654, %max3A_663, %max3A_672, %max3A_681, %max3A_690, %max3A_699, %max3A_708, %max3A_717, %max3A_726, %max3A_735, %max3A_744, %max3A_753, %max3A_762, %max3A_771, %max3A_780 : vector<16xf32>, vector<16xf32>, vector<16xf32>, vector<16xf32>, vector<16xf32>, vector<16xf32>, vector<16xf32>, vector<16xf32>, vector<16xf32>, vector<16xf32>, vector<16xf32>, vector<16xf32>, vector<16xf32>, vector<16xf32>, vector<16xf32>, vector<16xf32>, vector<16xf32>, vector<16xf32>, vector<16xf32>, vector<16xf32>, vector<16xf32>, vector<16xf32>, vector<16xf32>, vector<16xf32>, vector<16xf32>, vector<16xf32>, vector<16xf32>, vector<16xf32>, vector<16xf32>, vector<16xf32>, vector<16xf32>, vector<16xf32>
      }
      %while3A_603 = arith.constant 1 : i32
      %while3A_604:32 = scf.for %while3A_605 = %while3A_600 to %while3A_596 step %while3A_603 iter_args(%while3A_606 = %while3A_602#0, %while3A_607 = %while3A_602#1, %while3A_608 = %while3A_602#2, %while3A_609 = %while3A_602#3, %while3A_610 = %while3A_602#4, %while3A_611 = %while3A_602#5, %while3A_612 = %while3A_602#6, %while3A_613 = %while3A_602#7, %while3A_614 = %while3A_602#8, %while3A_615 = %while3A_602#9, %while3A_616 = %while3A_602#10, %while3A_617 = %while3A_602#11, %while3A_618 = %while3A_602#12, %while3A_619 = %while3A_602#13, %while3A_620 = %while3A_602#14, %while3A_621 = %while3A_602#15, %while3A_622 = %while3A_602#16, %while3A_623 = %while3A_602#17, %while3A_624 = %while3A_602#18, %while3A_625 = %while3A_602#19, %while3A_626 = %while3A_602#20, %while3A_627 = %while3A_602#21, %while3A_628 = %while3A_602#22, %while3A_629 = %while3A_602#23, %while3A_630 = %while3A_602#24, %while3A_631 = %while3A_602#25, %while3A_632 = %while3A_602#26, %while3A_633 = %while3A_602#27, %while3A_634 = %while3A_602#28, %while3A_635 = %while3A_602#29, %while3A_636 = %while3A_602#30, %while3A_637 = %while3A_602#31) -> (vector<16xf32>, vector<16xf32>, vector<16xf32>, vector<16xf32>, vector<16xf32>, vector<16xf32>, vector<16xf32>, vector<16xf32>, vector<16xf32>, vector<16xf32>, vector<16xf32>, vector<16xf32>, vector<16xf32>, vector<16xf32>, vector<16xf32>, vector<16xf32>, vector<16xf32>, vector<16xf32>, vector<16xf32>, vector<16xf32>, vector<16xf32>, vector<16xf32>, vector<16xf32>, vector<16xf32>, vector<16xf32>, vector<16xf32>, vector<16xf32>, vector<16xf32>, vector<16xf32>, vector<16xf32>, vector<16xf32>, vector<16xf32>)  : i32 {
        %mul3A_638 = arith.constant 256 : i32
        %mul3A_639 = arith.muli %while3A_605, %mul3A_638 : i32
        %add3A_640 = arith.constant 0 : i32
        %add3A_641 = arith.addi %mul3A_639, %add3A_640 : i32
        %get3A = arith.index_cast %add3A_641 : i32 to index
        %get3A_642 = tpu.vector_load %arg6[%get3A] {strides = array<i32>} : memref<16384xf32, #tpu.memory_space<vmem>>, vector<16xf32>,
        %get3A_643 = vector.shape_cast %get3A_642 : vector<16xf32> to vector<16xf32>
        %add3A_644 = arith.addf %while3A_606, %get3A_643 : vector<16xf32>
        %max3A_645 = arith.maximumf %while3A_622, %get3A_643 : vector<16xf32>
        %mul3A_646 = arith.constant 256 : i32
        %mul3A_647 = arith.muli %while3A_605, %mul3A_646 : i32
        %add3A_648 = arith.constant 16 : i32
        %add3A_649 = arith.addi %mul3A_647, %add3A_648 : i32
        %get3A_650 = arith.index_cast %add3A_649 : i32 to index
        %get3A_651 = tpu.vector_load %arg6[%get3A_650] {strides = array<i32>} : memref<16384xf32, #tpu.memory_space<vmem>>, vector<16xf32>,
        %get3A_652 = vector.shape_cast %get3A_651 : vector<16xf32> to vector<16xf32>
        %add3A_653 = arith.addf %while3A_607, %get3A_652 : vector<16xf32>
        %max3A_654 = arith.maximumf %while3A_623, %get3A_652 : vector<16xf32>
        %mul3A_655 = arith.constant 256 : i32
        %mul3A_656 = arith.muli %while3A_605, %mul3A_655 : i32
        %add3A_657 = arith.constant 32 : i32
        %add3A_658 = arith.addi %mul3A_656, %add3A_657 : i32
        %get3A_659 = arith.index_cast %add3A_658 : i32 to index
        %get3A_660 = tpu.vector_load %arg6[%get3A_659] {strides = array<i32>} : memref<16384xf32, #tpu.memory_space<vmem>>, vector<16xf32>,
        %get3A_661 = vector.shape_cast %get3A_660 : vector<16xf32> to vector<16xf32>
        %add3A_662 = arith.addf %while3A_608, %get3A_661 : vector<16xf32>
        %max3A_663 = arith.maximumf %while3A_624, %get3A_661 : vector<16xf32>
        %mul3A_664 = arith.constant 256 : i32
        %mul3A_665 = arith.muli %while3A_605, %mul3A_664 : i32
        %add3A_666 = arith.constant 48 : i32
        %add3A_667 = arith.addi %mul3A_665, %add3A_666 : i32
        %get3A_668 = arith.index_cast %add3A_667 : i32 to index
        %get3A_669 = tpu.vector_load %arg6[%get3A_668] {strides = array<i32>} : memref<16384xf32, #tpu.memory_space<vmem>>, vector<16xf32>,
        %get3A_670 = vector.shape_cast %get3A_669 : vector<16xf32> to vector<16xf32>
        %add3A_671 = arith.addf %while3A_609, %get3A_670 : vector<16xf32>
        %max3A_672 = arith.maximumf %while3A_625, %get3A_670 : vector<16xf32>
        %mul3A_673 = arith.constant 256 : i32
        %mul3A_674 = arith.muli %while3A_605, %mul3A_673 : i32
        %add3A_675 = arith.constant 64 : i32
        %add3A_676 = arith.addi %mul3A_674, %add3A_675 : i32
        %get3A_677 = arith.index_cast %add3A_676 : i32 to index
        %get3A_678 = tpu.vector_load %arg6[%get3A_677] {strides = array<i32>} : memref<16384xf32, #tpu.memory_space<vmem>>, vector<16xf32>,
        %get3A_679 = vector.shape_cast %get3A_678 : vector<16xf32> to vector<16xf32>
        %add3A_680 = arith.addf %while3A_610, %get3A_679 : vector<16xf32>
        %max3A_681 = arith.maximumf %while3A_626, %get3A_679 : vector<16xf32>
        %mul3A_682 = arith.constant 256 : i32
        %mul3A_683 = arith.muli %while3A_605, %mul3A_682 : i32
        %add3A_684 = arith.constant 80 : i32
        %add3A_685 = arith.addi %mul3A_683, %add3A_684 : i32
        %get3A_686 = arith.index_cast %add3A_685 : i32 to index
        %get3A_687 = tpu.vector_load %arg6[%get3A_686] {strides = array<i32>} : memref<16384xf32, #tpu.memory_space<vmem>>, vector<16xf32>,
        %get3A_688 = vector.shape_cast %get3A_687 : vector<16xf32> to vector<16xf32>
        %add3A_689 = arith.addf %while3A_611, %get3A_688 : vector<16xf32>
        %max3A_690 = arith.maximumf %while3A_627, %get3A_688 : vector<16xf32>
        %mul3A_691 = arith.constant 256 : i32
        %mul3A_692 = arith.muli %while3A_605, %mul3A_691 : i32
        %add3A_693 = arith.constant 96 : i32
        %add3A_694 = arith.addi %mul3A_692, %add3A_693 : i32
        %get3A_695 = arith.index_cast %add3A_694 : i32 to index
        %get3A_696 = tpu.vector_load %arg6[%get3A_695] {strides = array<i32>} : memref<16384xf32, #tpu.memory_space<vmem>>, vector<16xf32>,
        %get3A_697 = vector.shape_cast %get3A_696 : vector<16xf32> to vector<16xf32>
        %add3A_698 = arith.addf %while3A_612, %get3A_697 : vector<16xf32>
        %max3A_699 = arith.maximumf %while3A_628, %get3A_697 : vector<16xf32>
        %mul3A_700 = arith.constant 256 : i32
        %mul3A_701 = arith.muli %while3A_605, %mul3A_700 : i32
        %add3A_702 = arith.constant 112 : i32
        %add3A_703 = arith.addi %mul3A_701, %add3A_702 : i32
        %get3A_704 = arith.index_cast %add3A_703 : i32 to index
        %get3A_705 = tpu.vector_load %arg6[%get3A_704] {strides = array<i32>} : memref<16384xf32, #tpu.memory_space<vmem>>, vector<16xf32>,
        %get3A_706 = vector.shape_cast %get3A_705 : vector<16xf32> to vector<16xf32>
        %add3A_707 = arith.addf %while3A_613, %get3A_706 : vector<16xf32>
        %max3A_708 = arith.maximumf %while3A_629, %get3A_706 : vector<16xf32>
        %mul3A_709 = arith.constant 256 : i32
        %mul3A_710 = arith.muli %while3A_605, %mul3A_709 : i32
        %add3A_711 = arith.constant 128 : i32
        %add3A_712 = arith.addi %mul3A_710, %add3A_711 : i32
        %get3A_713 = arith.index_cast %add3A_712 : i32 to index
        %get3A_714 = tpu.vector_load %arg6[%get3A_713] {strides = array<i32>} : memref<16384xf32, #tpu.memory_space<vmem>>, vector<16xf32>,
        %get3A_715 = vector.shape_cast %get3A_714 : vector<16xf32> to vector<16xf32>
        %add3A_716 = arith.addf %while3A_614, %get3A_715 : vector<16xf32>
        %max3A_717 = arith.maximumf %while3A_630, %get3A_715 : vector<16xf32>
        %mul3A_718 = arith.constant 256 : i32
        %mul3A_719 = arith.muli %while3A_605, %mul3A_718 : i32
        %add3A_720 = arith.constant 144 : i32
        %add3A_721 = arith.addi %mul3A_719, %add3A_720 : i32
        %get3A_722 = arith.index_cast %add3A_721 : i32 to index
        %get3A_723 = tpu.vector_load %arg6[%get3A_722] {strides = array<i32>} : memref<16384xf32, #tpu.memory_space<vmem>>, vector<16xf32>,
        %get3A_724 = vector.shape_cast %get3A_723 : vector<16xf32> to vector<16xf32>
        %add3A_725 = arith.addf %while3A_615, %get3A_724 : vector<16xf32>
        %max3A_726 = arith.maximumf %while3A_631, %get3A_724 : vector<16xf32>
        %mul3A_727 = arith.constant 256 : i32
        %mul3A_728 = arith.muli %while3A_605, %mul3A_727 : i32
        %add3A_729 = arith.constant 160 : i32
        %add3A_730 = arith.addi %mul3A_728, %add3A_729 : i32
        %get3A_731 = arith.index_cast %add3A_730 : i32 to index
        %get3A_732 = tpu.vector_load %arg6[%get3A_731] {strides = array<i32>} : memref<16384xf32, #tpu.memory_space<vmem>>, vector<16xf32>,
        %get3A_733 = vector.shape_cast %get3A_732 : vector<16xf32> to vector<16xf32>
        %add3A_734 = arith.addf %while3A_616, %get3A_733 : vector<16xf32>
        %max3A_735 = arith.maximumf %while3A_632, %get3A_733 : vector<16xf32>
        %mul3A_736 = arith.constant 256 : i32
        %mul3A_737 = arith.muli %while3A_605, %mul3A_736 : i32
        %add3A_738 = arith.constant 176 : i32
        %add3A_739 = arith.addi %mul3A_737, %add3A_738 : i32
        %get3A_740 = arith.index_cast %add3A_739 : i32 to index
        %get3A_741 = tpu.vector_load %arg6[%get3A_740] {strides = array<i32>} : memref<16384xf32, #tpu.memory_space<vmem>>, vector<16xf32>,
        %get3A_742 = vector.shape_cast %get3A_741 : vector<16xf32> to vector<16xf32>
        %add3A_743 = arith.addf %while3A_617, %get3A_742 : vector<16xf32>
        %max3A_744 = arith.maximumf %while3A_633, %get3A_742 : vector<16xf32>
        %mul3A_745 = arith.constant 256 : i32
        %mul3A_746 = arith.muli %while3A_605, %mul3A_745 : i32
        %add3A_747 = arith.constant 192 : i32
        %add3A_748 = arith.addi %mul3A_746, %add3A_747 : i32
        %get3A_749 = arith.index_cast %add3A_748 : i32 to index
        %get3A_750 = tpu.vector_load %arg6[%get3A_749] {strides = array<i32>} : memref<16384xf32, #tpu.memory_space<vmem>>, vector<16xf32>,
        %get3A_751 = vector.shape_cast %get3A_750 : vector<16xf32> to vector<16xf32>
        %add3A_752 = arith.addf %while3A_618, %get3A_751 : vector<16xf32>
        %max3A_753 = arith.maximumf %while3A_634, %get3A_751 : vector<16xf32>
        %mul3A_754 = arith.constant 256 : i32
        %mul3A_755 = arith.muli %while3A_605, %mul3A_754 : i32
        %add3A_756 = arith.constant 208 : i32
        %add3A_757 = arith.addi %mul3A_755, %add3A_756 : i32
        %get3A_758 = arith.index_cast %add3A_757 : i32 to index
        %get3A_759 = tpu.vector_load %arg6[%get3A_758] {strides = array<i32>} : memref<16384xf32, #tpu.memory_space<vmem>>, vector<16xf32>,
        %get3A_760 = vector.shape_cast %get3A_759 : vector<16xf32> to vector<16xf32>
        %add3A_761 = arith.addf %while3A_619, %get3A_760 : vector<16xf32>
        %max3A_762 = arith.maximumf %while3A_635, %get3A_760 : vector<16xf32>
        %mul3A_763 = arith.constant 256 : i32
        %mul3A_764 = arith.muli %while3A_605, %mul3A_763 : i32
        %add3A_765 = arith.constant 224 : i32
        %add3A_766 = arith.addi %mul3A_764, %add3A_765 : i32
        %get3A_767 = arith.index_cast %add3A_766 : i32 to index
        %get3A_768 = tpu.vector_load %arg6[%get3A_767] {strides = array<i32>} : memref<16384xf32, #tpu.memory_space<vmem>>, vector<16xf32>,
        %get3A_769 = vector.shape_cast %get3A_768 : vector<16xf32> to vector<16xf32>
        %add3A_770 = arith.addf %while3A_620, %get3A_769 : vector<16xf32>
        %max3A_771 = arith.maximumf %while3A_636, %get3A_769 : vector<16xf32>
        %mul3A_772 = arith.constant 256 : i32
        %mul3A_773 = arith.muli %while3A_605, %mul3A_772 : i32
        %add3A_774 = arith.constant 240 : i32
        %add3A_775 = arith.addi %mul3A_773, %add3A_774 : i32
        %get3A_776 = arith.index_cast %add3A_775 : i32 to index
        %get3A_777 = tpu.vector_load %arg6[%get3A_776] {strides = array<i32>} : memref<16384xf32, #tpu.memory_space<vmem>>, vector<16xf32>,
        %get3A_778 = vector.shape_cast %get3A_777 : vector<16xf32> to vector<16xf32>
        %add3A_779 = arith.addf %while3A_621, %get3A_778 : vector<16xf32>
        %max3A_780 = arith.maximumf %while3A_637, %get3A_778 : vector<16xf32>
        scf.yield %add3A_644, %add3A_653, %add3A_662, %add3A_671, %add3A_680, %add3A_689, %add3A_698, %add3A_707, %add3A_716, %add3A_725, %add3A_734, %add3A_743, %add3A_752, %add3A_761, %add3A_770, %add3A_779, %max3A_645, %max3A_654, %max3A_663, %max3A_672, %max3A_681, %max3A_690, %max3A_699, %max3A_708, %max3A_717, %max3A_726, %max3A_735, %max3A_744, %max3A_753, %max3A_762, %max3A_771, %max3A_780 : vector<16xf32>, vector<16xf32>, vector<16xf32>, vector<16xf32>, vector<16xf32>, vector<16xf32>, vector<16xf32>, vector<16xf32>, vector<16xf32>, vector<16xf32>, vector<16xf32>, vector<16xf32>, vector<16xf32>, vector<16xf32>, vector<16xf32>, vector<16xf32>, vector<16xf32>, vector<16xf32>, vector<16xf32>, vector<16xf32>, vector<16xf32>, vector<16xf32>, vector<16xf32>, vector<16xf32>, vector<16xf32>, vector<16xf32>, vector<16xf32>, vector<16xf32>, vector<16xf32>, vector<16xf32>, vector<16xf32>, vector<16xf32>
      }
      scf.yield %while3A_604#0, %while3A_604#1, %while3A_604#2, %while3A_604#3, %while3A_604#4, %while3A_604#5, %while3A_604#6, %while3A_604#7, %while3A_604#8, %while3A_604#9, %while3A_604#10, %while3A_604#11, %while3A_604#12, %while3A_604#13, %while3A_604#14, %while3A_604#15, %while3A_604#16, %while3A_604#17, %while3A_604#18, %while3A_604#19, %while3A_604#20, %while3A_604#21, %while3A_604#22, %while3A_604#23, %while3A_604#24, %while3A_604#25, %while3A_604#26, %while3A_604#27, %while3A_604#28, %while3A_604#29, %while3A_604#30, %while3A_604#31 : vector<16xf32>, vector<16xf32>, vector<16xf32>, vector<16xf32>, vector<16xf32>, vector<16xf32>, vector<16xf32>, vector<16xf32>, vector<16xf32>, vector<16xf32>, vector<16xf32>, vector<16xf32>, vector<16xf32>, vector<16xf32>, vector<16xf32>, vector<16xf32>, vector<16xf32>, vector<16xf32>, vector<16xf32>, vector<16xf32>, vector<16xf32>, vector<16xf32>, vector<16xf32>, vector<16xf32>, vector<16xf32>, vector<16xf32>, vector<16xf32>, vector<16xf32>, vector<16xf32>, vector<16xf32>, vector<16xf32>, vector<16xf32>
    }
    %max3A = arith.constant 1 : i32
    %max3A_71 = arith.maxsi %sub3A, %max3A : i32
    %convert_element_type3A = arith.sitofp %max3A_71 : i32 to f32
    %broadcast_in_dim3A_72 = arith.constant 1.000000e+00 : f32
    %broadcast_in_dim3A_73 = vector.broadcast %broadcast_in_dim3A_72 : f32 to vector<16xf32>
    %broadcast_in_dim3A_74 = vector.broadcast %convert_element_type3A : f32 to vector<16xf32>
    %div3A_75 = arith.divf %broadcast_in_dim3A_73, %broadcast_in_dim3A_74 : vector<16xf32>
    %swap3A_76 = arith.constant 0 : index
    %swap3A_77 = tpu.vector_load %arg7[%swap3A_76] {strides = array<i32>} : memref<768xf32, #tpu.memory_space<vmem>>, vector<16xf32>,
    %swap3A_78 = vector.shape_cast %swap3A_77 : vector<16xf32> to vector<16xf32>
    %swap3A_79 = vector.shape_cast %while3A_70#16 : vector<16xf32> to vector<16xf32>
    tpu.vector_store %arg7[%swap3A_76], %swap3A_79 {strides = array<i32>} : memref<768xf32, #tpu.memory_space<vmem>>, vector<16xf32>,
    %mul3A_80 = arith.mulf %while3A_70#0, %div3A_75 : vector<16xf32>
    %swap3A_81 = arith.constant 256 : index
    %swap3A_82 = tpu.vector_load %arg7[%swap3A_81] {strides = array<i32>} : memref<768xf32, #tpu.memory_space<vmem>>, vector<16xf32>,
    %swap3A_83 = vector.shape_cast %swap3A_82 : vector<16xf32> to vector<16xf32>
    %swap3A_84 = vector.shape_cast %mul3A_80 : vector<16xf32> to vector<16xf32>
    tpu.vector_store %arg7[%swap3A_81], %swap3A_84 {strides = array<i32>} : memref<768xf32, #tpu.memory_space<vmem>>, vector<16xf32>,
    %swap3A_85 = arith.constant 512 : index
    %swap3A_86 = tpu.vector_load %arg7[%swap3A_85] {strides = array<i32>} : memref<768xf32, #tpu.memory_space<vmem>>, vector<16xf32>,
    %swap3A_87 = vector.shape_cast %swap3A_86 : vector<16xf32> to vector<16xf32>
    %swap3A_88 = vector.shape_cast %while3A_70#0 : vector<16xf32> to vector<16xf32>
    tpu.vector_store %arg7[%swap3A_85], %swap3A_88 {strides = array<i32>} : memref<768xf32, #tpu.memory_space<vmem>>, vector<16xf32>,
    %swap3A_89 = arith.constant 16 : index
    %swap3A_90 = tpu.vector_load %arg7[%swap3A_89] {strides = array<i32>} : memref<768xf32, #tpu.memory_space<vmem>>, vector<16xf32>,
    %swap3A_91 = vector.shape_cast %swap3A_90 : vector<16xf32> to vector<16xf32>
    %swap3A_92 = vector.shape_cast %while3A_70#17 : vector<16xf32> to vector<16xf32>
    tpu.vector_store %arg7[%swap3A_89], %swap3A_92 {strides = array<i32>} : memref<768xf32, #tpu.memory_space<vmem>>, vector<16xf32>,
    %mul3A_93 = arith.mulf %while3A_70#1, %div3A_75 : vector<16xf32>
    %swap3A_94 = arith.constant 272 : index
    %swap3A_95 = tpu.vector_load %arg7[%swap3A_94] {strides = array<i32>} : memref<768xf32, #tpu.memory_space<vmem>>, vector<16xf32>,
    %swap3A_96 = vector.shape_cast %swap3A_95 : vector<16xf32> to vector<16xf32>
    %swap3A_97 = vector.shape_cast %mul3A_93 : vector<16xf32> to vector<16xf32>
    tpu.vector_store %arg7[%swap3A_94], %swap3A_97 {strides = array<i32>} : memref<768xf32, #tpu.memory_space<vmem>>, vector<16xf32>,
    %swap3A_98 = arith.constant 528 : index
    %swap3A_99 = tpu.vector_load %arg7[%swap3A_98] {strides = array<i32>} : memref<768xf32, #tpu.memory_space<vmem>>, vector<16xf32>,
    %swap3A_100 = vector.shape_cast %swap3A_99 : vector<16xf32> to vector<16xf32>
    %swap3A_101 = vector.shape_cast %while3A_70#1 : vector<16xf32> to vector<16xf32>
    tpu.vector_store %arg7[%swap3A_98], %swap3A_101 {strides = array<i32>} : memref<768xf32, #tpu.memory_space<vmem>>, vector<16xf32>,
    %swap3A_102 = arith.constant 32 : index
    %swap3A_103 = tpu.vector_load %arg7[%swap3A_102] {strides = array<i32>} : memref<768xf32, #tpu.memory_space<vmem>>, vector<16xf32>,
    %swap3A_104 = vector.shape_cast %swap3A_103 : vector<16xf32> to vector<16xf32>
    %swap3A_105 = vector.shape_cast %while3A_70#18 : vector<16xf32> to vector<16xf32>
    tpu.vector_store %arg7[%swap3A_102], %swap3A_105 {strides = array<i32>} : memref<768xf32, #tpu.memory_space<vmem>>, vector<16xf32>,
    %mul3A_106 = arith.mulf %while3A_70#2, %div3A_75 : vector<16xf32>
    %swap3A_107 = arith.constant 288 : index
    %swap3A_108 = tpu.vector_load %arg7[%swap3A_107] {strides = array<i32>} : memref<768xf32, #tpu.memory_space<vmem>>, vector<16xf32>,
    %swap3A_109 = vector.shape_cast %swap3A_108 : vector<16xf32> to vector<16xf32>
    %swap3A_110 = vector.shape_cast %mul3A_106 : vector<16xf32> to vector<16xf32>
    tpu.vector_store %arg7[%swap3A_107], %swap3A_110 {strides = array<i32>} : memref<768xf32, #tpu.memory_space<vmem>>, vector<16xf32>,
    %swap3A_111 = arith.constant 544 : index
    %swap3A_112 = tpu.vector_load %arg7[%swap3A_111] {strides = array<i32>} : memref<768xf32, #tpu.memory_space<vmem>>, vector<16xf32>,
    %swap3A_113 = vector.shape_cast %swap3A_112 : vector<16xf32> to vector<16xf32>
    %swap3A_114 = vector.shape_cast %while3A_70#2 : vector<16xf32> to vector<16xf32>
    tpu.vector_store %arg7[%swap3A_111], %swap3A_114 {strides = array<i32>} : memref<768xf32, #tpu.memory_space<vmem>>, vector<16xf32>,
    %swap3A_115 = arith.constant 48 : index
    %swap3A_116 = tpu.vector_load %arg7[%swap3A_115] {strides = array<i32>} : memref<768xf32, #tpu.memory_space<vmem>>, vector<16xf32>,
    %swap3A_117 = vector.shape_cast %swap3A_116 : vector<16xf32> to vector<16xf32>
    %swap3A_118 = vector.shape_cast %while3A_70#19 : vector<16xf32> to vector<16xf32>
    tpu.vector_store %arg7[%swap3A_115], %swap3A_118 {strides = array<i32>} : memref<768xf32, #tpu.memory_space<vmem>>, vector<16xf32>,
    %mul3A_119 = arith.mulf %while3A_70#3, %div3A_75 : vector<16xf32>
    %swap3A_120 = arith.constant 304 : index
    %swap3A_121 = tpu.vector_load %arg7[%swap3A_120] {strides = array<i32>} : memref<768xf32, #tpu.memory_space<vmem>>, vector<16xf32>,
    %swap3A_122 = vector.shape_cast %swap3A_121 : vector<16xf32> to vector<16xf32>
    %swap3A_123 = vector.shape_cast %mul3A_119 : vector<16xf32> to vector<16xf32>
    tpu.vector_store %arg7[%swap3A_120], %swap3A_123 {strides = array<i32>} : memref<768xf32, #tpu.memory_space<vmem>>, vector<16xf32>,
    %swap3A_124 = arith.constant 560 : index
    %swap3A_125 = tpu.vector_load %arg7[%swap3A_124] {strides = array<i32>} : memref<768xf32, #tpu.memory_space<vmem>>, vector<16xf32>,
    %swap3A_126 = vector.shape_cast %swap3A_125 : vector<16xf32> to vector<16xf32>
    %swap3A_127 = vector.shape_cast %while3A_70#3 : vector<16xf32> to vector<16xf32>
    tpu.vector_store %arg7[%swap3A_124], %swap3A_127 {strides = array<i32>} : memref<768xf32, #tpu.memory_space<vmem>>, vector<16xf32>,
    %swap3A_128 = arith.constant 64 : index
    %swap3A_129 = tpu.vector_load %arg7[%swap3A_128] {strides = array<i32>} : memref<768xf32, #tpu.memory_space<vmem>>, vector<16xf32>,
    %swap3A_130 = vector.shape_cast %swap3A_129 : vector<16xf32> to vector<16xf32>
    %swap3A_131 = vector.shape_cast %while3A_70#20 : vector<16xf32> to vector<16xf32>
    tpu.vector_store %arg7[%swap3A_128], %swap3A_131 {strides = array<i32>} : memref<768xf32, #tpu.memory_space<vmem>>, vector<16xf32>,
    %mul3A_132 = arith.mulf %while3A_70#4, %div3A_75 : vector<16xf32>
    %swap3A_133 = arith.constant 320 : index
    %swap3A_134 = tpu.vector_load %arg7[%swap3A_133] {strides = array<i32>} : memref<768xf32, #tpu.memory_space<vmem>>, vector<16xf32>,
    %swap3A_135 = vector.shape_cast %swap3A_134 : vector<16xf32> to vector<16xf32>
    %swap3A_136 = vector.shape_cast %mul3A_132 : vector<16xf32> to vector<16xf32>
    tpu.vector_store %arg7[%swap3A_133], %swap3A_136 {strides = array<i32>} : memref<768xf32, #tpu.memory_space<vmem>>, vector<16xf32>,
    %swap3A_137 = arith.constant 576 : index
    %swap3A_138 = tpu.vector_load %arg7[%swap3A_137] {strides = array<i32>} : memref<768xf32, #tpu.memory_space<vmem>>, vector<16xf32>,
    %swap3A_139 = vector.shape_cast %swap3A_138 : vector<16xf32> to vector<16xf32>
    %swap3A_140 = vector.shape_cast %while3A_70#4 : vector<16xf32> to vector<16xf32>
    tpu.vector_store %arg7[%swap3A_137], %swap3A_140 {strides = array<i32>} : memref<768xf32, #tpu.memory_space<vmem>>, vector<16xf32>,
    %swap3A_141 = arith.constant 80 : index
    %swap3A_142 = tpu.vector_load %arg7[%swap3A_141] {strides = array<i32>} : memref<768xf32, #tpu.memory_space<vmem>>, vector<16xf32>,
    %swap3A_143 = vector.shape_cast %swap3A_142 : vector<16xf32> to vector<16xf32>
    %swap3A_144 = vector.shape_cast %while3A_70#21 : vector<16xf32> to vector<16xf32>
    tpu.vector_store %arg7[%swap3A_141], %swap3A_144 {strides = array<i32>} : memref<768xf32, #tpu.memory_space<vmem>>, vector<16xf32>,
    %mul3A_145 = arith.mulf %while3A_70#5, %div3A_75 : vector<16xf32>
    %swap3A_146 = arith.constant 336 : index
    %swap3A_147 = tpu.vector_load %arg7[%swap3A_146] {strides = array<i32>} : memref<768xf32, #tpu.memory_space<vmem>>, vector<16xf32>,
    %swap3A_148 = vector.shape_cast %swap3A_147 : vector<16xf32> to vector<16xf32>
    %swap3A_149 = vector.shape_cast %mul3A_145 : vector<16xf32> to vector<16xf32>
    tpu.vector_store %arg7[%swap3A_146], %swap3A_149 {strides = array<i32>} : memref<768xf32, #tpu.memory_space<vmem>>, vector<16xf32>,
    %swap3A_150 = arith.constant 592 : index
    %swap3A_151 = tpu.vector_load %arg7[%swap3A_150] {strides = array<i32>} : memref<768xf32, #tpu.memory_space<vmem>>, vector<16xf32>,
    %swap3A_152 = vector.shape_cast %swap3A_151 : vector<16xf32> to vector<16xf32>
    %swap3A_153 = vector.shape_cast %while3A_70#5 : vector<16xf32> to vector<16xf32>
    tpu.vector_store %arg7[%swap3A_150], %swap3A_153 {strides = array<i32>} : memref<768xf32, #tpu.memory_space<vmem>>, vector<16xf32>,
    %swap3A_154 = arith.constant 96 : index
    %swap3A_155 = tpu.vector_load %arg7[%swap3A_154] {strides = array<i32>} : memref<768xf32, #tpu.memory_space<vmem>>, vector<16xf32>,
    %swap3A_156 = vector.shape_cast %swap3A_155 : vector<16xf32> to vector<16xf32>
    %swap3A_157 = vector.shape_cast %while3A_70#22 : vector<16xf32> to vector<16xf32>
    tpu.vector_store %arg7[%swap3A_154], %swap3A_157 {strides = array<i32>} : memref<768xf32, #tpu.memory_space<vmem>>, vector<16xf32>,
    %mul3A_158 = arith.mulf %while3A_70#6, %div3A_75 : vector<16xf32>
    %swap3A_159 = arith.constant 352 : index
    %swap3A_160 = tpu.vector_load %arg7[%swap3A_159] {strides = array<i32>} : memref<768xf32, #tpu.memory_space<vmem>>, vector<16xf32>,
    %swap3A_161 = vector.shape_cast %swap3A_160 : vector<16xf32> to vector<16xf32>
    %swap3A_162 = vector.shape_cast %mul3A_158 : vector<16xf32> to vector<16xf32>
    tpu.vector_store %arg7[%swap3A_159], %swap3A_162 {strides = array<i32>} : memref<768xf32, #tpu.memory_space<vmem>>, vector<16xf32>,
    %swap3A_163 = arith.constant 608 : index
    %swap3A_164 = tpu.vector_load %arg7[%swap3A_163] {strides = array<i32>} : memref<768xf32, #tpu.memory_space<vmem>>, vector<16xf32>,
    %swap3A_165 = vector.shape_cast %swap3A_164 : vector<16xf32> to vector<16xf32>
    %swap3A_166 = vector.shape_cast %while3A_70#6 : vector<16xf32> to vector<16xf32>
    tpu.vector_store %arg7[%swap3A_163], %swap3A_166 {strides = array<i32>} : memref<768xf32, #tpu.memory_space<vmem>>, vector<16xf32>,
    %swap3A_167 = arith.constant 112 : index
    %swap3A_168 = tpu.vector_load %arg7[%swap3A_167] {strides = array<i32>} : memref<768xf32, #tpu.memory_space<vmem>>, vector<16xf32>,
    %swap3A_169 = vector.shape_cast %swap3A_168 : vector<16xf32> to vector<16xf32>
    %swap3A_170 = vector.shape_cast %while3A_70#23 : vector<16xf32> to vector<16xf32>
    tpu.vector_store %arg7[%swap3A_167], %swap3A_170 {strides = array<i32>} : memref<768xf32, #tpu.memory_space<vmem>>, vector<16xf32>,
    %mul3A_171 = arith.mulf %while3A_70#7, %div3A_75 : vector<16xf32>
    %swap3A_172 = arith.constant 368 : index
    %swap3A_173 = tpu.vector_load %arg7[%swap3A_172] {strides = array<i32>} : memref<768xf32, #tpu.memory_space<vmem>>, vector<16xf32>,
    %swap3A_174 = vector.shape_cast %swap3A_173 : vector<16xf32> to vector<16xf32>
    %swap3A_175 = vector.shape_cast %mul3A_171 : vector<16xf32> to vector<16xf32>
    tpu.vector_store %arg7[%swap3A_172], %swap3A_175 {strides = array<i32>} : memref<768xf32, #tpu.memory_space<vmem>>, vector<16xf32>,
    %swap3A_176 = arith.constant 624 : index
    %swap3A_177 = tpu.vector_load %arg7[%swap3A_176] {strides = array<i32>} : memref<768xf32, #tpu.memory_space<vmem>>, vector<16xf32>,
    %swap3A_178 = vector.shape_cast %swap3A_177 : vector<16xf32> to vector<16xf32>
    %swap3A_179 = vector.shape_cast %while3A_70#7 : vector<16xf32> to vector<16xf32>
    tpu.vector_store %arg7[%swap3A_176], %swap3A_179 {strides = array<i32>} : memref<768xf32, #tpu.memory_space<vmem>>, vector<16xf32>,
    %swap3A_180 = arith.constant 128 : index
    %swap3A_181 = tpu.vector_load %arg7[%swap3A_180] {strides = array<i32>} : memref<768xf32, #tpu.memory_space<vmem>>, vector<16xf32>,
    %swap3A_182 = vector.shape_cast %swap3A_181 : vector<16xf32> to vector<16xf32>
    %swap3A_183 = vector.shape_cast %while3A_70#24 : vector<16xf32> to vector<16xf32>
    tpu.vector_store %arg7[%swap3A_180], %swap3A_183 {strides = array<i32>} : memref<768xf32, #tpu.memory_space<vmem>>, vector<16xf32>,
    %mul3A_184 = arith.mulf %while3A_70#8, %div3A_75 : vector<16xf32>
    %swap3A_185 = arith.constant 384 : index
    %swap3A_186 = tpu.vector_load %arg7[%swap3A_185] {strides = array<i32>} : memref<768xf32, #tpu.memory_space<vmem>>, vector<16xf32>,
    %swap3A_187 = vector.shape_cast %swap3A_186 : vector<16xf32> to vector<16xf32>
    %swap3A_188 = vector.shape_cast %mul3A_184 : vector<16xf32> to vector<16xf32>
    tpu.vector_store %arg7[%swap3A_185], %swap3A_188 {strides = array<i32>} : memref<768xf32, #tpu.memory_space<vmem>>, vector<16xf32>,
    %swap3A_189 = arith.constant 640 : index
    %swap3A_190 = tpu.vector_load %arg7[%swap3A_189] {strides = array<i32>} : memref<768xf32, #tpu.memory_space<vmem>>, vector<16xf32>,
    %swap3A_191 = vector.shape_cast %swap3A_190 : vector<16xf32> to vector<16xf32>
    %swap3A_192 = vector.shape_cast %while3A_70#8 : vector<16xf32> to vector<16xf32>
    tpu.vector_store %arg7[%swap3A_189], %swap3A_192 {strides = array<i32>} : memref<768xf32, #tpu.memory_space<vmem>>, vector<16xf32>,
    %swap3A_193 = arith.constant 144 : index
    %swap3A_194 = tpu.vector_load %arg7[%swap3A_193] {strides = array<i32>} : memref<768xf32, #tpu.memory_space<vmem>>, vector<16xf32>,
    %swap3A_195 = vector.shape_cast %swap3A_194 : vector<16xf32> to vector<16xf32>
    %swap3A_196 = vector.shape_cast %while3A_70#25 : vector<16xf32> to vector<16xf32>
    tpu.vector_store %arg7[%swap3A_193], %swap3A_196 {strides = array<i32>} : memref<768xf32, #tpu.memory_space<vmem>>, vector<16xf32>,
    %mul3A_197 = arith.mulf %while3A_70#9, %div3A_75 : vector<16xf32>
    %swap3A_198 = arith.constant 400 : index
    %swap3A_199 = tpu.vector_load %arg7[%swap3A_198] {strides = array<i32>} : memref<768xf32, #tpu.memory_space<vmem>>, vector<16xf32>,
    %swap3A_200 = vector.shape_cast %swap3A_199 : vector<16xf32> to vector<16xf32>
    %swap3A_201 = vector.shape_cast %mul3A_197 : vector<16xf32> to vector<16xf32>
    tpu.vector_store %arg7[%swap3A_198], %swap3A_201 {strides = array<i32>} : memref<768xf32, #tpu.memory_space<vmem>>, vector<16xf32>,
    %swap3A_202 = arith.constant 656 : index
    %swap3A_203 = tpu.vector_load %arg7[%swap3A_202] {strides = array<i32>} : memref<768xf32, #tpu.memory_space<vmem>>, vector<16xf32>,
    %swap3A_204 = vector.shape_cast %swap3A_203 : vector<16xf32> to vector<16xf32>
    %swap3A_205 = vector.shape_cast %while3A_70#9 : vector<16xf32> to vector<16xf32>
    tpu.vector_store %arg7[%swap3A_202], %swap3A_205 {strides = array<i32>} : memref<768xf32, #tpu.memory_space<vmem>>, vector<16xf32>,
    %swap3A_206 = arith.constant 160 : index
    %swap3A_207 = tpu.vector_load %arg7[%swap3A_206] {strides = array<i32>} : memref<768xf32, #tpu.memory_space<vmem>>, vector<16xf32>,
    %swap3A_208 = vector.shape_cast %swap3A_207 : vector<16xf32> to vector<16xf32>
    %swap3A_209 = vector.shape_cast %while3A_70#26 : vector<16xf32> to vector<16xf32>
    tpu.vector_store %arg7[%swap3A_206], %swap3A_209 {strides = array<i32>} : memref<768xf32, #tpu.memory_space<vmem>>, vector<16xf32>,
    %mul3A_210 = arith.mulf %while3A_70#10, %div3A_75 : vector<16xf32>
    %swap3A_211 = arith.constant 416 : index
    %swap3A_212 = tpu.vector_load %arg7[%swap3A_211] {strides = array<i32>} : memref<768xf32, #tpu.memory_space<vmem>>, vector<16xf32>,
    %swap3A_213 = vector.shape_cast %swap3A_212 : vector<16xf32> to vector<16xf32>
    %swap3A_214 = vector.shape_cast %mul3A_210 : vector<16xf32> to vector<16xf32>
    tpu.vector_store %arg7[%swap3A_211], %swap3A_214 {strides = array<i32>} : memref<768xf32, #tpu.memory_space<vmem>>, vector<16xf32>,
    %swap3A_215 = arith.constant 672 : index
    %swap3A_216 = tpu.vector_load %arg7[%swap3A_215] {strides = array<i32>} : memref<768xf32, #tpu.memory_space<vmem>>, vector<16xf32>,
    %swap3A_217 = vector.shape_cast %swap3A_216 : vector<16xf32> to vector<16xf32>
    %swap3A_218 = vector.shape_cast %while3A_70#10 : vector<16xf32> to vector<16xf32>
    tpu.vector_store %arg7[%swap3A_215], %swap3A_218 {strides = array<i32>} : memref<768xf32, #tpu.memory_space<vmem>>, vector<16xf32>,
    %swap3A_219 = arith.constant 176 : index
    %swap3A_220 = tpu.vector_load %arg7[%swap3A_219] {strides = array<i32>} : memref<768xf32, #tpu.memory_space<vmem>>, vector<16xf32>,
    %swap3A_221 = vector.shape_cast %swap3A_220 : vector<16xf32> to vector<16xf32>
    %swap3A_222 = vector.shape_cast %while3A_70#27 : vector<16xf32> to vector<16xf32>
    tpu.vector_store %arg7[%swap3A_219], %swap3A_222 {strides = array<i32>} : memref<768xf32, #tpu.memory_space<vmem>>, vector<16xf32>,
    %mul3A_223 = arith.mulf %while3A_70#11, %div3A_75 : vector<16xf32>
    %swap3A_224 = arith.constant 432 : index
    %swap3A_225 = tpu.vector_load %arg7[%swap3A_224] {strides = array<i32>} : memref<768xf32, #tpu.memory_space<vmem>>, vector<16xf32>,
    %swap3A_226 = vector.shape_cast %swap3A_225 : vector<16xf32> to vector<16xf32>
    %swap3A_227 = vector.shape_cast %mul3A_223 : vector<16xf32> to vector<16xf32>
    tpu.vector_store %arg7[%swap3A_224], %swap3A_227 {strides = array<i32>} : memref<768xf32, #tpu.memory_space<vmem>>, vector<16xf32>,
    %swap3A_228 = arith.constant 688 : index
    %swap3A_229 = tpu.vector_load %arg7[%swap3A_228] {strides = array<i32>} : memref<768xf32, #tpu.memory_space<vmem>>, vector<16xf32>,
    %swap3A_230 = vector.shape_cast %swap3A_229 : vector<16xf32> to vector<16xf32>
    %swap3A_231 = vector.shape_cast %while3A_70#11 : vector<16xf32> to vector<16xf32>
    tpu.vector_store %arg7[%swap3A_228], %swap3A_231 {strides = array<i32>} : memref<768xf32, #tpu.memory_space<vmem>>, vector<16xf32>,
    %swap3A_232 = arith.constant 192 : index
    %swap3A_233 = tpu.vector_load %arg7[%swap3A_232] {strides = array<i32>} : memref<768xf32, #tpu.memory_space<vmem>>, vector<16xf32>,
    %swap3A_234 = vector.shape_cast %swap3A_233 : vector<16xf32> to vector<16xf32>
    %swap3A_235 = vector.shape_cast %while3A_70#28 : vector<16xf32> to vector<16xf32>
    tpu.vector_store %arg7[%swap3A_232], %swap3A_235 {strides = array<i32>} : memref<768xf32, #tpu.memory_space<vmem>>, vector<16xf32>,
    %mul3A_236 = arith.mulf %while3A_70#12, %div3A_75 : vector<16xf32>
    %swap3A_237 = arith.constant 448 : index
    %swap3A_238 = tpu.vector_load %arg7[%swap3A_237] {strides = array<i32>} : memref<768xf32, #tpu.memory_space<vmem>>, vector<16xf32>,
    %swap3A_239 = vector.shape_cast %swap3A_238 : vector<16xf32> to vector<16xf32>
    %swap3A_240 = vector.shape_cast %mul3A_236 : vector<16xf32> to vector<16xf32>
    tpu.vector_store %arg7[%swap3A_237], %swap3A_240 {strides = array<i32>} : memref<768xf32, #tpu.memory_space<vmem>>, vector<16xf32>,
    %swap3A_241 = arith.constant 704 : index
    %swap3A_242 = tpu.vector_load %arg7[%swap3A_241] {strides = array<i32>} : memref<768xf32, #tpu.memory_space<vmem>>, vector<16xf32>,
    %swap3A_243 = vector.shape_cast %swap3A_242 : vector<16xf32> to vector<16xf32>
    %swap3A_244 = vector.shape_cast %while3A_70#12 : vector<16xf32> to vector<16xf32>
    tpu.vector_store %arg7[%swap3A_241], %swap3A_244 {strides = array<i32>} : memref<768xf32, #tpu.memory_space<vmem>>, vector<16xf32>,
    %swap3A_245 = arith.constant 208 : index
    %swap3A_246 = tpu.vector_load %arg7[%swap3A_245] {strides = array<i32>} : memref<768xf32, #tpu.memory_space<vmem>>, vector<16xf32>,
    %swap3A_247 = vector.shape_cast %swap3A_246 : vector<16xf32> to vector<16xf32>
    %swap3A_248 = vector.shape_cast %while3A_70#29 : vector<16xf32> to vector<16xf32>
    tpu.vector_store %arg7[%swap3A_245], %swap3A_248 {strides = array<i32>} : memref<768xf32, #tpu.memory_space<vmem>>, vector<16xf32>,
    %mul3A_249 = arith.mulf %while3A_70#13, %div3A_75 : vector<16xf32>
    %swap3A_250 = arith.constant 464 : index
    %swap3A_251 = tpu.vector_load %arg7[%swap3A_250] {strides = array<i32>} : memref<768xf32, #tpu.memory_space<vmem>>, vector<16xf32>,
    %swap3A_252 = vector.shape_cast %swap3A_251 : vector<16xf32> to vector<16xf32>
    %swap3A_253 = vector.shape_cast %mul3A_249 : vector<16xf32> to vector<16xf32>
    tpu.vector_store %arg7[%swap3A_250], %swap3A_253 {strides = array<i32>} : memref<768xf32, #tpu.memory_space<vmem>>, vector<16xf32>,
    %swap3A_254 = arith.constant 720 : index
    %swap3A_255 = tpu.vector_load %arg7[%swap3A_254] {strides = array<i32>} : memref<768xf32, #tpu.memory_space<vmem>>, vector<16xf32>,
    %swap3A_256 = vector.shape_cast %swap3A_255 : vector<16xf32> to vector<16xf32>
    %swap3A_257 = vector.shape_cast %while3A_70#13 : vector<16xf32> to vector<16xf32>
    tpu.vector_store %arg7[%swap3A_254], %swap3A_257 {strides = array<i32>} : memref<768xf32, #tpu.memory_space<vmem>>, vector<16xf32>,
    %swap3A_258 = arith.constant 224 : index
    %swap3A_259 = tpu.vector_load %arg7[%swap3A_258] {strides = array<i32>} : memref<768xf32, #tpu.memory_space<vmem>>, vector<16xf32>,
    %swap3A_260 = vector.shape_cast %swap3A_259 : vector<16xf32> to vector<16xf32>
    %swap3A_261 = vector.shape_cast %while3A_70#30 : vector<16xf32> to vector<16xf32>
    tpu.vector_store %arg7[%swap3A_258], %swap3A_261 {strides = array<i32>} : memref<768xf32, #tpu.memory_space<vmem>>, vector<16xf32>,
    %mul3A_262 = arith.mulf %while3A_70#14, %div3A_75 : vector<16xf32>
    %swap3A_263 = arith.constant 480 : index
    %swap3A_264 = tpu.vector_load %arg7[%swap3A_263] {strides = array<i32>} : memref<768xf32, #tpu.memory_space<vmem>>, vector<16xf32>,
    %swap3A_265 = vector.shape_cast %swap3A_264 : vector<16xf32> to vector<16xf32>
    %swap3A_266 = vector.shape_cast %mul3A_262 : vector<16xf32> to vector<16xf32>
    tpu.vector_store %arg7[%swap3A_263], %swap3A_266 {strides = array<i32>} : memref<768xf32, #tpu.memory_space<vmem>>, vector<16xf32>,
    %swap3A_267 = arith.constant 736 : index
    %swap3A_268 = tpu.vector_load %arg7[%swap3A_267] {strides = array<i32>} : memref<768xf32, #tpu.memory_space<vmem>>, vector<16xf32>,
    %swap3A_269 = vector.shape_cast %swap3A_268 : vector<16xf32> to vector<16xf32>
    %swap3A_270 = vector.shape_cast %while3A_70#14 : vector<16xf32> to vector<16xf32>
    tpu.vector_store %arg7[%swap3A_267], %swap3A_270 {strides = array<i32>} : memref<768xf32, #tpu.memory_space<vmem>>, vector<16xf32>,
    %swap3A_271 = arith.constant 240 : index
    %swap3A_272 = tpu.vector_load %arg7[%swap3A_271] {strides = array<i32>} : memref<768xf32, #tpu.memory_space<vmem>>, vector<16xf32>,
    %swap3A_273 = vector.shape_cast %swap3A_272 : vector<16xf32> to vector<16xf32>
    %swap3A_274 = vector.shape_cast %while3A_70#31 : vector<16xf32> to vector<16xf32>
    tpu.vector_store %arg7[%swap3A_271], %swap3A_274 {strides = array<i32>} : memref<768xf32, #tpu.memory_space<vmem>>, vector<16xf32>,
    %mul3A_275 = arith.mulf %while3A_70#15, %div3A_75 : vector<16xf32>
    %swap3A_276 = arith.constant 496 : index
    %swap3A_277 = tpu.vector_load %arg7[%swap3A_276] {strides = array<i32>} : memref<768xf32, #tpu.memory_space<vmem>>, vector<16xf32>,
    %swap3A_278 = vector.shape_cast %swap3A_277 : vector<16xf32> to vector<16xf32>
    %swap3A_279 = vector.shape_cast %mul3A_275 : vector<16xf32> to vector<16xf32>
    tpu.vector_store %arg7[%swap3A_276], %swap3A_279 {strides = array<i32>} : memref<768xf32, #tpu.memory_space<vmem>>, vector<16xf32>,
    %swap3A_280 = arith.constant 752 : index
    %swap3A_281 = tpu.vector_load %arg7[%swap3A_280] {strides = array<i32>} : memref<768xf32, #tpu.memory_space<vmem>>, vector<16xf32>,
    %swap3A_282 = vector.shape_cast %swap3A_281 : vector<16xf32> to vector<16xf32>
    %swap3A_283 = vector.shape_cast %while3A_70#15 : vector<16xf32> to vector<16xf32>
    tpu.vector_store %arg7[%swap3A_280], %swap3A_283 {strides = array<i32>} : memref<768xf32, #tpu.memory_space<vmem>>, vector<16xf32>,
    %mul3A_284 = arith.constant 3 : i32
    %mul3A_285 = arith.muli %add3A_37, %mul3A_284 : i32
    %mul3A_286 = arith.constant 256 : i32
    %mul3A_287 = arith.muli %mul3A_285, %mul3A_286 : i32
    "tpu.region"() ({
      %run_scoped3A = tpu.sem_alloc : memref<!tpu.dma_semaphore, #tpu.memory_space<semaphore_mem>>
      %dma_start3A = tpu.memref_slice %arg4[%mul3A_287] : memref<49152xf32, #tpu.memory_space<hbm>> -> memref<768xf32, #tpu.memory_space<hbm>>
      %dma_start3A_551 = tpu.memref_slice %arg4[%mul3A_287] : memref<49152xf32, #tpu.memory_space<hbm>> -> memref<768xf32, #tpu.memory_space<hbm>>
      tpu.enqueue_dma source(%arg7 : memref<768xf32, #tpu.memory_space<vmem>>) target(%dma_start3A_551 : memref<768xf32, #tpu.memory_space<hbm>>) target_semaphore(%run_scoped3A : memref<!tpu.dma_semaphore, #tpu.memory_space<semaphore_mem>>)
      %dma_wait3A = tpu.memref_slice %arg4[%mul3A_287] : memref<49152xf32, #tpu.memory_space<hbm>> -> memref<768xf32, #tpu.memory_space<hbm>>
      %dma_wait3A_552 = tpu.memref_slice %arg4[%mul3A_287] : memref<49152xf32, #tpu.memory_space<hbm>> -> memref<768xf32, #tpu.memory_space<hbm>>
      tpu.wait_dma2 semaphore(%run_scoped3A : memref<!tpu.dma_semaphore, #tpu.memory_space<semaphore_mem>>) src(%arg7 : memref<768xf32, #tpu.memory_space<vmem>>) dst(%dma_wait3A_552 : memref<768xf32, #tpu.memory_space<hbm>>)
      tpu.yield
    }) : () -> ()
    %add3A_288 = arith.constant 1 : i32
    %add3A_289 = arith.addi %mul3A_6, %add3A_288 : i32
    %sub3A_290 = arith.subi %scan3A_34#0, %scan3A_24#0 : i32
    %add3A_291 = arith.constant 63 : i32
    %add3A_292 = arith.addi %sub3A_290, %add3A_291 : i32
    %jit3A_293 = arith.constant 64 : i32
    %div3A_294 = arith.divsi %add3A_292, %jit3A_293 : i32
    %sign3A_295 = arith.constant 0 : i32
    %sign3A_296 = arith.cmpi sgt, %add3A_292, %sign3A_295 : i32
    %sign3A_297 = arith.extui %sign3A_296 : i1 to i32
    %sign3A_298 = arith.constant 0 : i32
    %sign3A_299 = arith.cmpi slt, %add3A_292, %sign3A_298 : i32
    %sign3A_300 = arith.extui %sign3A_299 : i1 to i32
    %sign3A_301 = arith.subi %sign3A_297, %sign3A_300 : i32
    %sign3A_302 = arith.constant 0 : i32
    %sign3A_303 = arith.cmpi sgt, %jit3A_293, %sign3A_302 : i32
    %sign3A_304 = arith.extui %sign3A_303 : i1 to i32
    %sign3A_305 = arith.constant 0 : i32
    %sign3A_306 = arith.cmpi slt, %jit3A_293, %sign3A_305 : i32
    %sign3A_307 = arith.extui %sign3A_306 : i1 to i32
    %sign3A_308 = arith.subi %sign3A_304, %sign3A_307 : i32
    %ne3A_309 = arith.cmpi ne, %sign3A_301, %sign3A_308 : i32
    %rem3A_310 = arith.remsi %add3A_292, %jit3A_293 : i32
    %ne3A_311 = arith.constant 0 : i32
    %ne3A_312 = arith.cmpi ne, %rem3A_310, %ne3A_311 : i32
    %and3A_313 = arith.andi %ne3A_309, %ne3A_312 : i1
    %sub3A_314 = arith.constant 1 : i32
    %sub3A_315 = arith.subi %div3A_294, %sub3A_314 : i32
    %select_n3A_316 = arith.select %and3A_313, %sub3A_315, %div3A_294 : i32
    %broadcast_in_dim3A_317 = arith.constant 0.000000e+00 : f32
    %broadcast_in_dim3A_318 = vector.broadcast %broadcast_in_dim3A_317 : f32 to vector<16xf32>
    %broadcast_in_dim3A_319 = arith.constant 0xFF800000 : f32
    %broadcast_in_dim3A_320 = vector.broadcast %broadcast_in_dim3A_319 : f32 to vector<16xf32>
    %while3A_321 = arith.constant 0 : i32
    %while3A_322 = arith.subi %select_n3A_316, %while3A_321 : i32
    %while3A_323 = arith.addi %while3A_321, %while3A_322 : i32
    %while3A_324 = arith.constant 1 : i32
    %while3A_325 = arith.divsi %while3A_322, %while3A_324 : i32
    %while3A_326 = arith.muli %while3A_325, %while3A_324 : i32
    %while3A_327 = arith.addi %while3A_321, %while3A_326 : i32
    %while3A_328 = arith.constant 1 : i32
    %while3A_329:32 = scf.for %while3A_551 = %while3A_321 to %while3A_327 step %while3A_328 iter_args(%while3A_552 = %broadcast_in_dim3A_318, %while3A_553 = %broadcast_in_dim3A_318, %while3A_554 = %broadcast_in_dim3A_318, %while3A_555 = %broadcast_in_dim3A_318, %while3A_556 = %broadcast_in_dim3A_318, %while3A_557 = %broadcast_in_dim3A_318, %while3A_558 = %broadcast_in_dim3A_318, %while3A_559 = %broadcast_in_dim3A_318, %while3A_560 = %broadcast_in_dim3A_318, %while3A_561 = %broadcast_in_dim3A_318, %while3A_562 = %broadcast_in_dim3A_318, %while3A_563 = %broadcast_in_dim3A_318, %while3A_564 = %broadcast_in_dim3A_318, %while3A_565 = %broadcast_in_dim3A_318, %while3A_566 = %broadcast_in_dim3A_318, %while3A_567 = %broadcast_in_dim3A_318, %while3A_568 = %broadcast_in_dim3A_320, %while3A_569 = %broadcast_in_dim3A_320, %while3A_570 = %broadcast_in_dim3A_320, %while3A_571 = %broadcast_in_dim3A_320, %while3A_572 = %broadcast_in_dim3A_320, %while3A_573 = %broadcast_in_dim3A_320, %while3A_574 = %broadcast_in_dim3A_320, %while3A_575 = %broadcast_in_dim3A_320, %while3A_576 = %broadcast_in_dim3A_320, %while3A_577 = %broadcast_in_dim3A_320, %while3A_578 = %broadcast_in_dim3A_320, %while3A_579 = %broadcast_in_dim3A_320, %while3A_580 = %broadcast_in_dim3A_320, %while3A_581 = %broadcast_in_dim3A_320, %while3A_582 = %broadcast_in_dim3A_320, %while3A_583 = %broadcast_in_dim3A_320) -> (vector<16xf32>, vector<16xf32>, vector<16xf32>, vector<16xf32>, vector<16xf32>, vector<16xf32>, vector<16xf32>, vector<16xf32>, vector<16xf32>, vector<16xf32>, vector<16xf32>, vector<16xf32>, vector<16xf32>, vector<16xf32>, vector<16xf32>, vector<16xf32>, vector<16xf32>, vector<16xf32>, vector<16xf32>, vector<16xf32>, vector<16xf32>, vector<16xf32>, vector<16xf32>, vector<16xf32>, vector<16xf32>, vector<16xf32>, vector<16xf32>, vector<16xf32>, vector<16xf32>, vector<16xf32>, vector<16xf32>, vector<16xf32>)  : i32 {
      %mul3A_584 = arith.constant 64 : i32
      %mul3A_585 = arith.muli %while3A_551, %mul3A_584 : i32
      %add3A_586 = arith.addi %scan3A_24#0, %mul3A_585 : i32
      %min3A = arith.constant 9936 : i32
      %min3A_587 = arith.minsi %add3A_586, %min3A : i32
      %sub3A_588 = arith.subi %add3A_586, %min3A_587 : i32
      %sub3A_589 = arith.subi %scan3A_34#0, %add3A_586 : i32
      %min3A_590 = arith.constant 64 : i32
      %min3A_591 = arith.minsi %min3A_590, %sub3A_589 : i32
      %add3A_592 = arith.addi %sub3A_588, %min3A_591 : i32
      %mul3A_593 = arith.constant 256 : i32
      %mul3A_594 = arith.muli %min3A_587, %mul3A_593 : i32
      "tpu.region"() ({
        %run_scoped3A = tpu.sem_alloc : memref<!tpu.dma_semaphore, #tpu.memory_space<semaphore_mem>>
        %dma_start3A = tpu.memref_slice %arg2[%mul3A_594] : memref<2560000xf32, #tpu.memory_space<hbm>> -> memref<16384xf32, #tpu.memory_space<hbm>>
        %dma_start3A_605 = tpu.memref_slice %arg2[%mul3A_594] : memref<2560000xf32, #tpu.memory_space<hbm>> -> memref<16384xf32, #tpu.memory_space<hbm>>
        tpu.enqueue_dma source(%dma_start3A_605 : memref<16384xf32, #tpu.memory_space<hbm>>) target(%arg6 : memref<16384xf32, #tpu.memory_space<vmem>>) target_semaphore(%run_scoped3A : memref<!tpu.dma_semaphore, #tpu.memory_space<semaphore_mem>>)
        %dma_wait3A = tpu.memref_slice %arg2[%mul3A_594] : memref<2560000xf32, #tpu.memory_space<hbm>> -> memref<16384xf32, #tpu.memory_space<hbm>>
        %dma_wait3A_606 = tpu.memref_slice %arg2[%mul3A_594] : memref<2560000xf32, #tpu.memory_space<hbm>> -> memref<16384xf32, #tpu.memory_space<hbm>>
        tpu.wait_dma2 semaphore(%run_scoped3A : memref<!tpu.dma_semaphore, #tpu.memory_space<semaphore_mem>>) src(%dma_wait3A_606 : memref<16384xf32, #tpu.memory_space<hbm>>) dst(%arg6 : memref<16384xf32, #tpu.memory_space<vmem>>)
        tpu.yield
      }) : () -> ()
      %while3A_595 = arith.subi %add3A_592, %sub3A_588 : i32
      %while3A_596 = arith.addi %sub3A_588, %while3A_595 : i32
      %while3A_597 = arith.constant 1 : i32
      %while3A_598 = arith.divsi %while3A_595, %while3A_597 : i32
      %while3A_599 = arith.muli %while3A_598, %while3A_597 : i32
      %while3A_600 = arith.addi %sub3A_588, %while3A_599 : i32
      %while3A_601 = arith.constant 1 : i32
      %while3A_602:32 = scf.for %while3A_605 = %sub3A_588 to %while3A_600 step %while3A_601 iter_args(%while3A_606 = %while3A_552, %while3A_607 = %while3A_553, %while3A_608 = %while3A_554, %while3A_609 = %while3A_555, %while3A_610 = %while3A_556, %while3A_611 = %while3A_557, %while3A_612 = %while3A_558, %while3A_613 = %while3A_559, %while3A_614 = %while3A_560, %while3A_615 = %while3A_561, %while3A_616 = %while3A_562, %while3A_617 = %while3A_563, %while3A_618 = %while3A_564, %while3A_619 = %while3A_565, %while3A_620 = %while3A_566, %while3A_621 = %while3A_567, %while3A_622 = %while3A_568, %while3A_623 = %while3A_569, %while3A_624 = %while3A_570, %while3A_625 = %while3A_571, %while3A_626 = %while3A_572, %while3A_627 = %while3A_573, %while3A_628 = %while3A_574, %while3A_629 = %while3A_575, %while3A_630 = %while3A_576, %while3A_631 = %while3A_577, %while3A_632 = %while3A_578, %while3A_633 = %while3A_579, %while3A_634 = %while3A_580, %while3A_635 = %while3A_581, %while3A_636 = %while3A_582, %while3A_637 = %while3A_583) -> (vector<16xf32>, vector<16xf32>, vector<16xf32>, vector<16xf32>, vector<16xf32>, vector<16xf32>, vector<16xf32>, vector<16xf32>, vector<16xf32>, vector<16xf32>, vector<16xf32>, vector<16xf32>, vector<16xf32>, vector<16xf32>, vector<16xf32>, vector<16xf32>, vector<16xf32>, vector<16xf32>, vector<16xf32>, vector<16xf32>, vector<16xf32>, vector<16xf32>, vector<16xf32>, vector<16xf32>, vector<16xf32>, vector<16xf32>, vector<16xf32>, vector<16xf32>, vector<16xf32>, vector<16xf32>, vector<16xf32>, vector<16xf32>)  : i32 {
        %mul3A_638 = arith.constant 256 : i32
        %mul3A_639 = arith.muli %while3A_605, %mul3A_638 : i32
        %add3A_640 = arith.constant 0 : i32
        %add3A_641 = arith.addi %mul3A_639, %add3A_640 : i32
        %get3A = arith.index_cast %add3A_641 : i32 to index
        %get3A_642 = tpu.vector_load %arg6[%get3A] {strides = array<i32>} : memref<16384xf32, #tpu.memory_space<vmem>>, vector<16xf32>,
        %get3A_643 = vector.shape_cast %get3A_642 : vector<16xf32> to vector<16xf32>
        %add3A_644 = arith.addf %while3A_606, %get3A_643 : vector<16xf32>
        %max3A_645 = arith.maximumf %while3A_622, %get3A_643 : vector<16xf32>
        %mul3A_646 = arith.constant 256 : i32
        %mul3A_647 = arith.muli %while3A_605, %mul3A_646 : i32
        %add3A_648 = arith.constant 16 : i32
        %add3A_649 = arith.addi %mul3A_647, %add3A_648 : i32
        %get3A_650 = arith.index_cast %add3A_649 : i32 to index
        %get3A_651 = tpu.vector_load %arg6[%get3A_650] {strides = array<i32>} : memref<16384xf32, #tpu.memory_space<vmem>>, vector<16xf32>,
        %get3A_652 = vector.shape_cast %get3A_651 : vector<16xf32> to vector<16xf32>
        %add3A_653 = arith.addf %while3A_607, %get3A_652 : vector<16xf32>
        %max3A_654 = arith.maximumf %while3A_623, %get3A_652 : vector<16xf32>
        %mul3A_655 = arith.constant 256 : i32
        %mul3A_656 = arith.muli %while3A_605, %mul3A_655 : i32
        %add3A_657 = arith.constant 32 : i32
        %add3A_658 = arith.addi %mul3A_656, %add3A_657 : i32
        %get3A_659 = arith.index_cast %add3A_658 : i32 to index
        %get3A_660 = tpu.vector_load %arg6[%get3A_659] {strides = array<i32>} : memref<16384xf32, #tpu.memory_space<vmem>>, vector<16xf32>,
        %get3A_661 = vector.shape_cast %get3A_660 : vector<16xf32> to vector<16xf32>
        %add3A_662 = arith.addf %while3A_608, %get3A_661 : vector<16xf32>
        %max3A_663 = arith.maximumf %while3A_624, %get3A_661 : vector<16xf32>
        %mul3A_664 = arith.constant 256 : i32
        %mul3A_665 = arith.muli %while3A_605, %mul3A_664 : i32
        %add3A_666 = arith.constant 48 : i32
        %add3A_667 = arith.addi %mul3A_665, %add3A_666 : i32
        %get3A_668 = arith.index_cast %add3A_667 : i32 to index
        %get3A_669 = tpu.vector_load %arg6[%get3A_668] {strides = array<i32>} : memref<16384xf32, #tpu.memory_space<vmem>>, vector<16xf32>,
        %get3A_670 = vector.shape_cast %get3A_669 : vector<16xf32> to vector<16xf32>
        %add3A_671 = arith.addf %while3A_609, %get3A_670 : vector<16xf32>
        %max3A_672 = arith.maximumf %while3A_625, %get3A_670 : vector<16xf32>
        %mul3A_673 = arith.constant 256 : i32
        %mul3A_674 = arith.muli %while3A_605, %mul3A_673 : i32
        %add3A_675 = arith.constant 64 : i32
        %add3A_676 = arith.addi %mul3A_674, %add3A_675 : i32
        %get3A_677 = arith.index_cast %add3A_676 : i32 to index
        %get3A_678 = tpu.vector_load %arg6[%get3A_677] {strides = array<i32>} : memref<16384xf32, #tpu.memory_space<vmem>>, vector<16xf32>,
        %get3A_679 = vector.shape_cast %get3A_678 : vector<16xf32> to vector<16xf32>
        %add3A_680 = arith.addf %while3A_610, %get3A_679 : vector<16xf32>
        %max3A_681 = arith.maximumf %while3A_626, %get3A_679 : vector<16xf32>
        %mul3A_682 = arith.constant 256 : i32
        %mul3A_683 = arith.muli %while3A_605, %mul3A_682 : i32
        %add3A_684 = arith.constant 80 : i32
        %add3A_685 = arith.addi %mul3A_683, %add3A_684 : i32
        %get3A_686 = arith.index_cast %add3A_685 : i32 to index
        %get3A_687 = tpu.vector_load %arg6[%get3A_686] {strides = array<i32>} : memref<16384xf32, #tpu.memory_space<vmem>>, vector<16xf32>,
        %get3A_688 = vector.shape_cast %get3A_687 : vector<16xf32> to vector<16xf32>
        %add3A_689 = arith.addf %while3A_611, %get3A_688 : vector<16xf32>
        %max3A_690 = arith.maximumf %while3A_627, %get3A_688 : vector<16xf32>
        %mul3A_691 = arith.constant 256 : i32
        %mul3A_692 = arith.muli %while3A_605, %mul3A_691 : i32
        %add3A_693 = arith.constant 96 : i32
        %add3A_694 = arith.addi %mul3A_692, %add3A_693 : i32
        %get3A_695 = arith.index_cast %add3A_694 : i32 to index
        %get3A_696 = tpu.vector_load %arg6[%get3A_695] {strides = array<i32>} : memref<16384xf32, #tpu.memory_space<vmem>>, vector<16xf32>,
        %get3A_697 = vector.shape_cast %get3A_696 : vector<16xf32> to vector<16xf32>
        %add3A_698 = arith.addf %while3A_612, %get3A_697 : vector<16xf32>
        %max3A_699 = arith.maximumf %while3A_628, %get3A_697 : vector<16xf32>
        %mul3A_700 = arith.constant 256 : i32
        %mul3A_701 = arith.muli %while3A_605, %mul3A_700 : i32
        %add3A_702 = arith.constant 112 : i32
        %add3A_703 = arith.addi %mul3A_701, %add3A_702 : i32
        %get3A_704 = arith.index_cast %add3A_703 : i32 to index
        %get3A_705 = tpu.vector_load %arg6[%get3A_704] {strides = array<i32>} : memref<16384xf32, #tpu.memory_space<vmem>>, vector<16xf32>,
        %get3A_706 = vector.shape_cast %get3A_705 : vector<16xf32> to vector<16xf32>
        %add3A_707 = arith.addf %while3A_613, %get3A_706 : vector<16xf32>
        %max3A_708 = arith.maximumf %while3A_629, %get3A_706 : vector<16xf32>
        %mul3A_709 = arith.constant 256 : i32
        %mul3A_710 = arith.muli %while3A_605, %mul3A_709 : i32
        %add3A_711 = arith.constant 128 : i32
        %add3A_712 = arith.addi %mul3A_710, %add3A_711 : i32
        %get3A_713 = arith.index_cast %add3A_712 : i32 to index
        %get3A_714 = tpu.vector_load %arg6[%get3A_713] {strides = array<i32>} : memref<16384xf32, #tpu.memory_space<vmem>>, vector<16xf32>,
        %get3A_715 = vector.shape_cast %get3A_714 : vector<16xf32> to vector<16xf32>
        %add3A_716 = arith.addf %while3A_614, %get3A_715 : vector<16xf32>
        %max3A_717 = arith.maximumf %while3A_630, %get3A_715 : vector<16xf32>
        %mul3A_718 = arith.constant 256 : i32
        %mul3A_719 = arith.muli %while3A_605, %mul3A_718 : i32
        %add3A_720 = arith.constant 144 : i32
        %add3A_721 = arith.addi %mul3A_719, %add3A_720 : i32
        %get3A_722 = arith.index_cast %add3A_721 : i32 to index
        %get3A_723 = tpu.vector_load %arg6[%get3A_722] {strides = array<i32>} : memref<16384xf32, #tpu.memory_space<vmem>>, vector<16xf32>,
        %get3A_724 = vector.shape_cast %get3A_723 : vector<16xf32> to vector<16xf32>
        %add3A_725 = arith.addf %while3A_615, %get3A_724 : vector<16xf32>
        %max3A_726 = arith.maximumf %while3A_631, %get3A_724 : vector<16xf32>
        %mul3A_727 = arith.constant 256 : i32
        %mul3A_728 = arith.muli %while3A_605, %mul3A_727 : i32
        %add3A_729 = arith.constant 160 : i32
        %add3A_730 = arith.addi %mul3A_728, %add3A_729 : i32
        %get3A_731 = arith.index_cast %add3A_730 : i32 to index
        %get3A_732 = tpu.vector_load %arg6[%get3A_731] {strides = array<i32>} : memref<16384xf32, #tpu.memory_space<vmem>>, vector<16xf32>,
        %get3A_733 = vector.shape_cast %get3A_732 : vector<16xf32> to vector<16xf32>
        %add3A_734 = arith.addf %while3A_616, %get3A_733 : vector<16xf32>
        %max3A_735 = arith.maximumf %while3A_632, %get3A_733 : vector<16xf32>
        %mul3A_736 = arith.constant 256 : i32
        %mul3A_737 = arith.muli %while3A_605, %mul3A_736 : i32
        %add3A_738 = arith.constant 176 : i32
        %add3A_739 = arith.addi %mul3A_737, %add3A_738 : i32
        %get3A_740 = arith.index_cast %add3A_739 : i32 to index
        %get3A_741 = tpu.vector_load %arg6[%get3A_740] {strides = array<i32>} : memref<16384xf32, #tpu.memory_space<vmem>>, vector<16xf32>,
        %get3A_742 = vector.shape_cast %get3A_741 : vector<16xf32> to vector<16xf32>
        %add3A_743 = arith.addf %while3A_617, %get3A_742 : vector<16xf32>
        %max3A_744 = arith.maximumf %while3A_633, %get3A_742 : vector<16xf32>
        %mul3A_745 = arith.constant 256 : i32
        %mul3A_746 = arith.muli %while3A_605, %mul3A_745 : i32
        %add3A_747 = arith.constant 192 : i32
        %add3A_748 = arith.addi %mul3A_746, %add3A_747 : i32
        %get3A_749 = arith.index_cast %add3A_748 : i32 to index
        %get3A_750 = tpu.vector_load %arg6[%get3A_749] {strides = array<i32>} : memref<16384xf32, #tpu.memory_space<vmem>>, vector<16xf32>,
        %get3A_751 = vector.shape_cast %get3A_750 : vector<16xf32> to vector<16xf32>
        %add3A_752 = arith.addf %while3A_618, %get3A_751 : vector<16xf32>
        %max3A_753 = arith.maximumf %while3A_634, %get3A_751 : vector<16xf32>
        %mul3A_754 = arith.constant 256 : i32
        %mul3A_755 = arith.muli %while3A_605, %mul3A_754 : i32
        %add3A_756 = arith.constant 208 : i32
        %add3A_757 = arith.addi %mul3A_755, %add3A_756 : i32
        %get3A_758 = arith.index_cast %add3A_757 : i32 to index
        %get3A_759 = tpu.vector_load %arg6[%get3A_758] {strides = array<i32>} : memref<16384xf32, #tpu.memory_space<vmem>>, vector<16xf32>,
        %get3A_760 = vector.shape_cast %get3A_759 : vector<16xf32> to vector<16xf32>
        %add3A_761 = arith.addf %while3A_619, %get3A_760 : vector<16xf32>
        %max3A_762 = arith.maximumf %while3A_635, %get3A_760 : vector<16xf32>
        %mul3A_763 = arith.constant 256 : i32
        %mul3A_764 = arith.muli %while3A_605, %mul3A_763 : i32
        %add3A_765 = arith.constant 224 : i32
        %add3A_766 = arith.addi %mul3A_764, %add3A_765 : i32
        %get3A_767 = arith.index_cast %add3A_766 : i32 to index
        %get3A_768 = tpu.vector_load %arg6[%get3A_767] {strides = array<i32>} : memref<16384xf32, #tpu.memory_space<vmem>>, vector<16xf32>,
        %get3A_769 = vector.shape_cast %get3A_768 : vector<16xf32> to vector<16xf32>
        %add3A_770 = arith.addf %while3A_620, %get3A_769 : vector<16xf32>
        %max3A_771 = arith.maximumf %while3A_636, %get3A_769 : vector<16xf32>
        %mul3A_772 = arith.constant 256 : i32
        %mul3A_773 = arith.muli %while3A_605, %mul3A_772 : i32
        %add3A_774 = arith.constant 240 : i32
        %add3A_775 = arith.addi %mul3A_773, %add3A_774 : i32
        %get3A_776 = arith.index_cast %add3A_775 : i32 to index
        %get3A_777 = tpu.vector_load %arg6[%get3A_776] {strides = array<i32>} : memref<16384xf32, #tpu.memory_space<vmem>>, vector<16xf32>,
        %get3A_778 = vector.shape_cast %get3A_777 : vector<16xf32> to vector<16xf32>
        %add3A_779 = arith.addf %while3A_621, %get3A_778 : vector<16xf32>
        %max3A_780 = arith.maximumf %while3A_637, %get3A_778 : vector<16xf32>
        scf.yield %add3A_644, %add3A_653, %add3A_662, %add3A_671, %add3A_680, %add3A_689, %add3A_698, %add3A_707, %add3A_716, %add3A_725, %add3A_734, %add3A_743, %add3A_752, %add3A_761, %add3A_770, %add3A_779, %max3A_645, %max3A_654, %max3A_663, %max3A_672, %max3A_681, %max3A_690, %max3A_699, %max3A_708, %max3A_717, %max3A_726, %max3A_735, %max3A_744, %max3A_753, %max3A_762, %max3A_771, %max3A_780 : vector<16xf32>, vector<16xf32>, vector<16xf32>, vector<16xf32>, vector<16xf32>, vector<16xf32>, vector<16xf32>, vector<16xf32>, vector<16xf32>, vector<16xf32>, vector<16xf32>, vector<16xf32>, vector<16xf32>, vector<16xf32>, vector<16xf32>, vector<16xf32>, vector<16xf32>, vector<16xf32>, vector<16xf32>, vector<16xf32>, vector<16xf32>, vector<16xf32>, vector<16xf32>, vector<16xf32>, vector<16xf32>, vector<16xf32>, vector<16xf32>, vector<16xf32>, vector<16xf32>, vector<16xf32>, vector<16xf32>, vector<16xf32>
      }
      %while3A_603 = arith.constant 1 : i32
      %while3A_604:32 = scf.for %while3A_605 = %while3A_600 to %while3A_596 step %while3A_603 iter_args(%while3A_606 = %while3A_602#0, %while3A_607 = %while3A_602#1, %while3A_608 = %while3A_602#2, %while3A_609 = %while3A_602#3, %while3A_610 = %while3A_602#4, %while3A_611 = %while3A_602#5, %while3A_612 = %while3A_602#6, %while3A_613 = %while3A_602#7, %while3A_614 = %while3A_602#8, %while3A_615 = %while3A_602#9, %while3A_616 = %while3A_602#10, %while3A_617 = %while3A_602#11, %while3A_618 = %while3A_602#12, %while3A_619 = %while3A_602#13, %while3A_620 = %while3A_602#14, %while3A_621 = %while3A_602#15, %while3A_622 = %while3A_602#16, %while3A_623 = %while3A_602#17, %while3A_624 = %while3A_602#18, %while3A_625 = %while3A_602#19, %while3A_626 = %while3A_602#20, %while3A_627 = %while3A_602#21, %while3A_628 = %while3A_602#22, %while3A_629 = %while3A_602#23, %while3A_630 = %while3A_602#24, %while3A_631 = %while3A_602#25, %while3A_632 = %while3A_602#26, %while3A_633 = %while3A_602#27, %while3A_634 = %while3A_602#28, %while3A_635 = %while3A_602#29, %while3A_636 = %while3A_602#30, %while3A_637 = %while3A_602#31) -> (vector<16xf32>, vector<16xf32>, vector<16xf32>, vector<16xf32>, vector<16xf32>, vector<16xf32>, vector<16xf32>, vector<16xf32>, vector<16xf32>, vector<16xf32>, vector<16xf32>, vector<16xf32>, vector<16xf32>, vector<16xf32>, vector<16xf32>, vector<16xf32>, vector<16xf32>, vector<16xf32>, vector<16xf32>, vector<16xf32>, vector<16xf32>, vector<16xf32>, vector<16xf32>, vector<16xf32>, vector<16xf32>, vector<16xf32>, vector<16xf32>, vector<16xf32>, vector<16xf32>, vector<16xf32>, vector<16xf32>, vector<16xf32>)  : i32 {
        %mul3A_638 = arith.constant 256 : i32
        %mul3A_639 = arith.muli %while3A_605, %mul3A_638 : i32
        %add3A_640 = arith.constant 0 : i32
        %add3A_641 = arith.addi %mul3A_639, %add3A_640 : i32
        %get3A = arith.index_cast %add3A_641 : i32 to index
        %get3A_642 = tpu.vector_load %arg6[%get3A] {strides = array<i32>} : memref<16384xf32, #tpu.memory_space<vmem>>, vector<16xf32>,
        %get3A_643 = vector.shape_cast %get3A_642 : vector<16xf32> to vector<16xf32>
        %add3A_644 = arith.addf %while3A_606, %get3A_643 : vector<16xf32>
        %max3A_645 = arith.maximumf %while3A_622, %get3A_643 : vector<16xf32>
        %mul3A_646 = arith.constant 256 : i32
        %mul3A_647 = arith.muli %while3A_605, %mul3A_646 : i32
        %add3A_648 = arith.constant 16 : i32
        %add3A_649 = arith.addi %mul3A_647, %add3A_648 : i32
        %get3A_650 = arith.index_cast %add3A_649 : i32 to index
        %get3A_651 = tpu.vector_load %arg6[%get3A_650] {strides = array<i32>} : memref<16384xf32, #tpu.memory_space<vmem>>, vector<16xf32>,
        %get3A_652 = vector.shape_cast %get3A_651 : vector<16xf32> to vector<16xf32>
        %add3A_653 = arith.addf %while3A_607, %get3A_652 : vector<16xf32>
        %max3A_654 = arith.maximumf %while3A_623, %get3A_652 : vector<16xf32>
        %mul3A_655 = arith.constant 256 : i32
        %mul3A_656 = arith.muli %while3A_605, %mul3A_655 : i32
        %add3A_657 = arith.constant 32 : i32
        %add3A_658 = arith.addi %mul3A_656, %add3A_657 : i32
        %get3A_659 = arith.index_cast %add3A_658 : i32 to index
        %get3A_660 = tpu.vector_load %arg6[%get3A_659] {strides = array<i32>} : memref<16384xf32, #tpu.memory_space<vmem>>, vector<16xf32>,
        %get3A_661 = vector.shape_cast %get3A_660 : vector<16xf32> to vector<16xf32>
        %add3A_662 = arith.addf %while3A_608, %get3A_661 : vector<16xf32>
        %max3A_663 = arith.maximumf %while3A_624, %get3A_661 : vector<16xf32>
        %mul3A_664 = arith.constant 256 : i32
        %mul3A_665 = arith.muli %while3A_605, %mul3A_664 : i32
        %add3A_666 = arith.constant 48 : i32
        %add3A_667 = arith.addi %mul3A_665, %add3A_666 : i32
        %get3A_668 = arith.index_cast %add3A_667 : i32 to index
        %get3A_669 = tpu.vector_load %arg6[%get3A_668] {strides = array<i32>} : memref<16384xf32, #tpu.memory_space<vmem>>, vector<16xf32>,
        %get3A_670 = vector.shape_cast %get3A_669 : vector<16xf32> to vector<16xf32>
        %add3A_671 = arith.addf %while3A_609, %get3A_670 : vector<16xf32>
        %max3A_672 = arith.maximumf %while3A_625, %get3A_670 : vector<16xf32>
        %mul3A_673 = arith.constant 256 : i32
        %mul3A_674 = arith.muli %while3A_605, %mul3A_673 : i32
        %add3A_675 = arith.constant 64 : i32
        %add3A_676 = arith.addi %mul3A_674, %add3A_675 : i32
        %get3A_677 = arith.index_cast %add3A_676 : i32 to index
        %get3A_678 = tpu.vector_load %arg6[%get3A_677] {strides = array<i32>} : memref<16384xf32, #tpu.memory_space<vmem>>, vector<16xf32>,
        %get3A_679 = vector.shape_cast %get3A_678 : vector<16xf32> to vector<16xf32>
        %add3A_680 = arith.addf %while3A_610, %get3A_679 : vector<16xf32>
        %max3A_681 = arith.maximumf %while3A_626, %get3A_679 : vector<16xf32>
        %mul3A_682 = arith.constant 256 : i32
        %mul3A_683 = arith.muli %while3A_605, %mul3A_682 : i32
        %add3A_684 = arith.constant 80 : i32
        %add3A_685 = arith.addi %mul3A_683, %add3A_684 : i32
        %get3A_686 = arith.index_cast %add3A_685 : i32 to index
        %get3A_687 = tpu.vector_load %arg6[%get3A_686] {strides = array<i32>} : memref<16384xf32, #tpu.memory_space<vmem>>, vector<16xf32>,
        %get3A_688 = vector.shape_cast %get3A_687 : vector<16xf32> to vector<16xf32>
        %add3A_689 = arith.addf %while3A_611, %get3A_688 : vector<16xf32>
        %max3A_690 = arith.maximumf %while3A_627, %get3A_688 : vector<16xf32>
        %mul3A_691 = arith.constant 256 : i32
        %mul3A_692 = arith.muli %while3A_605, %mul3A_691 : i32
        %add3A_693 = arith.constant 96 : i32
        %add3A_694 = arith.addi %mul3A_692, %add3A_693 : i32
        %get3A_695 = arith.index_cast %add3A_694 : i32 to index
        %get3A_696 = tpu.vector_load %arg6[%get3A_695] {strides = array<i32>} : memref<16384xf32, #tpu.memory_space<vmem>>, vector<16xf32>,
        %get3A_697 = vector.shape_cast %get3A_696 : vector<16xf32> to vector<16xf32>
        %add3A_698 = arith.addf %while3A_612, %get3A_697 : vector<16xf32>
        %max3A_699 = arith.maximumf %while3A_628, %get3A_697 : vector<16xf32>
        %mul3A_700 = arith.constant 256 : i32
        %mul3A_701 = arith.muli %while3A_605, %mul3A_700 : i32
        %add3A_702 = arith.constant 112 : i32
        %add3A_703 = arith.addi %mul3A_701, %add3A_702 : i32
        %get3A_704 = arith.index_cast %add3A_703 : i32 to index
        %get3A_705 = tpu.vector_load %arg6[%get3A_704] {strides = array<i32>} : memref<16384xf32, #tpu.memory_space<vmem>>, vector<16xf32>,
        %get3A_706 = vector.shape_cast %get3A_705 : vector<16xf32> to vector<16xf32>
        %add3A_707 = arith.addf %while3A_613, %get3A_706 : vector<16xf32>
        %max3A_708 = arith.maximumf %while3A_629, %get3A_706 : vector<16xf32>
        %mul3A_709 = arith.constant 256 : i32
        %mul3A_710 = arith.muli %while3A_605, %mul3A_709 : i32
        %add3A_711 = arith.constant 128 : i32
        %add3A_712 = arith.addi %mul3A_710, %add3A_711 : i32
        %get3A_713 = arith.index_cast %add3A_712 : i32 to index
        %get3A_714 = tpu.vector_load %arg6[%get3A_713] {strides = array<i32>} : memref<16384xf32, #tpu.memory_space<vmem>>, vector<16xf32>,
        %get3A_715 = vector.shape_cast %get3A_714 : vector<16xf32> to vector<16xf32>
        %add3A_716 = arith.addf %while3A_614, %get3A_715 : vector<16xf32>
        %max3A_717 = arith.maximumf %while3A_630, %get3A_715 : vector<16xf32>
        %mul3A_718 = arith.constant 256 : i32
        %mul3A_719 = arith.muli %while3A_605, %mul3A_718 : i32
        %add3A_720 = arith.constant 144 : i32
        %add3A_721 = arith.addi %mul3A_719, %add3A_720 : i32
        %get3A_722 = arith.index_cast %add3A_721 : i32 to index
        %get3A_723 = tpu.vector_load %arg6[%get3A_722] {strides = array<i32>} : memref<16384xf32, #tpu.memory_space<vmem>>, vector<16xf32>,
        %get3A_724 = vector.shape_cast %get3A_723 : vector<16xf32> to vector<16xf32>
        %add3A_725 = arith.addf %while3A_615, %get3A_724 : vector<16xf32>
        %max3A_726 = arith.maximumf %while3A_631, %get3A_724 : vector<16xf32>
        %mul3A_727 = arith.constant 256 : i32
        %mul3A_728 = arith.muli %while3A_605, %mul3A_727 : i32
        %add3A_729 = arith.constant 160 : i32
        %add3A_730 = arith.addi %mul3A_728, %add3A_729 : i32
        %get3A_731 = arith.index_cast %add3A_730 : i32 to index
        %get3A_732 = tpu.vector_load %arg6[%get3A_731] {strides = array<i32>} : memref<16384xf32, #tpu.memory_space<vmem>>, vector<16xf32>,
        %get3A_733 = vector.shape_cast %get3A_732 : vector<16xf32> to vector<16xf32>
        %add3A_734 = arith.addf %while3A_616, %get3A_733 : vector<16xf32>
        %max3A_735 = arith.maximumf %while3A_632, %get3A_733 : vector<16xf32>
        %mul3A_736 = arith.constant 256 : i32
        %mul3A_737 = arith.muli %while3A_605, %mul3A_736 : i32
        %add3A_738 = arith.constant 176 : i32
        %add3A_739 = arith.addi %mul3A_737, %add3A_738 : i32
        %get3A_740 = arith.index_cast %add3A_739 : i32 to index
        %get3A_741 = tpu.vector_load %arg6[%get3A_740] {strides = array<i32>} : memref<16384xf32, #tpu.memory_space<vmem>>, vector<16xf32>,
        %get3A_742 = vector.shape_cast %get3A_741 : vector<16xf32> to vector<16xf32>
        %add3A_743 = arith.addf %while3A_617, %get3A_742 : vector<16xf32>
        %max3A_744 = arith.maximumf %while3A_633, %get3A_742 : vector<16xf32>
        %mul3A_745 = arith.constant 256 : i32
        %mul3A_746 = arith.muli %while3A_605, %mul3A_745 : i32
        %add3A_747 = arith.constant 192 : i32
        %add3A_748 = arith.addi %mul3A_746, %add3A_747 : i32
        %get3A_749 = arith.index_cast %add3A_748 : i32 to index
        %get3A_750 = tpu.vector_load %arg6[%get3A_749] {strides = array<i32>} : memref<16384xf32, #tpu.memory_space<vmem>>, vector<16xf32>,
        %get3A_751 = vector.shape_cast %get3A_750 : vector<16xf32> to vector<16xf32>
        %add3A_752 = arith.addf %while3A_618, %get3A_751 : vector<16xf32>
        %max3A_753 = arith.maximumf %while3A_634, %get3A_751 : vector<16xf32>
        %mul3A_754 = arith.constant 256 : i32
        %mul3A_755 = arith.muli %while3A_605, %mul3A_754 : i32
        %add3A_756 = arith.constant 208 : i32
        %add3A_757 = arith.addi %mul3A_755, %add3A_756 : i32
        %get3A_758 = arith.index_cast %add3A_757 : i32 to index
        %get3A_759 = tpu.vector_load %arg6[%get3A_758] {strides = array<i32>} : memref<16384xf32, #tpu.memory_space<vmem>>, vector<16xf32>,
        %get3A_760 = vector.shape_cast %get3A_759 : vector<16xf32> to vector<16xf32>
        %add3A_761 = arith.addf %while3A_619, %get3A_760 : vector<16xf32>
        %max3A_762 = arith.maximumf %while3A_635, %get3A_760 : vector<16xf32>
        %mul3A_763 = arith.constant 256 : i32
        %mul3A_764 = arith.muli %while3A_605, %mul3A_763 : i32
        %add3A_765 = arith.constant 224 : i32
        %add3A_766 = arith.addi %mul3A_764, %add3A_765 : i32
        %get3A_767 = arith.index_cast %add3A_766 : i32 to index
        %get3A_768 = tpu.vector_load %arg6[%get3A_767] {strides = array<i32>} : memref<16384xf32, #tpu.memory_space<vmem>>, vector<16xf32>,
        %get3A_769 = vector.shape_cast %get3A_768 : vector<16xf32> to vector<16xf32>
        %add3A_770 = arith.addf %while3A_620, %get3A_769 : vector<16xf32>
        %max3A_771 = arith.maximumf %while3A_636, %get3A_769 : vector<16xf32>
        %mul3A_772 = arith.constant 256 : i32
        %mul3A_773 = arith.muli %while3A_605, %mul3A_772 : i32
        %add3A_774 = arith.constant 240 : i32
        %add3A_775 = arith.addi %mul3A_773, %add3A_774 : i32
        %get3A_776 = arith.index_cast %add3A_775 : i32 to index
        %get3A_777 = tpu.vector_load %arg6[%get3A_776] {strides = array<i32>} : memref<16384xf32, #tpu.memory_space<vmem>>, vector<16xf32>,
        %get3A_778 = vector.shape_cast %get3A_777 : vector<16xf32> to vector<16xf32>
        %add3A_779 = arith.addf %while3A_621, %get3A_778 : vector<16xf32>
        %max3A_780 = arith.maximumf %while3A_637, %get3A_778 : vector<16xf32>
        scf.yield %add3A_644, %add3A_653, %add3A_662, %add3A_671, %add3A_680, %add3A_689, %add3A_698, %add3A_707, %add3A_716, %add3A_725, %add3A_734, %add3A_743, %add3A_752, %add3A_761, %add3A_770, %add3A_779, %max3A_645, %max3A_654, %max3A_663, %max3A_672, %max3A_681, %max3A_690, %max3A_699, %max3A_708, %max3A_717, %max3A_726, %max3A_735, %max3A_744, %max3A_753, %max3A_762, %max3A_771, %max3A_780 : vector<16xf32>, vector<16xf32>, vector<16xf32>, vector<16xf32>, vector<16xf32>, vector<16xf32>, vector<16xf32>, vector<16xf32>, vector<16xf32>, vector<16xf32>, vector<16xf32>, vector<16xf32>, vector<16xf32>, vector<16xf32>, vector<16xf32>, vector<16xf32>, vector<16xf32>, vector<16xf32>, vector<16xf32>, vector<16xf32>, vector<16xf32>, vector<16xf32>, vector<16xf32>, vector<16xf32>, vector<16xf32>, vector<16xf32>, vector<16xf32>, vector<16xf32>, vector<16xf32>, vector<16xf32>, vector<16xf32>, vector<16xf32>
      }
      scf.yield %while3A_604#0, %while3A_604#1, %while3A_604#2, %while3A_604#3, %while3A_604#4, %while3A_604#5, %while3A_604#6, %while3A_604#7, %while3A_604#8, %while3A_604#9, %while3A_604#10, %while3A_604#11, %while3A_604#12, %while3A_604#13, %while3A_604#14, %while3A_604#15, %while3A_604#16, %while3A_604#17, %while3A_604#18, %while3A_604#19, %while3A_604#20, %while3A_604#21, %while3A_604#22, %while3A_604#23, %while3A_604#24, %while3A_604#25, %while3A_604#26, %while3A_604#27, %while3A_604#28, %while3A_604#29, %while3A_604#30, %while3A_604#31 : vector<16xf32>, vector<16xf32>, vector<16xf32>, vector<16xf32>, vector<16xf32>, vector<16xf32>, vector<16xf32>, vector<16xf32>, vector<16xf32>, vector<16xf32>, vector<16xf32>, vector<16xf32>, vector<16xf32>, vector<16xf32>, vector<16xf32>, vector<16xf32>, vector<16xf32>, vector<16xf32>, vector<16xf32>, vector<16xf32>, vector<16xf32>, vector<16xf32>, vector<16xf32>, vector<16xf32>, vector<16xf32>, vector<16xf32>, vector<16xf32>, vector<16xf32>, vector<16xf32>, vector<16xf32>, vector<16xf32>, vector<16xf32>
    }
    %while3A_330 = arith.constant 1 : i32
    %while3A_331:32 = scf.for %while3A_551 = %while3A_327 to %while3A_323 step %while3A_330 iter_args(%while3A_552 = %while3A_329#0, %while3A_553 = %while3A_329#1, %while3A_554 = %while3A_329#2, %while3A_555 = %while3A_329#3, %while3A_556 = %while3A_329#4, %while3A_557 = %while3A_329#5, %while3A_558 = %while3A_329#6, %while3A_559 = %while3A_329#7, %while3A_560 = %while3A_329#8, %while3A_561 = %while3A_329#9, %while3A_562 = %while3A_329#10, %while3A_563 = %while3A_329#11, %while3A_564 = %while3A_329#12, %while3A_565 = %while3A_329#13, %while3A_566 = %while3A_329#14, %while3A_567 = %while3A_329#15, %while3A_568 = %while3A_329#16, %while3A_569 = %while3A_329#17, %while3A_570 = %while3A_329#18, %while3A_571 = %while3A_329#19, %while3A_572 = %while3A_329#20, %while3A_573 = %while3A_329#21, %while3A_574 = %while3A_329#22, %while3A_575 = %while3A_329#23, %while3A_576 = %while3A_329#24, %while3A_577 = %while3A_329#25, %while3A_578 = %while3A_329#26, %while3A_579 = %while3A_329#27, %while3A_580 = %while3A_329#28, %while3A_581 = %while3A_329#29, %while3A_582 = %while3A_329#30, %while3A_583 = %while3A_329#31) -> (vector<16xf32>, vector<16xf32>, vector<16xf32>, vector<16xf32>, vector<16xf32>, vector<16xf32>, vector<16xf32>, vector<16xf32>, vector<16xf32>, vector<16xf32>, vector<16xf32>, vector<16xf32>, vector<16xf32>, vector<16xf32>, vector<16xf32>, vector<16xf32>, vector<16xf32>, vector<16xf32>, vector<16xf32>, vector<16xf32>, vector<16xf32>, vector<16xf32>, vector<16xf32>, vector<16xf32>, vector<16xf32>, vector<16xf32>, vector<16xf32>, vector<16xf32>, vector<16xf32>, vector<16xf32>, vector<16xf32>, vector<16xf32>)  : i32 {
      %mul3A_584 = arith.constant 64 : i32
      %mul3A_585 = arith.muli %while3A_551, %mul3A_584 : i32
      %add3A_586 = arith.addi %scan3A_24#0, %mul3A_585 : i32
      %min3A = arith.constant 9936 : i32
      %min3A_587 = arith.minsi %add3A_586, %min3A : i32
      %sub3A_588 = arith.subi %add3A_586, %min3A_587 : i32
      %sub3A_589 = arith.subi %scan3A_34#0, %add3A_586 : i32
      %min3A_590 = arith.constant 64 : i32
      %min3A_591 = arith.minsi %min3A_590, %sub3A_589 : i32
      %add3A_592 = arith.addi %sub3A_588, %min3A_591 : i32
      %mul3A_593 = arith.constant 256 : i32
      %mul3A_594 = arith.muli %min3A_587, %mul3A_593 : i32
      "tpu.region"() ({
        %run_scoped3A = tpu.sem_alloc : memref<!tpu.dma_semaphore, #tpu.memory_space<semaphore_mem>>
        %dma_start3A = tpu.memref_slice %arg2[%mul3A_594] : memref<2560000xf32, #tpu.memory_space<hbm>> -> memref<16384xf32, #tpu.memory_space<hbm>>
        %dma_start3A_605 = tpu.memref_slice %arg2[%mul3A_594] : memref<2560000xf32, #tpu.memory_space<hbm>> -> memref<16384xf32, #tpu.memory_space<hbm>>
        tpu.enqueue_dma source(%dma_start3A_605 : memref<16384xf32, #tpu.memory_space<hbm>>) target(%arg6 : memref<16384xf32, #tpu.memory_space<vmem>>) target_semaphore(%run_scoped3A : memref<!tpu.dma_semaphore, #tpu.memory_space<semaphore_mem>>)
        %dma_wait3A = tpu.memref_slice %arg2[%mul3A_594] : memref<2560000xf32, #tpu.memory_space<hbm>> -> memref<16384xf32, #tpu.memory_space<hbm>>
        %dma_wait3A_606 = tpu.memref_slice %arg2[%mul3A_594] : memref<2560000xf32, #tpu.memory_space<hbm>> -> memref<16384xf32, #tpu.memory_space<hbm>>
        tpu.wait_dma2 semaphore(%run_scoped3A : memref<!tpu.dma_semaphore, #tpu.memory_space<semaphore_mem>>) src(%dma_wait3A_606 : memref<16384xf32, #tpu.memory_space<hbm>>) dst(%arg6 : memref<16384xf32, #tpu.memory_space<vmem>>)
        tpu.yield
      }) : () -> ()
      %while3A_595 = arith.subi %add3A_592, %sub3A_588 : i32
      %while3A_596 = arith.addi %sub3A_588, %while3A_595 : i32
      %while3A_597 = arith.constant 1 : i32
      %while3A_598 = arith.divsi %while3A_595, %while3A_597 : i32
      %while3A_599 = arith.muli %while3A_598, %while3A_597 : i32
      %while3A_600 = arith.addi %sub3A_588, %while3A_599 : i32
      %while3A_601 = arith.constant 1 : i32
      %while3A_602:32 = scf.for %while3A_605 = %sub3A_588 to %while3A_600 step %while3A_601 iter_args(%while3A_606 = %while3A_552, %while3A_607 = %while3A_553, %while3A_608 = %while3A_554, %while3A_609 = %while3A_555, %while3A_610 = %while3A_556, %while3A_611 = %while3A_557, %while3A_612 = %while3A_558, %while3A_613 = %while3A_559, %while3A_614 = %while3A_560, %while3A_615 = %while3A_561, %while3A_616 = %while3A_562, %while3A_617 = %while3A_563, %while3A_618 = %while3A_564, %while3A_619 = %while3A_565, %while3A_620 = %while3A_566, %while3A_621 = %while3A_567, %while3A_622 = %while3A_568, %while3A_623 = %while3A_569, %while3A_624 = %while3A_570, %while3A_625 = %while3A_571, %while3A_626 = %while3A_572, %while3A_627 = %while3A_573, %while3A_628 = %while3A_574, %while3A_629 = %while3A_575, %while3A_630 = %while3A_576, %while3A_631 = %while3A_577, %while3A_632 = %while3A_578, %while3A_633 = %while3A_579, %while3A_634 = %while3A_580, %while3A_635 = %while3A_581, %while3A_636 = %while3A_582, %while3A_637 = %while3A_583) -> (vector<16xf32>, vector<16xf32>, vector<16xf32>, vector<16xf32>, vector<16xf32>, vector<16xf32>, vector<16xf32>, vector<16xf32>, vector<16xf32>, vector<16xf32>, vector<16xf32>, vector<16xf32>, vector<16xf32>, vector<16xf32>, vector<16xf32>, vector<16xf32>, vector<16xf32>, vector<16xf32>, vector<16xf32>, vector<16xf32>, vector<16xf32>, vector<16xf32>, vector<16xf32>, vector<16xf32>, vector<16xf32>, vector<16xf32>, vector<16xf32>, vector<16xf32>, vector<16xf32>, vector<16xf32>, vector<16xf32>, vector<16xf32>)  : i32 {
        %mul3A_638 = arith.constant 256 : i32
        %mul3A_639 = arith.muli %while3A_605, %mul3A_638 : i32
        %add3A_640 = arith.constant 0 : i32
        %add3A_641 = arith.addi %mul3A_639, %add3A_640 : i32
        %get3A = arith.index_cast %add3A_641 : i32 to index
        %get3A_642 = tpu.vector_load %arg6[%get3A] {strides = array<i32>} : memref<16384xf32, #tpu.memory_space<vmem>>, vector<16xf32>,
        %get3A_643 = vector.shape_cast %get3A_642 : vector<16xf32> to vector<16xf32>
        %add3A_644 = arith.addf %while3A_606, %get3A_643 : vector<16xf32>
        %max3A_645 = arith.maximumf %while3A_622, %get3A_643 : vector<16xf32>
        %mul3A_646 = arith.constant 256 : i32
        %mul3A_647 = arith.muli %while3A_605, %mul3A_646 : i32
        %add3A_648 = arith.constant 16 : i32
        %add3A_649 = arith.addi %mul3A_647, %add3A_648 : i32
        %get3A_650 = arith.index_cast %add3A_649 : i32 to index
        %get3A_651 = tpu.vector_load %arg6[%get3A_650] {strides = array<i32>} : memref<16384xf32, #tpu.memory_space<vmem>>, vector<16xf32>,
        %get3A_652 = vector.shape_cast %get3A_651 : vector<16xf32> to vector<16xf32>
        %add3A_653 = arith.addf %while3A_607, %get3A_652 : vector<16xf32>
        %max3A_654 = arith.maximumf %while3A_623, %get3A_652 : vector<16xf32>
        %mul3A_655 = arith.constant 256 : i32
        %mul3A_656 = arith.muli %while3A_605, %mul3A_655 : i32
        %add3A_657 = arith.constant 32 : i32
        %add3A_658 = arith.addi %mul3A_656, %add3A_657 : i32
        %get3A_659 = arith.index_cast %add3A_658 : i32 to index
        %get3A_660 = tpu.vector_load %arg6[%get3A_659] {strides = array<i32>} : memref<16384xf32, #tpu.memory_space<vmem>>, vector<16xf32>,
        %get3A_661 = vector.shape_cast %get3A_660 : vector<16xf32> to vector<16xf32>
        %add3A_662 = arith.addf %while3A_608, %get3A_661 : vector<16xf32>
        %max3A_663 = arith.maximumf %while3A_624, %get3A_661 : vector<16xf32>
        %mul3A_664 = arith.constant 256 : i32
        %mul3A_665 = arith.muli %while3A_605, %mul3A_664 : i32
        %add3A_666 = arith.constant 48 : i32
        %add3A_667 = arith.addi %mul3A_665, %add3A_666 : i32
        %get3A_668 = arith.index_cast %add3A_667 : i32 to index
        %get3A_669 = tpu.vector_load %arg6[%get3A_668] {strides = array<i32>} : memref<16384xf32, #tpu.memory_space<vmem>>, vector<16xf32>,
        %get3A_670 = vector.shape_cast %get3A_669 : vector<16xf32> to vector<16xf32>
        %add3A_671 = arith.addf %while3A_609, %get3A_670 : vector<16xf32>
        %max3A_672 = arith.maximumf %while3A_625, %get3A_670 : vector<16xf32>
        %mul3A_673 = arith.constant 256 : i32
        %mul3A_674 = arith.muli %while3A_605, %mul3A_673 : i32
        %add3A_675 = arith.constant 64 : i32
        %add3A_676 = arith.addi %mul3A_674, %add3A_675 : i32
        %get3A_677 = arith.index_cast %add3A_676 : i32 to index
        %get3A_678 = tpu.vector_load %arg6[%get3A_677] {strides = array<i32>} : memref<16384xf32, #tpu.memory_space<vmem>>, vector<16xf32>,
        %get3A_679 = vector.shape_cast %get3A_678 : vector<16xf32> to vector<16xf32>
        %add3A_680 = arith.addf %while3A_610, %get3A_679 : vector<16xf32>
        %max3A_681 = arith.maximumf %while3A_626, %get3A_679 : vector<16xf32>
        %mul3A_682 = arith.constant 256 : i32
        %mul3A_683 = arith.muli %while3A_605, %mul3A_682 : i32
        %add3A_684 = arith.constant 80 : i32
        %add3A_685 = arith.addi %mul3A_683, %add3A_684 : i32
        %get3A_686 = arith.index_cast %add3A_685 : i32 to index
        %get3A_687 = tpu.vector_load %arg6[%get3A_686] {strides = array<i32>} : memref<16384xf32, #tpu.memory_space<vmem>>, vector<16xf32>,
        %get3A_688 = vector.shape_cast %get3A_687 : vector<16xf32> to vector<16xf32>
        %add3A_689 = arith.addf %while3A_611, %get3A_688 : vector<16xf32>
        %max3A_690 = arith.maximumf %while3A_627, %get3A_688 : vector<16xf32>
        %mul3A_691 = arith.constant 256 : i32
        %mul3A_692 = arith.muli %while3A_605, %mul3A_691 : i32
        %add3A_693 = arith.constant 96 : i32
        %add3A_694 = arith.addi %mul3A_692, %add3A_693 : i32
        %get3A_695 = arith.index_cast %add3A_694 : i32 to index
        %get3A_696 = tpu.vector_load %arg6[%get3A_695] {strides = array<i32>} : memref<16384xf32, #tpu.memory_space<vmem>>, vector<16xf32>,
        %get3A_697 = vector.shape_cast %get3A_696 : vector<16xf32> to vector<16xf32>
        %add3A_698 = arith.addf %while3A_612, %get3A_697 : vector<16xf32>
        %max3A_699 = arith.maximumf %while3A_628, %get3A_697 : vector<16xf32>
        %mul3A_700 = arith.constant 256 : i32
        %mul3A_701 = arith.muli %while3A_605, %mul3A_700 : i32
        %add3A_702 = arith.constant 112 : i32
        %add3A_703 = arith.addi %mul3A_701, %add3A_702 : i32
        %get3A_704 = arith.index_cast %add3A_703 : i32 to index
        %get3A_705 = tpu.vector_load %arg6[%get3A_704] {strides = array<i32>} : memref<16384xf32, #tpu.memory_space<vmem>>, vector<16xf32>,
        %get3A_706 = vector.shape_cast %get3A_705 : vector<16xf32> to vector<16xf32>
        %add3A_707 = arith.addf %while3A_613, %get3A_706 : vector<16xf32>
        %max3A_708 = arith.maximumf %while3A_629, %get3A_706 : vector<16xf32>
        %mul3A_709 = arith.constant 256 : i32
        %mul3A_710 = arith.muli %while3A_605, %mul3A_709 : i32
        %add3A_711 = arith.constant 128 : i32
        %add3A_712 = arith.addi %mul3A_710, %add3A_711 : i32
        %get3A_713 = arith.index_cast %add3A_712 : i32 to index
        %get3A_714 = tpu.vector_load %arg6[%get3A_713] {strides = array<i32>} : memref<16384xf32, #tpu.memory_space<vmem>>, vector<16xf32>,
        %get3A_715 = vector.shape_cast %get3A_714 : vector<16xf32> to vector<16xf32>
        %add3A_716 = arith.addf %while3A_614, %get3A_715 : vector<16xf32>
        %max3A_717 = arith.maximumf %while3A_630, %get3A_715 : vector<16xf32>
        %mul3A_718 = arith.constant 256 : i32
        %mul3A_719 = arith.muli %while3A_605, %mul3A_718 : i32
        %add3A_720 = arith.constant 144 : i32
        %add3A_721 = arith.addi %mul3A_719, %add3A_720 : i32
        %get3A_722 = arith.index_cast %add3A_721 : i32 to index
        %get3A_723 = tpu.vector_load %arg6[%get3A_722] {strides = array<i32>} : memref<16384xf32, #tpu.memory_space<vmem>>, vector<16xf32>,
        %get3A_724 = vector.shape_cast %get3A_723 : vector<16xf32> to vector<16xf32>
        %add3A_725 = arith.addf %while3A_615, %get3A_724 : vector<16xf32>
        %max3A_726 = arith.maximumf %while3A_631, %get3A_724 : vector<16xf32>
        %mul3A_727 = arith.constant 256 : i32
        %mul3A_728 = arith.muli %while3A_605, %mul3A_727 : i32
        %add3A_729 = arith.constant 160 : i32
        %add3A_730 = arith.addi %mul3A_728, %add3A_729 : i32
        %get3A_731 = arith.index_cast %add3A_730 : i32 to index
        %get3A_732 = tpu.vector_load %arg6[%get3A_731] {strides = array<i32>} : memref<16384xf32, #tpu.memory_space<vmem>>, vector<16xf32>,
        %get3A_733 = vector.shape_cast %get3A_732 : vector<16xf32> to vector<16xf32>
        %add3A_734 = arith.addf %while3A_616, %get3A_733 : vector<16xf32>
        %max3A_735 = arith.maximumf %while3A_632, %get3A_733 : vector<16xf32>
        %mul3A_736 = arith.constant 256 : i32
        %mul3A_737 = arith.muli %while3A_605, %mul3A_736 : i32
        %add3A_738 = arith.constant 176 : i32
        %add3A_739 = arith.addi %mul3A_737, %add3A_738 : i32
        %get3A_740 = arith.index_cast %add3A_739 : i32 to index
        %get3A_741 = tpu.vector_load %arg6[%get3A_740] {strides = array<i32>} : memref<16384xf32, #tpu.memory_space<vmem>>, vector<16xf32>,
        %get3A_742 = vector.shape_cast %get3A_741 : vector<16xf32> to vector<16xf32>
        %add3A_743 = arith.addf %while3A_617, %get3A_742 : vector<16xf32>
        %max3A_744 = arith.maximumf %while3A_633, %get3A_742 : vector<16xf32>
        %mul3A_745 = arith.constant 256 : i32
        %mul3A_746 = arith.muli %while3A_605, %mul3A_745 : i32
        %add3A_747 = arith.constant 192 : i32
        %add3A_748 = arith.addi %mul3A_746, %add3A_747 : i32
        %get3A_749 = arith.index_cast %add3A_748 : i32 to index
        %get3A_750 = tpu.vector_load %arg6[%get3A_749] {strides = array<i32>} : memref<16384xf32, #tpu.memory_space<vmem>>, vector<16xf32>,
        %get3A_751 = vector.shape_cast %get3A_750 : vector<16xf32> to vector<16xf32>
        %add3A_752 = arith.addf %while3A_618, %get3A_751 : vector<16xf32>
        %max3A_753 = arith.maximumf %while3A_634, %get3A_751 : vector<16xf32>
        %mul3A_754 = arith.constant 256 : i32
        %mul3A_755 = arith.muli %while3A_605, %mul3A_754 : i32
        %add3A_756 = arith.constant 208 : i32
        %add3A_757 = arith.addi %mul3A_755, %add3A_756 : i32
        %get3A_758 = arith.index_cast %add3A_757 : i32 to index
        %get3A_759 = tpu.vector_load %arg6[%get3A_758] {strides = array<i32>} : memref<16384xf32, #tpu.memory_space<vmem>>, vector<16xf32>,
        %get3A_760 = vector.shape_cast %get3A_759 : vector<16xf32> to vector<16xf32>
        %add3A_761 = arith.addf %while3A_619, %get3A_760 : vector<16xf32>
        %max3A_762 = arith.maximumf %while3A_635, %get3A_760 : vector<16xf32>
        %mul3A_763 = arith.constant 256 : i32
        %mul3A_764 = arith.muli %while3A_605, %mul3A_763 : i32
        %add3A_765 = arith.constant 224 : i32
        %add3A_766 = arith.addi %mul3A_764, %add3A_765 : i32
        %get3A_767 = arith.index_cast %add3A_766 : i32 to index
        %get3A_768 = tpu.vector_load %arg6[%get3A_767] {strides = array<i32>} : memref<16384xf32, #tpu.memory_space<vmem>>, vector<16xf32>,
        %get3A_769 = vector.shape_cast %get3A_768 : vector<16xf32> to vector<16xf32>
        %add3A_770 = arith.addf %while3A_620, %get3A_769 : vector<16xf32>
        %max3A_771 = arith.maximumf %while3A_636, %get3A_769 : vector<16xf32>
        %mul3A_772 = arith.constant 256 : i32
        %mul3A_773 = arith.muli %while3A_605, %mul3A_772 : i32
        %add3A_774 = arith.constant 240 : i32
        %add3A_775 = arith.addi %mul3A_773, %add3A_774 : i32
        %get3A_776 = arith.index_cast %add3A_775 : i32 to index
        %get3A_777 = tpu.vector_load %arg6[%get3A_776] {strides = array<i32>} : memref<16384xf32, #tpu.memory_space<vmem>>, vector<16xf32>,
        %get3A_778 = vector.shape_cast %get3A_777 : vector<16xf32> to vector<16xf32>
        %add3A_779 = arith.addf %while3A_621, %get3A_778 : vector<16xf32>
        %max3A_780 = arith.maximumf %while3A_637, %get3A_778 : vector<16xf32>
        scf.yield %add3A_644, %add3A_653, %add3A_662, %add3A_671, %add3A_680, %add3A_689, %add3A_698, %add3A_707, %add3A_716, %add3A_725, %add3A_734, %add3A_743, %add3A_752, %add3A_761, %add3A_770, %add3A_779, %max3A_645, %max3A_654, %max3A_663, %max3A_672, %max3A_681, %max3A_690, %max3A_699, %max3A_708, %max3A_717, %max3A_726, %max3A_735, %max3A_744, %max3A_753, %max3A_762, %max3A_771, %max3A_780 : vector<16xf32>, vector<16xf32>, vector<16xf32>, vector<16xf32>, vector<16xf32>, vector<16xf32>, vector<16xf32>, vector<16xf32>, vector<16xf32>, vector<16xf32>, vector<16xf32>, vector<16xf32>, vector<16xf32>, vector<16xf32>, vector<16xf32>, vector<16xf32>, vector<16xf32>, vector<16xf32>, vector<16xf32>, vector<16xf32>, vector<16xf32>, vector<16xf32>, vector<16xf32>, vector<16xf32>, vector<16xf32>, vector<16xf32>, vector<16xf32>, vector<16xf32>, vector<16xf32>, vector<16xf32>, vector<16xf32>, vector<16xf32>
      }
      %while3A_603 = arith.constant 1 : i32
      %while3A_604:32 = scf.for %while3A_605 = %while3A_600 to %while3A_596 step %while3A_603 iter_args(%while3A_606 = %while3A_602#0, %while3A_607 = %while3A_602#1, %while3A_608 = %while3A_602#2, %while3A_609 = %while3A_602#3, %while3A_610 = %while3A_602#4, %while3A_611 = %while3A_602#5, %while3A_612 = %while3A_602#6, %while3A_613 = %while3A_602#7, %while3A_614 = %while3A_602#8, %while3A_615 = %while3A_602#9, %while3A_616 = %while3A_602#10, %while3A_617 = %while3A_602#11, %while3A_618 = %while3A_602#12, %while3A_619 = %while3A_602#13, %while3A_620 = %while3A_602#14, %while3A_621 = %while3A_602#15, %while3A_622 = %while3A_602#16, %while3A_623 = %while3A_602#17, %while3A_624 = %while3A_602#18, %while3A_625 = %while3A_602#19, %while3A_626 = %while3A_602#20, %while3A_627 = %while3A_602#21, %while3A_628 = %while3A_602#22, %while3A_629 = %while3A_602#23, %while3A_630 = %while3A_602#24, %while3A_631 = %while3A_602#25, %while3A_632 = %while3A_602#26, %while3A_633 = %while3A_602#27, %while3A_634 = %while3A_602#28, %while3A_635 = %while3A_602#29, %while3A_636 = %while3A_602#30, %while3A_637 = %while3A_602#31) -> (vector<16xf32>, vector<16xf32>, vector<16xf32>, vector<16xf32>, vector<16xf32>, vector<16xf32>, vector<16xf32>, vector<16xf32>, vector<16xf32>, vector<16xf32>, vector<16xf32>, vector<16xf32>, vector<16xf32>, vector<16xf32>, vector<16xf32>, vector<16xf32>, vector<16xf32>, vector<16xf32>, vector<16xf32>, vector<16xf32>, vector<16xf32>, vector<16xf32>, vector<16xf32>, vector<16xf32>, vector<16xf32>, vector<16xf32>, vector<16xf32>, vector<16xf32>, vector<16xf32>, vector<16xf32>, vector<16xf32>, vector<16xf32>)  : i32 {
        %mul3A_638 = arith.constant 256 : i32
        %mul3A_639 = arith.muli %while3A_605, %mul3A_638 : i32
        %add3A_640 = arith.constant 0 : i32
        %add3A_641 = arith.addi %mul3A_639, %add3A_640 : i32
        %get3A = arith.index_cast %add3A_641 : i32 to index
        %get3A_642 = tpu.vector_load %arg6[%get3A] {strides = array<i32>} : memref<16384xf32, #tpu.memory_space<vmem>>, vector<16xf32>,
        %get3A_643 = vector.shape_cast %get3A_642 : vector<16xf32> to vector<16xf32>
        %add3A_644 = arith.addf %while3A_606, %get3A_643 : vector<16xf32>
        %max3A_645 = arith.maximumf %while3A_622, %get3A_643 : vector<16xf32>
        %mul3A_646 = arith.constant 256 : i32
        %mul3A_647 = arith.muli %while3A_605, %mul3A_646 : i32
        %add3A_648 = arith.constant 16 : i32
        %add3A_649 = arith.addi %mul3A_647, %add3A_648 : i32
        %get3A_650 = arith.index_cast %add3A_649 : i32 to index
        %get3A_651 = tpu.vector_load %arg6[%get3A_650] {strides = array<i32>} : memref<16384xf32, #tpu.memory_space<vmem>>, vector<16xf32>,
        %get3A_652 = vector.shape_cast %get3A_651 : vector<16xf32> to vector<16xf32>
        %add3A_653 = arith.addf %while3A_607, %get3A_652 : vector<16xf32>
        %max3A_654 = arith.maximumf %while3A_623, %get3A_652 : vector<16xf32>
        %mul3A_655 = arith.constant 256 : i32
        %mul3A_656 = arith.muli %while3A_605, %mul3A_655 : i32
        %add3A_657 = arith.constant 32 : i32
        %add3A_658 = arith.addi %mul3A_656, %add3A_657 : i32
        %get3A_659 = arith.index_cast %add3A_658 : i32 to index
        %get3A_660 = tpu.vector_load %arg6[%get3A_659] {strides = array<i32>} : memref<16384xf32, #tpu.memory_space<vmem>>, vector<16xf32>,
        %get3A_661 = vector.shape_cast %get3A_660 : vector<16xf32> to vector<16xf32>
        %add3A_662 = arith.addf %while3A_608, %get3A_661 : vector<16xf32>
        %max3A_663 = arith.maximumf %while3A_624, %get3A_661 : vector<16xf32>
        %mul3A_664 = arith.constant 256 : i32
        %mul3A_665 = arith.muli %while3A_605, %mul3A_664 : i32
        %add3A_666 = arith.constant 48 : i32
        %add3A_667 = arith.addi %mul3A_665, %add3A_666 : i32
        %get3A_668 = arith.index_cast %add3A_667 : i32 to index
        %get3A_669 = tpu.vector_load %arg6[%get3A_668] {strides = array<i32>} : memref<16384xf32, #tpu.memory_space<vmem>>, vector<16xf32>,
        %get3A_670 = vector.shape_cast %get3A_669 : vector<16xf32> to vector<16xf32>
        %add3A_671 = arith.addf %while3A_609, %get3A_670 : vector<16xf32>
        %max3A_672 = arith.maximumf %while3A_625, %get3A_670 : vector<16xf32>
        %mul3A_673 = arith.constant 256 : i32
        %mul3A_674 = arith.muli %while3A_605, %mul3A_673 : i32
        %add3A_675 = arith.constant 64 : i32
        %add3A_676 = arith.addi %mul3A_674, %add3A_675 : i32
        %get3A_677 = arith.index_cast %add3A_676 : i32 to index
        %get3A_678 = tpu.vector_load %arg6[%get3A_677] {strides = array<i32>} : memref<16384xf32, #tpu.memory_space<vmem>>, vector<16xf32>,
        %get3A_679 = vector.shape_cast %get3A_678 : vector<16xf32> to vector<16xf32>
        %add3A_680 = arith.addf %while3A_610, %get3A_679 : vector<16xf32>
        %max3A_681 = arith.maximumf %while3A_626, %get3A_679 : vector<16xf32>
        %mul3A_682 = arith.constant 256 : i32
        %mul3A_683 = arith.muli %while3A_605, %mul3A_682 : i32
        %add3A_684 = arith.constant 80 : i32
        %add3A_685 = arith.addi %mul3A_683, %add3A_684 : i32
        %get3A_686 = arith.index_cast %add3A_685 : i32 to index
        %get3A_687 = tpu.vector_load %arg6[%get3A_686] {strides = array<i32>} : memref<16384xf32, #tpu.memory_space<vmem>>, vector<16xf32>,
        %get3A_688 = vector.shape_cast %get3A_687 : vector<16xf32> to vector<16xf32>
        %add3A_689 = arith.addf %while3A_611, %get3A_688 : vector<16xf32>
        %max3A_690 = arith.maximumf %while3A_627, %get3A_688 : vector<16xf32>
        %mul3A_691 = arith.constant 256 : i32
        %mul3A_692 = arith.muli %while3A_605, %mul3A_691 : i32
        %add3A_693 = arith.constant 96 : i32
        %add3A_694 = arith.addi %mul3A_692, %add3A_693 : i32
        %get3A_695 = arith.index_cast %add3A_694 : i32 to index
        %get3A_696 = tpu.vector_load %arg6[%get3A_695] {strides = array<i32>} : memref<16384xf32, #tpu.memory_space<vmem>>, vector<16xf32>,
        %get3A_697 = vector.shape_cast %get3A_696 : vector<16xf32> to vector<16xf32>
        %add3A_698 = arith.addf %while3A_612, %get3A_697 : vector<16xf32>
        %max3A_699 = arith.maximumf %while3A_628, %get3A_697 : vector<16xf32>
        %mul3A_700 = arith.constant 256 : i32
        %mul3A_701 = arith.muli %while3A_605, %mul3A_700 : i32
        %add3A_702 = arith.constant 112 : i32
        %add3A_703 = arith.addi %mul3A_701, %add3A_702 : i32
        %get3A_704 = arith.index_cast %add3A_703 : i32 to index
        %get3A_705 = tpu.vector_load %arg6[%get3A_704] {strides = array<i32>} : memref<16384xf32, #tpu.memory_space<vmem>>, vector<16xf32>,
        %get3A_706 = vector.shape_cast %get3A_705 : vector<16xf32> to vector<16xf32>
        %add3A_707 = arith.addf %while3A_613, %get3A_706 : vector<16xf32>
        %max3A_708 = arith.maximumf %while3A_629, %get3A_706 : vector<16xf32>
        %mul3A_709 = arith.constant 256 : i32
        %mul3A_710 = arith.muli %while3A_605, %mul3A_709 : i32
        %add3A_711 = arith.constant 128 : i32
        %add3A_712 = arith.addi %mul3A_710, %add3A_711 : i32
        %get3A_713 = arith.index_cast %add3A_712 : i32 to index
        %get3A_714 = tpu.vector_load %arg6[%get3A_713] {strides = array<i32>} : memref<16384xf32, #tpu.memory_space<vmem>>, vector<16xf32>,
        %get3A_715 = vector.shape_cast %get3A_714 : vector<16xf32> to vector<16xf32>
        %add3A_716 = arith.addf %while3A_614, %get3A_715 : vector<16xf32>
        %max3A_717 = arith.maximumf %while3A_630, %get3A_715 : vector<16xf32>
        %mul3A_718 = arith.constant 256 : i32
        %mul3A_719 = arith.muli %while3A_605, %mul3A_718 : i32
        %add3A_720 = arith.constant 144 : i32
        %add3A_721 = arith.addi %mul3A_719, %add3A_720 : i32
        %get3A_722 = arith.index_cast %add3A_721 : i32 to index
        %get3A_723 = tpu.vector_load %arg6[%get3A_722] {strides = array<i32>} : memref<16384xf32, #tpu.memory_space<vmem>>, vector<16xf32>,
        %get3A_724 = vector.shape_cast %get3A_723 : vector<16xf32> to vector<16xf32>
        %add3A_725 = arith.addf %while3A_615, %get3A_724 : vector<16xf32>
        %max3A_726 = arith.maximumf %while3A_631, %get3A_724 : vector<16xf32>
        %mul3A_727 = arith.constant 256 : i32
        %mul3A_728 = arith.muli %while3A_605, %mul3A_727 : i32
        %add3A_729 = arith.constant 160 : i32
        %add3A_730 = arith.addi %mul3A_728, %add3A_729 : i32
        %get3A_731 = arith.index_cast %add3A_730 : i32 to index
        %get3A_732 = tpu.vector_load %arg6[%get3A_731] {strides = array<i32>} : memref<16384xf32, #tpu.memory_space<vmem>>, vector<16xf32>,
        %get3A_733 = vector.shape_cast %get3A_732 : vector<16xf32> to vector<16xf32>
        %add3A_734 = arith.addf %while3A_616, %get3A_733 : vector<16xf32>
        %max3A_735 = arith.maximumf %while3A_632, %get3A_733 : vector<16xf32>
        %mul3A_736 = arith.constant 256 : i32
        %mul3A_737 = arith.muli %while3A_605, %mul3A_736 : i32
        %add3A_738 = arith.constant 176 : i32
        %add3A_739 = arith.addi %mul3A_737, %add3A_738 : i32
        %get3A_740 = arith.index_cast %add3A_739 : i32 to index
        %get3A_741 = tpu.vector_load %arg6[%get3A_740] {strides = array<i32>} : memref<16384xf32, #tpu.memory_space<vmem>>, vector<16xf32>,
        %get3A_742 = vector.shape_cast %get3A_741 : vector<16xf32> to vector<16xf32>
        %add3A_743 = arith.addf %while3A_617, %get3A_742 : vector<16xf32>
        %max3A_744 = arith.maximumf %while3A_633, %get3A_742 : vector<16xf32>
        %mul3A_745 = arith.constant 256 : i32
        %mul3A_746 = arith.muli %while3A_605, %mul3A_745 : i32
        %add3A_747 = arith.constant 192 : i32
        %add3A_748 = arith.addi %mul3A_746, %add3A_747 : i32
        %get3A_749 = arith.index_cast %add3A_748 : i32 to index
        %get3A_750 = tpu.vector_load %arg6[%get3A_749] {strides = array<i32>} : memref<16384xf32, #tpu.memory_space<vmem>>, vector<16xf32>,
        %get3A_751 = vector.shape_cast %get3A_750 : vector<16xf32> to vector<16xf32>
        %add3A_752 = arith.addf %while3A_618, %get3A_751 : vector<16xf32>
        %max3A_753 = arith.maximumf %while3A_634, %get3A_751 : vector<16xf32>
        %mul3A_754 = arith.constant 256 : i32
        %mul3A_755 = arith.muli %while3A_605, %mul3A_754 : i32
        %add3A_756 = arith.constant 208 : i32
        %add3A_757 = arith.addi %mul3A_755, %add3A_756 : i32
        %get3A_758 = arith.index_cast %add3A_757 : i32 to index
        %get3A_759 = tpu.vector_load %arg6[%get3A_758] {strides = array<i32>} : memref<16384xf32, #tpu.memory_space<vmem>>, vector<16xf32>,
        %get3A_760 = vector.shape_cast %get3A_759 : vector<16xf32> to vector<16xf32>
        %add3A_761 = arith.addf %while3A_619, %get3A_760 : vector<16xf32>
        %max3A_762 = arith.maximumf %while3A_635, %get3A_760 : vector<16xf32>
        %mul3A_763 = arith.constant 256 : i32
        %mul3A_764 = arith.muli %while3A_605, %mul3A_763 : i32
        %add3A_765 = arith.constant 224 : i32
        %add3A_766 = arith.addi %mul3A_764, %add3A_765 : i32
        %get3A_767 = arith.index_cast %add3A_766 : i32 to index
        %get3A_768 = tpu.vector_load %arg6[%get3A_767] {strides = array<i32>} : memref<16384xf32, #tpu.memory_space<vmem>>, vector<16xf32>,
        %get3A_769 = vector.shape_cast %get3A_768 : vector<16xf32> to vector<16xf32>
        %add3A_770 = arith.addf %while3A_620, %get3A_769 : vector<16xf32>
        %max3A_771 = arith.maximumf %while3A_636, %get3A_769 : vector<16xf32>
        %mul3A_772 = arith.constant 256 : i32
        %mul3A_773 = arith.muli %while3A_605, %mul3A_772 : i32
        %add3A_774 = arith.constant 240 : i32
        %add3A_775 = arith.addi %mul3A_773, %add3A_774 : i32
        %get3A_776 = arith.index_cast %add3A_775 : i32 to index
        %get3A_777 = tpu.vector_load %arg6[%get3A_776] {strides = array<i32>} : memref<16384xf32, #tpu.memory_space<vmem>>, vector<16xf32>,
        %get3A_778 = vector.shape_cast %get3A_777 : vector<16xf32> to vector<16xf32>
        %add3A_779 = arith.addf %while3A_621, %get3A_778 : vector<16xf32>
        %max3A_780 = arith.maximumf %while3A_637, %get3A_778 : vector<16xf32>
        scf.yield %add3A_644, %add3A_653, %add3A_662, %add3A_671, %add3A_680, %add3A_689, %add3A_698, %add3A_707, %add3A_716, %add3A_725, %add3A_734, %add3A_743, %add3A_752, %add3A_761, %add3A_770, %add3A_779, %max3A_645, %max3A_654, %max3A_663, %max3A_672, %max3A_681, %max3A_690, %max3A_699, %max3A_708, %max3A_717, %max3A_726, %max3A_735, %max3A_744, %max3A_753, %max3A_762, %max3A_771, %max3A_780 : vector<16xf32>, vector<16xf32>, vector<16xf32>, vector<16xf32>, vector<16xf32>, vector<16xf32>, vector<16xf32>, vector<16xf32>, vector<16xf32>, vector<16xf32>, vector<16xf32>, vector<16xf32>, vector<16xf32>, vector<16xf32>, vector<16xf32>, vector<16xf32>, vector<16xf32>, vector<16xf32>, vector<16xf32>, vector<16xf32>, vector<16xf32>, vector<16xf32>, vector<16xf32>, vector<16xf32>, vector<16xf32>, vector<16xf32>, vector<16xf32>, vector<16xf32>, vector<16xf32>, vector<16xf32>, vector<16xf32>, vector<16xf32>
      }
      scf.yield %while3A_604#0, %while3A_604#1, %while3A_604#2, %while3A_604#3, %while3A_604#4, %while3A_604#5, %while3A_604#6, %while3A_604#7, %while3A_604#8, %while3A_604#9, %while3A_604#10, %while3A_604#11, %while3A_604#12, %while3A_604#13, %while3A_604#14, %while3A_604#15, %while3A_604#16, %while3A_604#17, %while3A_604#18, %while3A_604#19, %while3A_604#20, %while3A_604#21, %while3A_604#22, %while3A_604#23, %while3A_604#24, %while3A_604#25, %while3A_604#26, %while3A_604#27, %while3A_604#28, %while3A_604#29, %while3A_604#30, %while3A_604#31 : vector<16xf32>, vector<16xf32>, vector<16xf32>, vector<16xf32>, vector<16xf32>, vector<16xf32>, vector<16xf32>, vector<16xf32>, vector<16xf32>, vector<16xf32>, vector<16xf32>, vector<16xf32>, vector<16xf32>, vector<16xf32>, vector<16xf32>, vector<16xf32>, vector<16xf32>, vector<16xf32>, vector<16xf32>, vector<16xf32>, vector<16xf32>, vector<16xf32>, vector<16xf32>, vector<16xf32>, vector<16xf32>, vector<16xf32>, vector<16xf32>, vector<16xf32>, vector<16xf32>, vector<16xf32>, vector<16xf32>, vector<16xf32>
    }
    %max3A_332 = arith.constant 1 : i32
    %max3A_333 = arith.maxsi %sub3A_290, %max3A_332 : i32
    %convert_element_type3A_334 = arith.sitofp %max3A_333 : i32 to f32
    %broadcast_in_dim3A_335 = arith.constant 1.000000e+00 : f32
    %broadcast_in_dim3A_336 = vector.broadcast %broadcast_in_dim3A_335 : f32 to vector<16xf32>
    %broadcast_in_dim3A_337 = vector.broadcast %convert_element_type3A_334 : f32 to vector<16xf32>
    %div3A_338 = arith.divf %broadcast_in_dim3A_336, %broadcast_in_dim3A_337 : vector<16xf32>
    %swap3A_339 = arith.constant 0 : index
    %swap3A_340 = tpu.vector_load %arg7[%swap3A_339] {strides = array<i32>} : memref<768xf32, #tpu.memory_space<vmem>>, vector<16xf32>,
    %swap3A_341 = vector.shape_cast %swap3A_340 : vector<16xf32> to vector<16xf32>
    %swap3A_342 = vector.shape_cast %while3A_331#16 : vector<16xf32> to vector<16xf32>
    tpu.vector_store %arg7[%swap3A_339], %swap3A_342 {strides = array<i32>} : memref<768xf32, #tpu.memory_space<vmem>>, vector<16xf32>,
    %mul3A_343 = arith.mulf %while3A_331#0, %div3A_338 : vector<16xf32>
    %swap3A_344 = arith.constant 256 : index
    %swap3A_345 = tpu.vector_load %arg7[%swap3A_344] {strides = array<i32>} : memref<768xf32, #tpu.memory_space<vmem>>, vector<16xf32>,
    %swap3A_346 = vector.shape_cast %swap3A_345 : vector<16xf32> to vector<16xf32>
    %swap3A_347 = vector.shape_cast %mul3A_343 : vector<16xf32> to vector<16xf32>
    tpu.vector_store %arg7[%swap3A_344], %swap3A_347 {strides = array<i32>} : memref<768xf32, #tpu.memory_space<vmem>>, vector<16xf32>,
    %swap3A_348 = arith.constant 512 : index
    %swap3A_349 = tpu.vector_load %arg7[%swap3A_348] {strides = array<i32>} : memref<768xf32, #tpu.memory_space<vmem>>, vector<16xf32>,
    %swap3A_350 = vector.shape_cast %swap3A_349 : vector<16xf32> to vector<16xf32>
    %swap3A_351 = vector.shape_cast %while3A_331#0 : vector<16xf32> to vector<16xf32>
    tpu.vector_store %arg7[%swap3A_348], %swap3A_351 {strides = array<i32>} : memref<768xf32, #tpu.memory_space<vmem>>, vector<16xf32>,
    %swap3A_352 = arith.constant 16 : index
    %swap3A_353 = tpu.vector_load %arg7[%swap3A_352] {strides = array<i32>} : memref<768xf32, #tpu.memory_space<vmem>>, vector<16xf32>,
    %swap3A_354 = vector.shape_cast %swap3A_353 : vector<16xf32> to vector<16xf32>
    %swap3A_355 = vector.shape_cast %while3A_331#17 : vector<16xf32> to vector<16xf32>
    tpu.vector_store %arg7[%swap3A_352], %swap3A_355 {strides = array<i32>} : memref<768xf32, #tpu.memory_space<vmem>>, vector<16xf32>,
    %mul3A_356 = arith.mulf %while3A_331#1, %div3A_338 : vector<16xf32>
    %swap3A_357 = arith.constant 272 : index
    %swap3A_358 = tpu.vector_load %arg7[%swap3A_357] {strides = array<i32>} : memref<768xf32, #tpu.memory_space<vmem>>, vector<16xf32>,
    %swap3A_359 = vector.shape_cast %swap3A_358 : vector<16xf32> to vector<16xf32>
    %swap3A_360 = vector.shape_cast %mul3A_356 : vector<16xf32> to vector<16xf32>
    tpu.vector_store %arg7[%swap3A_357], %swap3A_360 {strides = array<i32>} : memref<768xf32, #tpu.memory_space<vmem>>, vector<16xf32>,
    %swap3A_361 = arith.constant 528 : index
    %swap3A_362 = tpu.vector_load %arg7[%swap3A_361] {strides = array<i32>} : memref<768xf32, #tpu.memory_space<vmem>>, vector<16xf32>,
    %swap3A_363 = vector.shape_cast %swap3A_362 : vector<16xf32> to vector<16xf32>
    %swap3A_364 = vector.shape_cast %while3A_331#1 : vector<16xf32> to vector<16xf32>
    tpu.vector_store %arg7[%swap3A_361], %swap3A_364 {strides = array<i32>} : memref<768xf32, #tpu.memory_space<vmem>>, vector<16xf32>,
    %swap3A_365 = arith.constant 32 : index
    %swap3A_366 = tpu.vector_load %arg7[%swap3A_365] {strides = array<i32>} : memref<768xf32, #tpu.memory_space<vmem>>, vector<16xf32>,
    %swap3A_367 = vector.shape_cast %swap3A_366 : vector<16xf32> to vector<16xf32>
    %swap3A_368 = vector.shape_cast %while3A_331#18 : vector<16xf32> to vector<16xf32>
    tpu.vector_store %arg7[%swap3A_365], %swap3A_368 {strides = array<i32>} : memref<768xf32, #tpu.memory_space<vmem>>, vector<16xf32>,
    %mul3A_369 = arith.mulf %while3A_331#2, %div3A_338 : vector<16xf32>
    %swap3A_370 = arith.constant 288 : index
    %swap3A_371 = tpu.vector_load %arg7[%swap3A_370] {strides = array<i32>} : memref<768xf32, #tpu.memory_space<vmem>>, vector<16xf32>,
    %swap3A_372 = vector.shape_cast %swap3A_371 : vector<16xf32> to vector<16xf32>
    %swap3A_373 = vector.shape_cast %mul3A_369 : vector<16xf32> to vector<16xf32>
    tpu.vector_store %arg7[%swap3A_370], %swap3A_373 {strides = array<i32>} : memref<768xf32, #tpu.memory_space<vmem>>, vector<16xf32>,
    %swap3A_374 = arith.constant 544 : index
    %swap3A_375 = tpu.vector_load %arg7[%swap3A_374] {strides = array<i32>} : memref<768xf32, #tpu.memory_space<vmem>>, vector<16xf32>,
    %swap3A_376 = vector.shape_cast %swap3A_375 : vector<16xf32> to vector<16xf32>
    %swap3A_377 = vector.shape_cast %while3A_331#2 : vector<16xf32> to vector<16xf32>
    tpu.vector_store %arg7[%swap3A_374], %swap3A_377 {strides = array<i32>} : memref<768xf32, #tpu.memory_space<vmem>>, vector<16xf32>,
    %swap3A_378 = arith.constant 48 : index
    %swap3A_379 = tpu.vector_load %arg7[%swap3A_378] {strides = array<i32>} : memref<768xf32, #tpu.memory_space<vmem>>, vector<16xf32>,
    %swap3A_380 = vector.shape_cast %swap3A_379 : vector<16xf32> to vector<16xf32>
    %swap3A_381 = vector.shape_cast %while3A_331#19 : vector<16xf32> to vector<16xf32>
    tpu.vector_store %arg7[%swap3A_378], %swap3A_381 {strides = array<i32>} : memref<768xf32, #tpu.memory_space<vmem>>, vector<16xf32>,
    %mul3A_382 = arith.mulf %while3A_331#3, %div3A_338 : vector<16xf32>
    %swap3A_383 = arith.constant 304 : index
    %swap3A_384 = tpu.vector_load %arg7[%swap3A_383] {strides = array<i32>} : memref<768xf32, #tpu.memory_space<vmem>>, vector<16xf32>,
    %swap3A_385 = vector.shape_cast %swap3A_384 : vector<16xf32> to vector<16xf32>
    %swap3A_386 = vector.shape_cast %mul3A_382 : vector<16xf32> to vector<16xf32>
    tpu.vector_store %arg7[%swap3A_383], %swap3A_386 {strides = array<i32>} : memref<768xf32, #tpu.memory_space<vmem>>, vector<16xf32>,
    %swap3A_387 = arith.constant 560 : index
    %swap3A_388 = tpu.vector_load %arg7[%swap3A_387] {strides = array<i32>} : memref<768xf32, #tpu.memory_space<vmem>>, vector<16xf32>,
    %swap3A_389 = vector.shape_cast %swap3A_388 : vector<16xf32> to vector<16xf32>
    %swap3A_390 = vector.shape_cast %while3A_331#3 : vector<16xf32> to vector<16xf32>
    tpu.vector_store %arg7[%swap3A_387], %swap3A_390 {strides = array<i32>} : memref<768xf32, #tpu.memory_space<vmem>>, vector<16xf32>,
    %swap3A_391 = arith.constant 64 : index
    %swap3A_392 = tpu.vector_load %arg7[%swap3A_391] {strides = array<i32>} : memref<768xf32, #tpu.memory_space<vmem>>, vector<16xf32>,
    %swap3A_393 = vector.shape_cast %swap3A_392 : vector<16xf32> to vector<16xf32>
    %swap3A_394 = vector.shape_cast %while3A_331#20 : vector<16xf32> to vector<16xf32>
    tpu.vector_store %arg7[%swap3A_391], %swap3A_394 {strides = array<i32>} : memref<768xf32, #tpu.memory_space<vmem>>, vector<16xf32>,
    %mul3A_395 = arith.mulf %while3A_331#4, %div3A_338 : vector<16xf32>
    %swap3A_396 = arith.constant 320 : index
    %swap3A_397 = tpu.vector_load %arg7[%swap3A_396] {strides = array<i32>} : memref<768xf32, #tpu.memory_space<vmem>>, vector<16xf32>,
    %swap3A_398 = vector.shape_cast %swap3A_397 : vector<16xf32> to vector<16xf32>
    %swap3A_399 = vector.shape_cast %mul3A_395 : vector<16xf32> to vector<16xf32>
    tpu.vector_store %arg7[%swap3A_396], %swap3A_399 {strides = array<i32>} : memref<768xf32, #tpu.memory_space<vmem>>, vector<16xf32>,
    %swap3A_400 = arith.constant 576 : index
    %swap3A_401 = tpu.vector_load %arg7[%swap3A_400] {strides = array<i32>} : memref<768xf32, #tpu.memory_space<vmem>>, vector<16xf32>,
    %swap3A_402 = vector.shape_cast %swap3A_401 : vector<16xf32> to vector<16xf32>
    %swap3A_403 = vector.shape_cast %while3A_331#4 : vector<16xf32> to vector<16xf32>
    tpu.vector_store %arg7[%swap3A_400], %swap3A_403 {strides = array<i32>} : memref<768xf32, #tpu.memory_space<vmem>>, vector<16xf32>,
    %swap3A_404 = arith.constant 80 : index
    %swap3A_405 = tpu.vector_load %arg7[%swap3A_404] {strides = array<i32>} : memref<768xf32, #tpu.memory_space<vmem>>, vector<16xf32>,
    %swap3A_406 = vector.shape_cast %swap3A_405 : vector<16xf32> to vector<16xf32>
    %swap3A_407 = vector.shape_cast %while3A_331#21 : vector<16xf32> to vector<16xf32>
    tpu.vector_store %arg7[%swap3A_404], %swap3A_407 {strides = array<i32>} : memref<768xf32, #tpu.memory_space<vmem>>, vector<16xf32>,
    %mul3A_408 = arith.mulf %while3A_331#5, %div3A_338 : vector<16xf32>
    %swap3A_409 = arith.constant 336 : index
    %swap3A_410 = tpu.vector_load %arg7[%swap3A_409] {strides = array<i32>} : memref<768xf32, #tpu.memory_space<vmem>>, vector<16xf32>,
    %swap3A_411 = vector.shape_cast %swap3A_410 : vector<16xf32> to vector<16xf32>
    %swap3A_412 = vector.shape_cast %mul3A_408 : vector<16xf32> to vector<16xf32>
    tpu.vector_store %arg7[%swap3A_409], %swap3A_412 {strides = array<i32>} : memref<768xf32, #tpu.memory_space<vmem>>, vector<16xf32>,
    %swap3A_413 = arith.constant 592 : index
    %swap3A_414 = tpu.vector_load %arg7[%swap3A_413] {strides = array<i32>} : memref<768xf32, #tpu.memory_space<vmem>>, vector<16xf32>,
    %swap3A_415 = vector.shape_cast %swap3A_414 : vector<16xf32> to vector<16xf32>
    %swap3A_416 = vector.shape_cast %while3A_331#5 : vector<16xf32> to vector<16xf32>
    tpu.vector_store %arg7[%swap3A_413], %swap3A_416 {strides = array<i32>} : memref<768xf32, #tpu.memory_space<vmem>>, vector<16xf32>,
    %swap3A_417 = arith.constant 96 : index
    %swap3A_418 = tpu.vector_load %arg7[%swap3A_417] {strides = array<i32>} : memref<768xf32, #tpu.memory_space<vmem>>, vector<16xf32>,
    %swap3A_419 = vector.shape_cast %swap3A_418 : vector<16xf32> to vector<16xf32>
    %swap3A_420 = vector.shape_cast %while3A_331#22 : vector<16xf32> to vector<16xf32>
    tpu.vector_store %arg7[%swap3A_417], %swap3A_420 {strides = array<i32>} : memref<768xf32, #tpu.memory_space<vmem>>, vector<16xf32>,
    %mul3A_421 = arith.mulf %while3A_331#6, %div3A_338 : vector<16xf32>
    %swap3A_422 = arith.constant 352 : index
    %swap3A_423 = tpu.vector_load %arg7[%swap3A_422] {strides = array<i32>} : memref<768xf32, #tpu.memory_space<vmem>>, vector<16xf32>,
    %swap3A_424 = vector.shape_cast %swap3A_423 : vector<16xf32> to vector<16xf32>
    %swap3A_425 = vector.shape_cast %mul3A_421 : vector<16xf32> to vector<16xf32>
    tpu.vector_store %arg7[%swap3A_422], %swap3A_425 {strides = array<i32>} : memref<768xf32, #tpu.memory_space<vmem>>, vector<16xf32>,
    %swap3A_426 = arith.constant 608 : index
    %swap3A_427 = tpu.vector_load %arg7[%swap3A_426] {strides = array<i32>} : memref<768xf32, #tpu.memory_space<vmem>>, vector<16xf32>,
    %swap3A_428 = vector.shape_cast %swap3A_427 : vector<16xf32> to vector<16xf32>
    %swap3A_429 = vector.shape_cast %while3A_331#6 : vector<16xf32> to vector<16xf32>
    tpu.vector_store %arg7[%swap3A_426], %swap3A_429 {strides = array<i32>} : memref<768xf32, #tpu.memory_space<vmem>>, vector<16xf32>,
    %swap3A_430 = arith.constant 112 : index
    %swap3A_431 = tpu.vector_load %arg7[%swap3A_430] {strides = array<i32>} : memref<768xf32, #tpu.memory_space<vmem>>, vector<16xf32>,
    %swap3A_432 = vector.shape_cast %swap3A_431 : vector<16xf32> to vector<16xf32>
    %swap3A_433 = vector.shape_cast %while3A_331#23 : vector<16xf32> to vector<16xf32>
    tpu.vector_store %arg7[%swap3A_430], %swap3A_433 {strides = array<i32>} : memref<768xf32, #tpu.memory_space<vmem>>, vector<16xf32>,
    %mul3A_434 = arith.mulf %while3A_331#7, %div3A_338 : vector<16xf32>
    %swap3A_435 = arith.constant 368 : index
    %swap3A_436 = tpu.vector_load %arg7[%swap3A_435] {strides = array<i32>} : memref<768xf32, #tpu.memory_space<vmem>>, vector<16xf32>,
    %swap3A_437 = vector.shape_cast %swap3A_436 : vector<16xf32> to vector<16xf32>
    %swap3A_438 = vector.shape_cast %mul3A_434 : vector<16xf32> to vector<16xf32>
    tpu.vector_store %arg7[%swap3A_435], %swap3A_438 {strides = array<i32>} : memref<768xf32, #tpu.memory_space<vmem>>, vector<16xf32>,
    %swap3A_439 = arith.constant 624 : index
    %swap3A_440 = tpu.vector_load %arg7[%swap3A_439] {strides = array<i32>} : memref<768xf32, #tpu.memory_space<vmem>>, vector<16xf32>,
    %swap3A_441 = vector.shape_cast %swap3A_440 : vector<16xf32> to vector<16xf32>
    %swap3A_442 = vector.shape_cast %while3A_331#7 : vector<16xf32> to vector<16xf32>
    tpu.vector_store %arg7[%swap3A_439], %swap3A_442 {strides = array<i32>} : memref<768xf32, #tpu.memory_space<vmem>>, vector<16xf32>,
    %swap3A_443 = arith.constant 128 : index
    %swap3A_444 = tpu.vector_load %arg7[%swap3A_443] {strides = array<i32>} : memref<768xf32, #tpu.memory_space<vmem>>, vector<16xf32>,
    %swap3A_445 = vector.shape_cast %swap3A_444 : vector<16xf32> to vector<16xf32>
    %swap3A_446 = vector.shape_cast %while3A_331#24 : vector<16xf32> to vector<16xf32>
    tpu.vector_store %arg7[%swap3A_443], %swap3A_446 {strides = array<i32>} : memref<768xf32, #tpu.memory_space<vmem>>, vector<16xf32>,
    %mul3A_447 = arith.mulf %while3A_331#8, %div3A_338 : vector<16xf32>
    %swap3A_448 = arith.constant 384 : index
    %swap3A_449 = tpu.vector_load %arg7[%swap3A_448] {strides = array<i32>} : memref<768xf32, #tpu.memory_space<vmem>>, vector<16xf32>,
    %swap3A_450 = vector.shape_cast %swap3A_449 : vector<16xf32> to vector<16xf32>
    %swap3A_451 = vector.shape_cast %mul3A_447 : vector<16xf32> to vector<16xf32>
    tpu.vector_store %arg7[%swap3A_448], %swap3A_451 {strides = array<i32>} : memref<768xf32, #tpu.memory_space<vmem>>, vector<16xf32>,
    %swap3A_452 = arith.constant 640 : index
    %swap3A_453 = tpu.vector_load %arg7[%swap3A_452] {strides = array<i32>} : memref<768xf32, #tpu.memory_space<vmem>>, vector<16xf32>,
    %swap3A_454 = vector.shape_cast %swap3A_453 : vector<16xf32> to vector<16xf32>
    %swap3A_455 = vector.shape_cast %while3A_331#8 : vector<16xf32> to vector<16xf32>
    tpu.vector_store %arg7[%swap3A_452], %swap3A_455 {strides = array<i32>} : memref<768xf32, #tpu.memory_space<vmem>>, vector<16xf32>,
    %swap3A_456 = arith.constant 144 : index
    %swap3A_457 = tpu.vector_load %arg7[%swap3A_456] {strides = array<i32>} : memref<768xf32, #tpu.memory_space<vmem>>, vector<16xf32>,
    %swap3A_458 = vector.shape_cast %swap3A_457 : vector<16xf32> to vector<16xf32>
    %swap3A_459 = vector.shape_cast %while3A_331#25 : vector<16xf32> to vector<16xf32>
    tpu.vector_store %arg7[%swap3A_456], %swap3A_459 {strides = array<i32>} : memref<768xf32, #tpu.memory_space<vmem>>, vector<16xf32>,
    %mul3A_460 = arith.mulf %while3A_331#9, %div3A_338 : vector<16xf32>
    %swap3A_461 = arith.constant 400 : index
    %swap3A_462 = tpu.vector_load %arg7[%swap3A_461] {strides = array<i32>} : memref<768xf32, #tpu.memory_space<vmem>>, vector<16xf32>,
    %swap3A_463 = vector.shape_cast %swap3A_462 : vector<16xf32> to vector<16xf32>
    %swap3A_464 = vector.shape_cast %mul3A_460 : vector<16xf32> to vector<16xf32>
    tpu.vector_store %arg7[%swap3A_461], %swap3A_464 {strides = array<i32>} : memref<768xf32, #tpu.memory_space<vmem>>, vector<16xf32>,
    %swap3A_465 = arith.constant 656 : index
    %swap3A_466 = tpu.vector_load %arg7[%swap3A_465] {strides = array<i32>} : memref<768xf32, #tpu.memory_space<vmem>>, vector<16xf32>,
    %swap3A_467 = vector.shape_cast %swap3A_466 : vector<16xf32> to vector<16xf32>
    %swap3A_468 = vector.shape_cast %while3A_331#9 : vector<16xf32> to vector<16xf32>
    tpu.vector_store %arg7[%swap3A_465], %swap3A_468 {strides = array<i32>} : memref<768xf32, #tpu.memory_space<vmem>>, vector<16xf32>,
    %swap3A_469 = arith.constant 160 : index
    %swap3A_470 = tpu.vector_load %arg7[%swap3A_469] {strides = array<i32>} : memref<768xf32, #tpu.memory_space<vmem>>, vector<16xf32>,
    %swap3A_471 = vector.shape_cast %swap3A_470 : vector<16xf32> to vector<16xf32>
    %swap3A_472 = vector.shape_cast %while3A_331#26 : vector<16xf32> to vector<16xf32>
    tpu.vector_store %arg7[%swap3A_469], %swap3A_472 {strides = array<i32>} : memref<768xf32, #tpu.memory_space<vmem>>, vector<16xf32>,
    %mul3A_473 = arith.mulf %while3A_331#10, %div3A_338 : vector<16xf32>
    %swap3A_474 = arith.constant 416 : index
    %swap3A_475 = tpu.vector_load %arg7[%swap3A_474] {strides = array<i32>} : memref<768xf32, #tpu.memory_space<vmem>>, vector<16xf32>,
    %swap3A_476 = vector.shape_cast %swap3A_475 : vector<16xf32> to vector<16xf32>
    %swap3A_477 = vector.shape_cast %mul3A_473 : vector<16xf32> to vector<16xf32>
    tpu.vector_store %arg7[%swap3A_474], %swap3A_477 {strides = array<i32>} : memref<768xf32, #tpu.memory_space<vmem>>, vector<16xf32>,
    %swap3A_478 = arith.constant 672 : index
    %swap3A_479 = tpu.vector_load %arg7[%swap3A_478] {strides = array<i32>} : memref<768xf32, #tpu.memory_space<vmem>>, vector<16xf32>,
    %swap3A_480 = vector.shape_cast %swap3A_479 : vector<16xf32> to vector<16xf32>
    %swap3A_481 = vector.shape_cast %while3A_331#10 : vector<16xf32> to vector<16xf32>
    tpu.vector_store %arg7[%swap3A_478], %swap3A_481 {strides = array<i32>} : memref<768xf32, #tpu.memory_space<vmem>>, vector<16xf32>,
    %swap3A_482 = arith.constant 176 : index
    %swap3A_483 = tpu.vector_load %arg7[%swap3A_482] {strides = array<i32>} : memref<768xf32, #tpu.memory_space<vmem>>, vector<16xf32>,
    %swap3A_484 = vector.shape_cast %swap3A_483 : vector<16xf32> to vector<16xf32>
    %swap3A_485 = vector.shape_cast %while3A_331#27 : vector<16xf32> to vector<16xf32>
    tpu.vector_store %arg7[%swap3A_482], %swap3A_485 {strides = array<i32>} : memref<768xf32, #tpu.memory_space<vmem>>, vector<16xf32>,
    %mul3A_486 = arith.mulf %while3A_331#11, %div3A_338 : vector<16xf32>
    %swap3A_487 = arith.constant 432 : index
    %swap3A_488 = tpu.vector_load %arg7[%swap3A_487] {strides = array<i32>} : memref<768xf32, #tpu.memory_space<vmem>>, vector<16xf32>,
    %swap3A_489 = vector.shape_cast %swap3A_488 : vector<16xf32> to vector<16xf32>
    %swap3A_490 = vector.shape_cast %mul3A_486 : vector<16xf32> to vector<16xf32>
    tpu.vector_store %arg7[%swap3A_487], %swap3A_490 {strides = array<i32>} : memref<768xf32, #tpu.memory_space<vmem>>, vector<16xf32>,
    %swap3A_491 = arith.constant 688 : index
    %swap3A_492 = tpu.vector_load %arg7[%swap3A_491] {strides = array<i32>} : memref<768xf32, #tpu.memory_space<vmem>>, vector<16xf32>,
    %swap3A_493 = vector.shape_cast %swap3A_492 : vector<16xf32> to vector<16xf32>
    %swap3A_494 = vector.shape_cast %while3A_331#11 : vector<16xf32> to vector<16xf32>
    tpu.vector_store %arg7[%swap3A_491], %swap3A_494 {strides = array<i32>} : memref<768xf32, #tpu.memory_space<vmem>>, vector<16xf32>,
    %swap3A_495 = arith.constant 192 : index
    %swap3A_496 = tpu.vector_load %arg7[%swap3A_495] {strides = array<i32>} : memref<768xf32, #tpu.memory_space<vmem>>, vector<16xf32>,
    %swap3A_497 = vector.shape_cast %swap3A_496 : vector<16xf32> to vector<16xf32>
    %swap3A_498 = vector.shape_cast %while3A_331#28 : vector<16xf32> to vector<16xf32>
    tpu.vector_store %arg7[%swap3A_495], %swap3A_498 {strides = array<i32>} : memref<768xf32, #tpu.memory_space<vmem>>, vector<16xf32>,
    %mul3A_499 = arith.mulf %while3A_331#12, %div3A_338 : vector<16xf32>
    %swap3A_500 = arith.constant 448 : index
    %swap3A_501 = tpu.vector_load %arg7[%swap3A_500] {strides = array<i32>} : memref<768xf32, #tpu.memory_space<vmem>>, vector<16xf32>,
    %swap3A_502 = vector.shape_cast %swap3A_501 : vector<16xf32> to vector<16xf32>
    %swap3A_503 = vector.shape_cast %mul3A_499 : vector<16xf32> to vector<16xf32>
    tpu.vector_store %arg7[%swap3A_500], %swap3A_503 {strides = array<i32>} : memref<768xf32, #tpu.memory_space<vmem>>, vector<16xf32>,
    %swap3A_504 = arith.constant 704 : index
    %swap3A_505 = tpu.vector_load %arg7[%swap3A_504] {strides = array<i32>} : memref<768xf32, #tpu.memory_space<vmem>>, vector<16xf32>,
    %swap3A_506 = vector.shape_cast %swap3A_505 : vector<16xf32> to vector<16xf32>
    %swap3A_507 = vector.shape_cast %while3A_331#12 : vector<16xf32> to vector<16xf32>
    tpu.vector_store %arg7[%swap3A_504], %swap3A_507 {strides = array<i32>} : memref<768xf32, #tpu.memory_space<vmem>>, vector<16xf32>,
    %swap3A_508 = arith.constant 208 : index
    %swap3A_509 = tpu.vector_load %arg7[%swap3A_508] {strides = array<i32>} : memref<768xf32, #tpu.memory_space<vmem>>, vector<16xf32>,
    %swap3A_510 = vector.shape_cast %swap3A_509 : vector<16xf32> to vector<16xf32>
    %swap3A_511 = vector.shape_cast %while3A_331#29 : vector<16xf32> to vector<16xf32>
    tpu.vector_store %arg7[%swap3A_508], %swap3A_511 {strides = array<i32>} : memref<768xf32, #tpu.memory_space<vmem>>, vector<16xf32>,
    %mul3A_512 = arith.mulf %while3A_331#13, %div3A_338 : vector<16xf32>
    %swap3A_513 = arith.constant 464 : index
    %swap3A_514 = tpu.vector_load %arg7[%swap3A_513] {strides = array<i32>} : memref<768xf32, #tpu.memory_space<vmem>>, vector<16xf32>,
    %swap3A_515 = vector.shape_cast %swap3A_514 : vector<16xf32> to vector<16xf32>
    %swap3A_516 = vector.shape_cast %mul3A_512 : vector<16xf32> to vector<16xf32>
    tpu.vector_store %arg7[%swap3A_513], %swap3A_516 {strides = array<i32>} : memref<768xf32, #tpu.memory_space<vmem>>, vector<16xf32>,
    %swap3A_517 = arith.constant 720 : index
    %swap3A_518 = tpu.vector_load %arg7[%swap3A_517] {strides = array<i32>} : memref<768xf32, #tpu.memory_space<vmem>>, vector<16xf32>,
    %swap3A_519 = vector.shape_cast %swap3A_518 : vector<16xf32> to vector<16xf32>
    %swap3A_520 = vector.shape_cast %while3A_331#13 : vector<16xf32> to vector<16xf32>
    tpu.vector_store %arg7[%swap3A_517], %swap3A_520 {strides = array<i32>} : memref<768xf32, #tpu.memory_space<vmem>>, vector<16xf32>,
    %swap3A_521 = arith.constant 224 : index
    %swap3A_522 = tpu.vector_load %arg7[%swap3A_521] {strides = array<i32>} : memref<768xf32, #tpu.memory_space<vmem>>, vector<16xf32>,
    %swap3A_523 = vector.shape_cast %swap3A_522 : vector<16xf32> to vector<16xf32>
    %swap3A_524 = vector.shape_cast %while3A_331#30 : vector<16xf32> to vector<16xf32>
    tpu.vector_store %arg7[%swap3A_521], %swap3A_524 {strides = array<i32>} : memref<768xf32, #tpu.memory_space<vmem>>, vector<16xf32>,
    %mul3A_525 = arith.mulf %while3A_331#14, %div3A_338 : vector<16xf32>
    %swap3A_526 = arith.constant 480 : index
    %swap3A_527 = tpu.vector_load %arg7[%swap3A_526] {strides = array<i32>} : memref<768xf32, #tpu.memory_space<vmem>>, vector<16xf32>,
    %swap3A_528 = vector.shape_cast %swap3A_527 : vector<16xf32> to vector<16xf32>
    %swap3A_529 = vector.shape_cast %mul3A_525 : vector<16xf32> to vector<16xf32>
    tpu.vector_store %arg7[%swap3A_526], %swap3A_529 {strides = array<i32>} : memref<768xf32, #tpu.memory_space<vmem>>, vector<16xf32>,
    %swap3A_530 = arith.constant 736 : index
    %swap3A_531 = tpu.vector_load %arg7[%swap3A_530] {strides = array<i32>} : memref<768xf32, #tpu.memory_space<vmem>>, vector<16xf32>,
    %swap3A_532 = vector.shape_cast %swap3A_531 : vector<16xf32> to vector<16xf32>
    %swap3A_533 = vector.shape_cast %while3A_331#14 : vector<16xf32> to vector<16xf32>
    tpu.vector_store %arg7[%swap3A_530], %swap3A_533 {strides = array<i32>} : memref<768xf32, #tpu.memory_space<vmem>>, vector<16xf32>,
    %swap3A_534 = arith.constant 240 : index
    %swap3A_535 = tpu.vector_load %arg7[%swap3A_534] {strides = array<i32>} : memref<768xf32, #tpu.memory_space<vmem>>, vector<16xf32>,
    %swap3A_536 = vector.shape_cast %swap3A_535 : vector<16xf32> to vector<16xf32>
    %swap3A_537 = vector.shape_cast %while3A_331#31 : vector<16xf32> to vector<16xf32>
    tpu.vector_store %arg7[%swap3A_534], %swap3A_537 {strides = array<i32>} : memref<768xf32, #tpu.memory_space<vmem>>, vector<16xf32>,
    %mul3A_538 = arith.mulf %while3A_331#15, %div3A_338 : vector<16xf32>
    %swap3A_539 = arith.constant 496 : index
    %swap3A_540 = tpu.vector_load %arg7[%swap3A_539] {strides = array<i32>} : memref<768xf32, #tpu.memory_space<vmem>>, vector<16xf32>,
    %swap3A_541 = vector.shape_cast %swap3A_540 : vector<16xf32> to vector<16xf32>
    %swap3A_542 = vector.shape_cast %mul3A_538 : vector<16xf32> to vector<16xf32>
    tpu.vector_store %arg7[%swap3A_539], %swap3A_542 {strides = array<i32>} : memref<768xf32, #tpu.memory_space<vmem>>, vector<16xf32>,
    %swap3A_543 = arith.constant 752 : index
    %swap3A_544 = tpu.vector_load %arg7[%swap3A_543] {strides = array<i32>} : memref<768xf32, #tpu.memory_space<vmem>>, vector<16xf32>,
    %swap3A_545 = vector.shape_cast %swap3A_544 : vector<16xf32> to vector<16xf32>
    %swap3A_546 = vector.shape_cast %while3A_331#15 : vector<16xf32> to vector<16xf32>
    tpu.vector_store %arg7[%swap3A_543], %swap3A_546 {strides = array<i32>} : memref<768xf32, #tpu.memory_space<vmem>>, vector<16xf32>,
    %mul3A_547 = arith.constant 3 : i32
    %mul3A_548 = arith.muli %add3A_289, %mul3A_547 : i32
    %mul3A_549 = arith.constant 256 : i32
    %mul3A_550 = arith.muli %mul3A_548, %mul3A_549 : i32
    "tpu.region"() ({
      %run_scoped3A = tpu.sem_alloc : memref<!tpu.dma_semaphore, #tpu.memory_space<semaphore_mem>>
      %dma_start3A = tpu.memref_slice %arg4[%mul3A_550] : memref<49152xf32, #tpu.memory_space<hbm>> -> memref<768xf32, #tpu.memory_space<hbm>>
      %dma_start3A_551 = tpu.memref_slice %arg4[%mul3A_550] : memref<49152xf32, #tpu.memory_space<hbm>> -> memref<768xf32, #tpu.memory_space<hbm>>
      tpu.enqueue_dma source(%arg7 : memref<768xf32, #tpu.memory_space<vmem>>) target(%dma_start3A_551 : memref<768xf32, #tpu.memory_space<hbm>>) target_semaphore(%run_scoped3A : memref<!tpu.dma_semaphore, #tpu.memory_space<semaphore_mem>>)
      %dma_wait3A = tpu.memref_slice %arg4[%mul3A_550] : memref<49152xf32, #tpu.memory_space<hbm>> -> memref<768xf32, #tpu.memory_space<hbm>>
      %dma_wait3A_552 = tpu.memref_slice %arg4[%mul3A_550] : memref<49152xf32, #tpu.memory_space<hbm>> -> memref<768xf32, #tpu.memory_space<hbm>>
      tpu.wait_dma2 semaphore(%run_scoped3A : memref<!tpu.dma_semaphore, #tpu.memory_space<semaphore_mem>>) src(%arg7 : memref<768xf32, #tpu.memory_space<vmem>>) dst(%dma_wait3A_552 : memref<768xf32, #tpu.memory_space<hbm>>)
      tpu.yield
    }) : () -> ()
    return
  }
}

</mosaic_0001>

<sc_bundles>
// kernel: kernel.3.cloned.1.call-start
scs
__scs_entry_jumppad:
0x0: {  	(pc) =	sbr.rel $0x88, $3  }
0x1: {  	(tag) =	ssettag $0x0;
	lr =	simm.s32 $0x1  }
0x2: {  	[smem:$0x3F9F] =	sst lr;
	_ =	strace $0xD0000000  }
0x3: {  	_ = 	snop  }
0x4: {  	_ = 	snop  }
0x5: {  	_ = 	snop  }
0x6: {  	_ = 	snop  }
0x7: {  	_ = 	snop  }
__scs_overlays_trampoline_lowered:
0x8: {  	[smem:$0x3FAE] =	sst s0  }
0x9: {  	[smem:$0x3FAF] =	sst s1  }
0xa: {  	[smem:$0x3FB0] =	sst s2  }
0xb: {  	[smem:$0x3FB1] =	sst s3  }
0xc: {  	[smem:$0x3FB2] =	sst s4  }
0xd: {  	[smem:$0x3FB3] =	sst s5  }
0xe: {  	[smem:$0x3FB4] =	sst s6  }
0xf: {  	[smem:$0x3FB5] =	sst s7  }
0x10: {  	[smem:$0x3FB6] =	sst s8  }
0x11: {  	[smem:$0x3FB7] =	sst s9;
	s0 =	simm.s32 @!p0 $0x0  }
0x12: {  	s1 =	sld [smem:$0x3F9D];
	s0 =	simm.s32 @p0 $0x1  }
0x13: {  	[smem:$0x3FB8] =	sst s0;
	s0 =	simm.s32 @!p1 $0x0  }
0x14: {  	s2 =	sld [smem:$0x3F9C];
	s0 =	simm.s32 @p1 $0x1  }
0x15: {  	[smem:$0x3FB9] =	sst s0;
	s0 =	simm.s32 @!p2 $0x0  }
0x16: {  	s3 =	sld [smem:$0x3FDB];
	s0 =	simm.s32 @p2 $0x1  }
0x17: {  	s4 =	simm.s32 $0x1BF5;
	[smem:$0x3FBB] =	sst s0  }
0x18: {  	s0 =	sld [smem:$0x3F9E];
	_ =	swait.ge [sflag:s4], $0x0  }
0x19: {  	s7 =	sld [smem:$0x3F9F]  }
0x1a: {  	s8 =	sadd.s32 $0xFFFFE003, lr  }
0x1b: {  	s9 =	sadd.s32 $0xFFFFFEF7, lr;
	s5 =	simm.s32 $0xFFFFFFFF;
	p2 =	slt.u32 s8, $0xFFFFF086  }
0x1c: {  	p1 =	slt.u32 s9, $0xF7A;
	s5 =	simm.s32 @!p2 $0x0  }
0x1d: {  	s5 =	simm.s32 @p1 $0x1;
	p0 =	seq.s32 s7, s2  }
0x1e: {  	s7 =	smul.u32 @!p0 $0xF7A, s2;
	p2 =	seq.s32 @!p0 s5, $0x0  }
0x1f: {  	s9 =	smul.u32 $0xF7A, s1;
	s8 =	simm.s32 @!p0 $0x1BF5;
	p2 =	por !p2, p0  }
0x20: {  	[sflag:s8] =	ssyncset.s32 @!p0 $0xFFFFF086;
	s6 =	sadd.s32 @!p0 s3, s7;
	s7 =	simm.s32 @!p0 $0x108  }
0x21: {  	s3 =	sadd.s32 s3, s9;
	s6 =	sadd.s32 @!p0 $0x88, s6;
	s7 =	simm.s32 @p2 $0x1082  }
0x22: {  	[simem:s7], [sflag:s8] =	dma.local @!p0 [hbm:s6], $0xF7A  }
0x23: {  	s9 =	sor.u32 $0xD0000000, s2;
	s6 =	simm.s32 $0x108;
	_ =	swait.ge @!p0 [sflag:s8], $0x0  }
0x24: {  	s3 =	sadd.s32 $0x88, s3;
	s6 =	simm.s32 @!p1 $0x1082;
	[sflag:s4] =	ssyncset.s32 $0xFFFFF086  }
0x25: {  	[simem:s6], [sflag:s4] =	dma.local [hbm:s3], $0xF7A  }
0x26: {  	[smem:$0x3F9F] =	sst s1;
	(tag) =	ssettag s2;
	_ =	strace s9  }
0x27: {  	s1 =	sld [smem:$0x3FAF]  }
0x28: {  	s2 =	sld [smem:$0x3FB0]  }
0x29: {  	s4 =	sld [smem:$0x3FB2]  }
0x2a: {  	p0 =	seq.s32 s5, $0x0;
	s5 =	sld [smem:$0x3FB3]  }
0x2b: {  	s6 =	sld [smem:$0x3FB4]  }
0x2c: {  	s7 =	sld [smem:$0x3FB5]  }
0x2d: {  	s3 =	simm.s32 $0x108;
	s8 =	sld [smem:$0x3FB6]  }
0x2e: {  	s3 =	simm.s32 @!p0 $0x1082;
	s9 =	sld [smem:$0x3FB7]  }
0x2f: {  	lr =	sadd.s32 s0, s3;
	s0 =	sld [smem:$0x3FAE]  }
0x30: {  	s3 =	sld [smem:$0x3FB1]  }
0x31: {  	[smem:$0x3FBA] =	sst s10  }
0x32: {  	s10 =	sld [smem:$0x3FB8];
	_ =	sdelay $0x3  }
0x33: {  	p0 =	seq.s32 s10, $0x1;
	s10 =	sld [smem:$0x3FBA];
	_ =	sdelay $0x3  }
0x34: {  	[smem:$0x3FBA] =	sst s10  }
0x35: {  	s10 =	sld [smem:$0x3FB9];
	_ =	sdelay $0x3  }
0x36: {  	p1 =	seq.s32 s10, $0x1;
	s10 =	sld [smem:$0x3FBA];
	_ =	sdelay $0x3  }
0x37: {  	[smem:$0x3FBA] =	sst s10  }
0x38: {  	s10 =	sld [smem:$0x3FBB]  }
0x39: {  	_ = 	snop;
	(pc) =	sbr.ind lr, $3  }
0x3a: {  	_ = 	snop  }
0x3b: {  	_ = 	snop  }
0x3c: {  	p2 =	seq.s32 s10, $0x1;
	s10 =	sld [smem:$0x3FBA]  }
0x3d: {  	_ =	shalt  }
0x3e: {  	_ =	shalt  }
0x3f: {  	_ =	shalt  }
0x40: {  	_ =	shalt  }
0x41: {  	_ =	shalt  }
0x42: {  	_ =	shalt  }
0x43: {  	_ =	shalt  }
0x44: {  	_ =	shalt  }
0x45: {  	_ =	shalt  }
0x46: {  	_ =	shalt  }
0x47: {  	_ =	shalt  }
0x48: {  	_ =	shalt  }
0x49: {  	_ =	shalt  }
0x4a: {  	_ =	shalt  }
0x4b: {  	_ =	shalt  }
0x4c: {  	_ =	shalt  }
0x4d: {  	_ =	shalt  }
0x4e: {  	_ =	shalt  }
0x4f: {  	_ =	shalt  }
0x50: {  	_ =	shalt  }
0x51: {  	_ =	shalt  }
0x52: {  	_ =	shalt  }
0x53: {  	_ =	shalt  }
0x54: {  	_ =	shalt  }
0x55: {  	_ =	shalt  }
0x56: {  	_ =	shalt  }
0x57: {  	_ =	shalt  }
0x58: {  	_ =	shalt  }
0x59: {  	_ =	shalt  }
0x5a: {  	_ =	shalt  }
0x5b: {  	_ =	shalt  }
0x5c: {  	_ =	shalt  }
0x5d: {  	_ =	shalt  }
0x5e: {  	_ =	shalt  }
0x5f: {  	_ =	shalt  }
0x60: {  	_ =	shalt  }
0x61: {  	_ =	shalt  }
0x62: {  	_ =	shalt  }
0x63: {  	_ =	shalt  }
0x64: {  	_ =	shalt  }
0x65: {  	_ =	shalt  }
0x66: {  	_ =	shalt  }
0x67: {  	_ =	shalt  }
0x68: {  	_ =	shalt  }
0x69: {  	_ =	shalt  }
0x6a: {  	_ =	shalt  }
0x6b: {  	_ =	shalt  }
0x6c: {  	_ =	shalt  }
0x6d: {  	_ =	shalt  }
0x6e: {  	_ =	shalt  }
0x6f: {  	_ =	shalt  }
0x70: {  	_ =	shalt  }
0x71: {  	_ =	shalt  }
0x72: {  	_ =	shalt  }
0x73: {  	_ =	shalt  }
0x74: {  	_ =	shalt  }
0x75: {  	_ =	shalt  }
0x76: {  	_ =	shalt  }
0x77: {  	_ =	shalt  }
0x78: {  	_ =	shalt  }
0x79: {  	_ =	shalt  }
0x7a: {  	_ =	shalt  }
0x7b: {  	_ =	shalt  }
0x7c: {  	_ =	shalt  }
0x7d: {  	_ =	shalt  }
0x7e: {  	_ =	shalt  }
0x7f: {  	_ =	shalt  }
0x80: {  	_ =	shalt  }
0x81: {  	_ =	shalt  }
0x82: {  	_ =	shalt  }
0x83: {  	_ =	shalt  }
0x84: {  	_ =	shalt  }
0x85: {  	_ =	shalt  }
0x86: {  	_ =	shalt  }
0x87: {  	_ =	shalt  }
.Lfunc_end0:
.L_simem_size_0:
called_computation_lowered:
.L_overlay_start_0:
0x88: {  	s2 =	sld [smem:$0x3FD9]  }
0x89: {  	s3 =	sld [smem:$0x3FFE];
	_ =	sdelay $0x1  }
0x8a: {  	s1 =	srdreg.scid  }
0x8b: {  	s0 =	sand.u32 $0x1, s1  }
0x8c: {  	s17 =	sshll.u32 s0, $0xA;
	s2 =	sadd.s32 s3, s2  }
0x8d: {  	s2 =	sadd.s32 s2, s17  }
0x8e: {  	[smem:$0x3FC6] =	sst s2  }
0x8f: {  	_ = 	snop  }
0x90: {  	s2 =	sld [smem:$0x3FC8];
	(tm) =	ssettm $0x1  }
0x91: {  	s18 =	sld [smem:$0x3FFB];
	_ =	sdelay $0x3  }
0x92: {  	_ =	strace s18  }
0x93: {  	s3 =	sld [smem:$0x3FFC];
	_ =	sdelay $0x3  }
0x94: {  	_ =	strace s3  }
0x95: {  	s3 =	sld [smem:$0x3FFD];
	_ =	sdelay $0x3  }
0x96: {  	_ =	strace s3  }
0x97: {  	_ =	strace $0x8FFFFFFF  }
0x98: {  	s19 =	sld [smem:$0x3FDB];
	_ =	sdelay $0x1  }
0x99: {  	s4 =	simm.s32 $_scs_section_size  }
0x9a: {  	s5 =	simm.s32 $_size__tile_overlayer_lowered;
	s6 =	simm.s32 $_tile_overlayer_lowered  }
0x9b: {  	s22 =	simm.s32 $0x1BFF;
	s21 =	sshll.u32 s6, $0x1;
	s3 =	sadd.s32 s4, s19  }
0x9c: {  	s7 =	simm.s32 $0x0;
	s20 =	sshll.u32 s5, $0x1;
	s5 =	sadd.s32 s21, s3  }
0x9d: {  	[timem:s7], [sflag:s22] =	dma.local [hbm:s5], s20  }
0x9e: {  	_ =	swait.ge [sflag:s22], s20  }
0x9f: {  	s4 =	ssub.s32 $0x0, s20;
	[sflag:s22] =	ssyncset.done $0x0  }
0xa0: {  	[sflag:s22] =	ssyncadd.s32 s4;
	_ =	sdelay $0x1  }
0xa1: {  	s23 =	simm.s32 $0x1B8B  }
0xa2: {  	_ =	swait.ge [sflag:s23], $0x1  }
0xa3: {  	[sflag:s23] =	ssyncset.done $0x0  }
0xa4: {  	s25 =	simm.s32 $0x1B8E;
	s24 =	sld [smem:$0x3FFE];
	[sflag:s23] =	ssyncadd.s32 $0xFFFFFFFF  }
0xa5: {  	s26 =	simm.s32 $execute0_lowered;
	[smem:$0x3FD2] =	sst s25  }
0xa6: {  	s5 =	sshll.u32 s26, $0x1;
	_ =	strace $0x80000046;
	[dreg:$0x1] =	wrdreg $0xFFFFFFFF  }
0xa7: {  	s28 =	simm.s32 $_size_execute0_lowered;
	s3 =	sadd.s32 s3, s5;
	[dreg:$0x0] =	wrdreg $0x0  }
0xa8: {  	s5 =	sshll.u32 s28, $0x1;
	[dreg:$0x2] =	wrdreg s3  }
0xa9: {  	[dreg:$0x3] =	wrdreg s5  }
0xaa: {  	[dreg:$0x4] =	wrdreg $0xC0  }
0xab: {  	_ =	task [dreg:s7], $0x5FFFF  }
0xac: {  	[dreg:$0x1] =	wrdreg $0xFFFFFFFF  }
0xad: {  	[dreg:$0x0] =	wrdreg $0x60  }
0xae: {  	[dreg:$0x2] =	wrdreg s24  }
0xaf: {  	[dreg:$0x3] =	wrdreg s2  }
0xb0: {  	[dreg:$0x4] =	wrdreg $0x9  }
0xb1: {  	_ =	task.clear_ibuf [dreg:s7], $0x5FFFF;
	_ =	strace $0x90000046  }
0xb2: {  	s29 =	simm.s32 $0x9;
	_ =	strace $0x80000048  }
0xb3: {  	_ =	swait.ge [sflag:s29], $0x1  }
0xb4: {  	[sflag:s29] =	ssyncadd.s32 $0xFFFFFFFF  }
0xb5: {  	_ =	strace $0x90000048  }
0xb6: {  	_ =	sfence  }
0xb7: {  	s30 =	sld [smem:$0x0];
	_ =	sdelay $0x2  }
0xb8: {  	s31 =	sshll.u32 s1, $0xD;
	s1 =	sshrl.u32 s1, $0x2  }
0xb9: {  	s3 =	sand.u32 $0x4000, s31;
	s1 =	sadd.s32 s1, s30  }
0xba: {  	s0 =	sor.u32 s3, s0;
	s1 =	sshll.u32 s1, $0x11  }
0xbb: {  	s0 =	sor.u32 s1, s0  }
0xbc: {  	s0 =	sadd.s32 $0x8F2B, s0  }
0xbd: {  	[sflag:s0] =	ssyncadd.remote.s32 $0x1  }
0xbe: {  	_ =	sfence.sel $0xFFFF  }
0xbf: {  	[dreg:$0x0] =	wrdreg $0xFFFFFFFF;
	(pc) =	sbr.abs _section_cstart, $3  }
0xc0: {  	[dreg:$0x1] =	wrdreg $0xFFFFFFFF  }
0xc1: {  	_ =	task.clear_ibuf [dreg:s7], $0x2FFFF;
	_ =	strace $0x9FFFFFFF  }
0xc2: {  	(tm) =	ssettm $0x7FFFFFFF  }
0xc3: {  	_ =	shalt  }
tec
execute0_lowered:
.L_overlay_start_1:
0x0: {  	(tag) =	ssettag $0x1  }
0x1: {  	s5 =	rddreg [dreg:$0x0]  }
0x2: {  	s2 =	rddreg [dreg:$0x1]  }
0x3: {  	s0 =	rddreg [dreg:$0x2]  }
0x4: {  	s3 =	simm.s32 $0x0;
	s4 =	srdreg.scid;
	s1 =	stileid.u32  }
0x5: {  	s12 =	simm.s32 $0x6780;
	s6 =	sand.u32 $0x1, s4;
	s30 =	sshll.u32 s1, $0x1  }
0x6: {  	s13 =	simm.s32 $0x0;
	[smem:$0x7FF] =	sst s3;
	s7 =	sor.u32 s6, s30  }
0x7: {  	s4 =	sadd.s32 $0x400, s5;
	s9 =	sadd.s32 $0x4E600, s5;
	s8 =	smul.u32 $0x600, s7  }
.Ltmp0:
0x8: {  	_ =	strace $0x80000047;
	s6 =	ssub.s32 $0x2, s6;
	(pc) =	sbr.rel .LBB2_1-.Ltmp0, $4  }
0x9: {  	s31 =	sshrl.u32 s6, $0x1;
	s10 =	smul.u32 $0xC0, s7;
	s5 =	sshll.u32 s7, $0x1  }
0xa: {  	s11 =	ssub.s32 s6, s31;
	s6 =	sadd.s32 $0x2, s5;
	s8 =	sshrl.u32 s8, $0x3  }
0xb: {  	s7 =	sadd.s32 s9, s10;
	s10 =	simm.s32 $0x1;
	s8 =	sadd.s32 s9, s8  }
0xc: {  	v0 =	vimm.s32 $0x40;
	s9 =	smax.u32 s11, $0x1;
	s11 =	simm.s32 $0x2780;
	s8 =	sadd.s32 $0x60, s8  }
.LBB2_21:
0xd: {  	[tilespmem:$0x6780] =	vst v1  }
0xe: {  	[tilespmem:$0x6980] =	vst v2  }
0xf: {  	p0 =	sgt.s32 s16, $0x1;
	[tilespmem:$0x6790] =	vst v32  }
0x10: {  	[tilespmem:$0x6990] =	vst v30;
	s16 =	simm.s32 @!p0 $0x1  }
0x11: {  	[tilespmem:$0x67A0] =	vst v31;
	s14 =	scvt.s32.f32 s16  }
0x12: {  	[tilespmem:$0x69A0] =	vst v27  }
0x13: {  	[tilespmem:$0x67B0] =	vst v29;
	v33 =	vmov s14  }
0x14: {  	[tilespmem:$0x69B0] =	vst v24;
	(erf) = vrcp.f32 v33  }
0x15: {  	[tilespmem:$0x67C0] =	vst v28  }
0x16: {  	[tilespmem:$0x69C0] =	vst v22  }
0x17: {  	[tilespmem:$0x67D0] =	vst v26  }
0x18: {  	[tilespmem:$0x69D0] =	vst v20  }
0x19: {  	[tilespmem:$0x67E0] =	vst v25  }
0x1a: {  	[tilespmem:$0x69E0] =	vst v17  }
0x1b: {  	[tilespmem:$0x67F0] =	vst v23  }
0x1c: {  	[tilespmem:$0x69F0] =	vst v16  }
0x1d: {  	[tilespmem:$0x6800] =	vst v21;
	v33 =	vpop (erf)  }
0x1e: {  	[tilespmem:$0x6A00] =	vst v14;
	v1 =	vmul.f32 v30, v33  }
0x1f: {  	[tilespmem:$0x6810] =	vst v19  }
0x20: {  	[tilespmem:$0x6890] =	vst v1;
	v1 =	vmul.f32 v27, v33  }
0x21: {  	[tilespmem:$0x6A10] =	vst v11  }
0x22: {  	[tilespmem:$0x68A0] =	vst v1;
	v1 =	vmul.f32 v24, v33  }
0x23: {  	[tilespmem:$0x6820] =	vst v18  }
0x24: {  	[tilespmem:$0x68B0] =	vst v1;
	v1 =	vmul.f32 v22, v33  }
0x25: {  	[tilespmem:$0x6A20] =	vst v10  }
0x26: {  	[tilespmem:$0x68C0] =	vst v1;
	v1 =	vmul.f32 v20, v33  }
0x27: {  	[tilespmem:$0x6830] =	vst v15  }
0x28: {  	[tilespmem:$0x68D0] =	vst v1;
	v1 =	vmul.f32 v17, v33  }
0x29: {  	[tilespmem:$0x6A30] =	vst v8  }
0x2a: {  	[tilespmem:$0x68E0] =	vst v1;
	v1 =	vmul.f32 v16, v33  }
0x2b: {  	[tilespmem:$0x6840] =	vst v13  }
0x2c: {  	[tilespmem:$0x68F0] =	vst v1;
	v1 =	vmul.f32 v14, v33  }
0x2d: {  	[tilespmem:$0x6A40] =	vst v6  }
0x2e: {  	[tilespmem:$0x6900] =	vst v1;
	v1 =	vmul.f32 v11, v33  }
0x2f: {  	[tilespmem:$0x6850] =	vst v12  }
0x30: {  	[tilespmem:$0x6910] =	vst v1;
	v1 =	vmul.f32 v10, v33  }
0x31: {  	[tilespmem:$0x6A50] =	vst v5  }
0x32: {  	[tilespmem:$0x6920] =	vst v1;
	v1 =	vmul.f32 v8, v33  }
0x33: {  	[tilespmem:$0x6860] =	vst v9  }
0x34: {  	[tilespmem:$0x6930] =	vst v1;
	v1 =	vmul.f32 v6, v33  }
0x35: {  	[tilespmem:$0x6A60] =	vst v4  }
0x36: {  	[tilespmem:$0x6940] =	vst v1;
	v1 =	vmul.f32 v5, v33  }
0x37: {  	[tilespmem:$0x6870] =	vst v7  }
0x38: {  	[tilespmem:$0x6950] =	vst v1;
	v1 =	vmul.f32 v4, v33  }
0x39: {  	[tilespmem:$0x6A70] =	vst v3;
	v34 =	vmul.f32 v2, v33  }
0x3a: {  	s13 =	sadd.s32 $0x1, s13;
	[tilespmem:$0x6960] =	vst v1;
	v1 =	vmul.f32 v3, v33  }
0x3b: {  	p0 =	sne.s32 s13, s9;
	[tilespmem:$0x6880] =	vst v34  }
.Ltmp1:
0x3c: {  	[tilespmem:$0x6970] =	vst v1;
	(pc) =	sbr.rel @!p0 .LBB2_22-.Ltmp1, $4  }
0x3d: {  	[hbm4b:s8+s3] =	stream.linear.scatter [tilespmem:s12], [sflag:$0x1], $0x300, $0x38;
	[tilespmem:$0x6A80] =	vst v63  }
0x3e: {  	_ =	swait.ge [sflag:s10], $0x300  }
0x3f: {  	[sflag:s10] =	ssyncset.done $0x0  }
0x40: {  	[sflag:s10] =	ssyncadd.s32 $0xFFFFFD00  }
.LBB2_1:
0x41: {  	[tilespmem:s3], [sflag:$0x1] =	stream.linear.gather [hbm4b:s2+s3], $0x2710, $0x38;
	[tilespmem:$0x6A80] =	vst v63  }
0x42: {  	_ =	swait.ge [sflag:s10], $0x2710  }
0x43: {  	[sflag:s10] =	ssyncset.done $0x0  }
0x44: {  	s15 =	simm.s32 $0x2710;
	s18 =	simm.s32 $0x2710;
	[sflag:s10] =	ssyncadd.s32 $0xFFFFD8F0  }
0x45: {  	s14 =	simm.s32 $0xD;
	s16 =	simm.s32 $0x0;
	s17 =	simm.s32 $0x2710;
	[tilespmem:$0x2710] =	vst v0  }
.LBB2_2:
0x46: {  	s19 =	smov.u32 s17  }
0x47: {  	p0 =	sne.s32 s14, $0x1;
	s17 =	sand.u32 $0x1, s18  }
0x48: {  	p1 =	slt.s32 s18, $0x1;
	p2 =	seq.s32 s17, $0x1  }
0x49: {  	s17 =	sshrl.u32 s18, $0x1F;
	p1 =	por !p1, !p2  }
0x4a: {  	s17 =	sadd.s32 s17, s18;
	s18 =	simm.s32 $0x1;
	p1 =	por !p1, !p1  }
0x4b: {  	s17 =	sshra.s32 s17, $0x1;
	s18 =	simm.s32 @!p1 $0x0  }
0x4c: {  	s17 =	ssub.s32 s17, s18  }
0x4d: {  	v1 =	vld [tilespmem:s17+$0x0];
	_ =	sdelay $0x4  }
0x4e: {  	(v2sf) =	vpush v1, $0x0;
	_ =	sdelay $0xd  }
.Ltmp2:
0x4f: {  	(pc) =	sbr.rel @p0 .LBB2_2-.Ltmp2, $4  }
0x50: {  	s18 =	spop (v2sf)  }
0x51: {  	p1 =	slt.s32 s18, s5;
	s18 =	sadd.s32 $0x1, s17  }
0x52: {  	s16 =	smov.u32 @p1 s18;
	s17 =	smov.u32 @p1 s19  }
0x53: {  	s14 =	sadd.s32 $0xFFFFFFFF, s14;
	s18 =	sadd.s32 s16, s17  }
0x54: {  	s14 =	sand.u32 $0x1, s18  }
0x55: {  	p0 =	slt.s32 s18, $0x1;
	p1 =	seq.s32 s14, $0x1  }
0x56: {  	s30 =	sshrl.u32 s18, $0x1F;
	p0 =	por !p0, !p1  }
0x57: {  	s17 =	simm.s32 $0x1;
	s14 =	sadd.s32 s30, s18;
	p0 =	por !p0, !p0  }
0x58: {  	s14 =	sshra.s32 s14, $0x1;
	s17 =	simm.s32 @!p0 $0x0  }
0x59: {  	s14 =	ssub.s32 s14, s17  }
0x5a: {  	v1 =	vld [tilespmem:s14+$0x0];
	_ =	sdelay $0x4  }
0x5b: {  	(v2sf) =	vpush v1, $0x0;
	_ =	sdelay $0xe  }
0x5c: {  	s19 =	simm.s32 $0x2710;
	s31 =	spop (v2sf)  }
0x5d: {  	s18 =	simm.s32 $0x0;
	s14 =	sadd.s32 $0x1, s14;
	p0 =	slt.s32 s31, s5  }
0x5e: {  	s17 =	simm.s32 $0xD;
	s16 =	smov.u32 @p0 s14;
	s14 =	simm.s32 $0x0  }
.LBB2_4:
0x5f: {  	s20 =	smov.u32 s18  }
0x60: {  	p0 =	sne.s32 s17, $0x1;
	s18 =	sand.u32 $0x1, s19  }
0x61: {  	p1 =	slt.s32 s19, $0x1;
	p2 =	seq.s32 s18, $0x1  }
0x62: {  	s18 =	sshrl.u32 s19, $0x1F;
	p1 =	por !p1, !p2  }
0x63: {  	s18 =	sadd.s32 s18, s19;
	s19 =	simm.s32 $0x1;
	p1 =	por !p1, !p1  }
0x64: {  	s18 =	sshra.s32 s18, $0x1;
	s19 =	simm.s32 @!p1 $0x0  }
0x65: {  	s19 =	ssub.s32 s18, s19  }
0x66: {  	v1 =	vld [tilespmem:s19+$0x0];
	_ =	sdelay $0x4  }
0x67: {  	(v2sf) =	vpush v1, $0x0;
	_ =	sdelay $0xd  }
.Ltmp3:
0x68: {  	(pc) =	sbr.rel @p0 .LBB2_4-.Ltmp3, $4  }
0x69: {  	s18 =	spop (v2sf)  }
0x6a: {  	p1 =	sgt.s32 s18, s5;
	s18 =	sadd.s32 $0x1, s19  }
0x6b: {  	s18 =	smov.u32 @p1 s20;
	s15 =	smov.u32 @p1 s19  }
0x6c: {  	s17 =	sadd.s32 $0xFFFFFFFF, s17;
	s19 =	sadd.s32 s18, s15  }
0x6d: {  	s15 =	sand.u32 $0x1, s19  }
0x6e: {  	p0 =	slt.s32 s19, $0x1;
	p1 =	seq.s32 s15, $0x1  }
0x6f: {  	s30 =	sshrl.u32 s19, $0x1F;
	p0 =	por !p0, !p1  }
0x70: {  	s17 =	simm.s32 $0x1;
	s15 =	sadd.s32 s30, s19;
	p0 =	por !p0, !p0  }
0x71: {  	s15 =	sshra.s32 s15, $0x1;
	s17 =	simm.s32 @!p0 $0x0  }
0x72: {  	s15 =	ssub.s32 s15, s17  }
0x73: {  	v1 =	vld [tilespmem:s15+$0x0];
	_ =	sdelay $0x4  }
0x74: {  	(v2sf) =	vpush v1, $0x0;
	_ =	sdelay $0xe  }
0x75: {  	s31 =	spop (v2sf)  }
0x76: {  	s19 =	simm.s32 $0x2710;
	s15 =	sadd.s32 $0x1, s15;
	p0 =	sgt.s32 s31, s5  }
0x77: {  	s17 =	simm.s32 $0xD;
	s15 =	smov.u32 @p0 s18;
	s18 =	simm.s32 $0x2710  }
.LBB2_6:
0x78: {  	s20 =	smov.u32 s18  }
0x79: {  	p0 =	sne.s32 s17, $0x1;
	s18 =	sand.u32 $0x1, s19  }
0x7a: {  	p1 =	slt.s32 s19, $0x1;
	p2 =	seq.s32 s18, $0x1  }
0x7b: {  	s18 =	sshrl.u32 s19, $0x1F;
	p1 =	por !p1, !p2  }
0x7c: {  	s18 =	sadd.s32 s18, s19;
	s19 =	simm.s32 $0x1;
	p1 =	por !p1, !p1  }
0x7d: {  	s18 =	sshra.s32 s18, $0x1;
	s19 =	simm.s32 @!p1 $0x0  }
0x7e: {  	s18 =	ssub.s32 s18, s19  }
0x7f: {  	v1 =	vld [tilespmem:s18+$0x0];
	_ =	sdelay $0x4  }
0x80: {  	(v2sf) =	vpush v1, $0x0;
	_ =	sdelay $0xd  }
.Ltmp4:
0x81: {  	(pc) =	sbr.rel @p0 .LBB2_6-.Ltmp4, $4  }
0x82: {  	s19 =	spop (v2sf)  }
0x83: {  	p1 =	slt.s32 s19, s6;
	s19 =	sadd.s32 $0x1, s18  }
0x84: {  	s14 =	smov.u32 @p1 s19;
	s18 =	smov.u32 @p1 s20  }
0x85: {  	s17 =	sadd.s32 $0xFFFFFFFF, s17;
	s19 =	sadd.s32 s14, s18  }
0x86: {  	s17 =	sand.u32 $0x1, s19  }
0x87: {  	p0 =	slt.s32 s19, $0x1;
	p1 =	seq.s32 s17, $0x1  }
0x88: {  	s26 =	sshrl.u32 s19, $0x1F;
	p0 =	por !p0, !p1  }
0x89: {  	s18 =	simm.s32 $0x1;
	s17 =	sadd.s32 s26, s19;
	p0 =	por !p0, !p0  }
0x8a: {  	s17 =	sshra.s32 s17, $0x1;
	s18 =	simm.s32 @!p0 $0x0  }
0x8b: {  	s28 =	ssub.s32 s17, s18  }
0x8c: {  	v1 =	vld [tilespmem:s28+$0x0];
	_ =	sdelay $0x4  }
0x8d: {  	(v2sf) =	vpush v1, $0x0;
	_ =	sdelay $0x3  }
0x8e: {  	s17 =	ssub.s32 s15, s16  }
0x8f: {  	s29 =	sadd.s32 $0x3F, s17  }
0x90: {  	v2 =	vimm.f32 $0.0e+00;
	s20 =	sand.u32 $0x3F, s29  }
0x91: {  	v31 =	vimm.f32 $0.0e+00;
	v29 =	vimm.f32 $0.0e+00;
	v27 =	vimm.f32 $0.0e+00;
	s30 =	sshra.s32 s29, $0x1F;
	p6 =	slt.s32 s29, $0x1;
	p5 =	sne.s32 s20, $0x0  }
0x92: {  	v24 =	vimm.f32 $0.0e+00;
	v22 =	vimm.f32 $0.0e+00;
	v20 =	vimm.f32 $0.0e+00;
	s20 =	sshrl.u32 s30, $0x1A;
	p0 =	por !p6, !p5  }
0x93: {  	v17 =	vimm.f32 $0.0e+00;
	v15 =	vimm.f32 $0.0e+00;
	v13 =	vimm.f32 $0.0e+00;
	s18 =	sadd.s32 s20, s29;
	s20 =	simm.s32 $0x1;
	p0 =	por !p0, !p0  }
0x94: {  	v11 =	vimm.f32 $0.0e+00;
	v9 =	vimm.f32 $0.0e+00;
	v8 =	vimm.f32 $0.0e+00;
	s18 =	sshra.s32 s18, $0x6;
	s20 =	simm.s32 @!p0 $0x0  }
0x95: {  	v6 =	vimm.f32 $0.0e+00;
	v5 =	vimm.f32 $0.0e+00;
	v4 =	vimm.f32 $0.0e+00;
	s18 =	ssub.s32 s18, s20  }
0x96: {  	v3 =	vimm.f32 $0.0e+00;
	v34 =	vimm.f32 $-Inf;
	v33 =	vimm.f32 $-Inf;
	p1 =	slt.s32 s18, $0x1  }
.Ltmp5:
0x97: {  	v32 =	vimm.f32 $-Inf;
	v30 =	vimm.f32 $-Inf;
	v28 =	vimm.f32 $-Inf;
	(pc) =	sbr.rel @p1 .LBB2_14-.Ltmp5, $4  }
0x98: {  	v26 =	vimm.f32 $-Inf;
	v25 =	vimm.f32 $-Inf;
	v23 =	vimm.f32 $-Inf  }
0x99: {  	v21 =	vimm.f32 $-Inf;
	v19 =	vimm.f32 $-Inf;
	v18 =	vimm.f32 $-Inf;
	s31 =	spop (v2sf)  }
0x9a: {  	v16 =	vimm.f32 $-Inf;
	v14 =	vimm.f32 $-Inf;
	v12 =	vimm.f32 $-Inf;
	s19 =	sadd.s32 $0x1, s28;
	p0 =	slt.s32 s31, s6  }
0x9b: {  	v10 =	vimm.f32 $-Inf;
	v7 =	vimm.f32 $-Inf;
	v1 =	vimm.f32 $-Inf;
	s14 =	smov.u32 @p0 s19  }
0x9c: {  	v3 =	vimm.f32 $0.0e+00;
	v7 =	vimm.f32 $-Inf  }
0x9d: {  	v10 =	vimm.f32 $-Inf;
	v12 =	vimm.f32 $-Inf;
	v14 =	vimm.f32 $-Inf  }
0x9e: {  	v16 =	vimm.f32 $-Inf;
	v18 =	vimm.f32 $-Inf;
	v19 =	vimm.f32 $-Inf  }
0x9f: {  	v21 =	vimm.f32 $-Inf;
	v23 =	vimm.f32 $-Inf;
	v25 =	vimm.f32 $-Inf  }
0xa0: {  	v26 =	vimm.f32 $-Inf;
	v28 =	vimm.f32 $-Inf;
	v30 =	vimm.f32 $-Inf  }
0xa1: {  	v32 =	vimm.f32 $-Inf;
	v33 =	vimm.f32 $-Inf;
	v34 =	vimm.f32 $-Inf  }
.Ltmp6:
0xa2: {  	v4 =	vimm.f32 $0.0e+00;
	v5 =	vimm.f32 $0.0e+00;
	v6 =	vimm.f32 $0.0e+00;
	(pc) =	sbr.rel .LBB2_9-.Ltmp6, $4  }
0xa3: {  	v8 =	vimm.f32 $0.0e+00;
	v9 =	vimm.f32 $0.0e+00;
	v11 =	vimm.f32 $0.0e+00  }
0xa4: {  	s19 =	sshll.u32 s16, $0xA;
	v13 =	vimm.f32 $0.0e+00;
	v15 =	vimm.f32 $0.0e+00;
	v17 =	vimm.f32 $0.0e+00  }
0xa5: {  	v20 =	vimm.f32 $0.0e+00;
	v22 =	vimm.f32 $0.0e+00;
	v24 =	vimm.f32 $0.0e+00;
	s19 =	sshra.s32 s19, $0x2  }
0xa6: {  	s20 =	simm.s32 $0x0;
	s21 =	smov.u32 s16;
	v27 =	vimm.f32 $0.0e+00;
	v29 =	vimm.f32 $0.0e+00;
	v31 =	vimm.f32 $0.0e+00;
	s19 =	sadd.s32 $0x2780, s19  }
.LBB2_12:
0xa7: {  	v40 =	vld [tilespmem:s23+$0xA0]  }
0xa8: {  	v41 =	vld [tilespmem:s23+$0xB0]  }
0xa9: {  	v42 =	vld [tilespmem:s23+$0xC0]  }
0xaa: {  	v26 =	vmax.f32 v26, v35;
	v62 =	vld [tilespmem:s23+$0xD0];
	v25 =	vmax.f32 v25, v36  }
0xab: {  	v63 =	vld [tilespmem:s23+$0xE0];
	v23 =	vmax.f32 v23, v37;
	v20 =	vadd.f32 v35, v20;
	v17 =	vadd.f32 v36, v17  }
0xac: {  	v21 =	vmax.f32 v21, v38;
	v15 =	vadd.f32 v37, v15;
	v13 =	vadd.f32 v38, v13  }
0xad: {  	v19 =	vmax.f32 v19, v39;
	v11 =	vadd.f32 v39, v11;
	v9 =	vadd.f32 v40, v9  }
0xae: {  	v18 =	vmax.f32 v18, v40;
	v8 =	vadd.f32 v41, v8;
	v16 =	vmax.f32 v16, v41  }
0xaf: {  	v6 =	vadd.f32 v42, v6;
	v14 =	vmax.f32 v14, v42;
	v5 =	vadd.f32 v62, v5  }
0xb0: {  	v12 =	vmax.f32 v12, v62;
	v4 =	vadd.f32 v63, v4;
	v10 =	vmax.f32 v10, v63  }
.LBB2_13:
0xb1: {  	s20 =	sadd.s32 $0x1, s20  }
0xb2: {  	p0 =	sne.s32 s20, s18  }
.Ltmp7:
0xb3: {  	_ = 	snop;
	(pc) =	sbr.rel @!p0 .LBB2_14-.Ltmp7, $2  }
0xb4: {  	_ =	sdelay $0x2  }
0xb5: {  	s21 =	sadd.s32 $0x40, s21;
	s19 =	sadd.s32 $0x4000, s19  }
.LBB2_9:
0xb6: {  	s22 =	sshll.u32 s20, $0x6  }
0xb7: {  	s22 =	sadd.s32 s16, s22  }
0xb8: {  	p0 =	slt.s32 s22, $0x26D0;
	s23 =	smov.u32 s22  }
0xb9: {  	s25 =	ssub.s32 s15, s22;
	s23 =	simm.s32 @!p0 $0x26D0  }
0xba: {  	p0 =	slt.s32 s25, $0x40;
	s24 =	sshll.u32 s23, $0x5  }
0xbb: {  	s25 =	simm.s32 @!p0 $0x40;
	s26 =	sand.u32 $0x1FFFFFE0, s24;
	s24 =	ssub.s32 s22, s23  }
0xbc: {  	s22 =	sadd.s32 s25, s24  }
0xbd: {  	p0 =	sge.s32 s24, s22  }
.Ltmp8:
0xbe: {  	s31 =	sadd.s32 s4, s26;
	(pc) =	sbr.rel @p0 .LBB2_13-.Ltmp8, $4  }
0xbf: {  	[tilespmem:s11], [sflag:$0x1] =	stream.linear.gather [hbm4b:s31+s3], $0x4000, $0x38;
	[tilespmem:$0x6A80] =	vst v63  }
0xc0: {  	_ =	swait.ge [sflag:s10], $0x4000  }
0xc1: {  	[sflag:s10] =	ssyncset.done $0x0  }
0xc2: {  	[sflag:s10] =	ssyncadd.s32 $0xFFFFC000  }
0xc3: {  	p0 =	slt.s32 s21, $0x26D0;
	s23 =	smov.u32 s21  }
0xc4: {  	s23 =	simm.s32 @!p0 $0x26D0  }
0xc5: {  	s23 =	sshll.u32 s23, $0xA  }
0xc6: {  	s23 =	ssub.s32 $0x0, s23  }
0xc7: {  	[dreg:$0x3] =	wrdreg s23  }
0xc8: {  	s23 =	rddreg [dreg:$0x3]  }
0xc9: {  	s23 =	sshra.s32 s23, $0x2  }
0xca: {  	s23 =	sadd.s32 s23, s19  }
0xcb: {  	v36 =	vld [tilespmem:s23+$0xF0]  }
0xcc: {  	v37 =	vld [tilespmem:s23+$0x0]  }
0xcd: {  	v38 =	vld [tilespmem:s23+$0x10]  }
0xce: {  	v39 =	vld [tilespmem:s23+$0x20]  }
0xcf: {  	s24 =	sadd.s32 $0x1, s24;
	v40 =	vld [tilespmem:s23+$0x30]  }
0xd0: {  	p0 =	slt.s32 s24, s22;
	v41 =	vld [tilespmem:s23+$0x40]  }
.Ltmp9:
0xd1: {  	v35 =	vld [tilespmem:s23+$0x50];
	(pc) =	sbr.rel @!p0 .LBB2_12-.Ltmp9, $4  }
0xd2: {  	v3 =	vadd.f32 v36, v3;
	v7 =	vmax.f32 v7, v36;
	v31 =	vadd.f32 v37, v31;
	v36 =	vld [tilespmem:s23+$0x60]  }
0xd3: {  	v34 =	vmax.f32 v34, v37;
	v29 =	vadd.f32 v38, v29;
	v33 =	vmax.f32 v33, v38;
	v37 =	vld [tilespmem:s23+$0x70]  }
0xd4: {  	v27 =	vadd.f32 v39, v27;
	v32 =	vmax.f32 v32, v39;
	v24 =	vadd.f32 v40, v24;
	v38 =	vld [tilespmem:s23+$0x80]  }
0xd5: {  	s25 =	smov.u32 s19;
	v30 =	vmax.f32 v30, v40;
	v22 =	vadd.f32 v41, v22;
	v28 =	vmax.f32 v28, v41;
	v39 =	vld [tilespmem:s23+$0x90]  }
.LBB2_11:
0xd6: {  	v54 =	vld [tilespmem:s23+$0xA0]  }
0xd7: {  	v55 =	vld [tilespmem:s23+$0xB0]  }
0xd8: {  	s26 =	rddreg [dreg:$0x3];
	v56 =	vld [tilespmem:s23+$0xC0]  }
0xd9: {  	v57 =	vld [tilespmem:s23+$0xD0];
	s25 =	sadd.s32 $0x100, s25;
	s26 =	sshra.s32 s26, $0x2  }
0xda: {  	v58 =	vld [tilespmem:s23+$0xE0];
	s23 =	sadd.s32 s26, s25  }
0xdb: {  	v20 =	vadd.f32 v35, v20;
	v26 =	vmax.f32 v26, v35;
	v40 =	vld [tilespmem:s23+$0xF0]  }
0xdc: {  	v17 =	vadd.f32 v36, v17;
	v25 =	vmax.f32 v25, v36;
	v15 =	vadd.f32 v37, v15;
	v59 =	vld [tilespmem:s23+$0x0]  }
0xdd: {  	v23 =	vmax.f32 v23, v37;
	v13 =	vadd.f32 v38, v13;
	v21 =	vmax.f32 v21, v38;
	v60 =	vld [tilespmem:s23+$0x10]  }
0xde: {  	v11 =	vadd.f32 v39, v11;
	v19 =	vmax.f32 v19, v39;
	v61 =	vld [tilespmem:s23+$0x20];
	v9 =	vadd.f32 v54, v9  }
0xdf: {  	s24 =	sadd.s32 $0x1, s24;
	v62 =	vld [tilespmem:s23+$0x30];
	v18 =	vmax.f32 v18, v54;
	v8 =	vadd.f32 v55, v8;
	v16 =	vmax.f32 v16, v55  }
0xe0: {  	p0 =	slt.s32 s24, s22;
	v63 =	vld [tilespmem:s23+$0x40];
	v6 =	vadd.f32 v56, v6;
	v14 =	vmax.f32 v14, v56;
	v5 =	vadd.f32 v57, v5  }
.Ltmp10:
0xe1: {  	v35 =	vld [tilespmem:s23+$0x50];
	v12 =	vmax.f32 v12, v57;
	v4 =	vadd.f32 v58, v4;
	v10 =	vmax.f32 v10, v58;
	(pc) =	sbr.rel @p0 .LBB2_11-.Ltmp10, $4  }
0xe2: {  	v36 =	vld [tilespmem:s23+$0x60];
	v3 =	vadd.f32 v40, v3;
	v7 =	vmax.f32 v7, v40;
	v31 =	vadd.f32 v59, v31  }
0xe3: {  	v37 =	vld [tilespmem:s23+$0x70];
	v34 =	vmax.f32 v34, v59;
	v29 =	vadd.f32 v60, v29;
	v33 =	vmax.f32 v33, v60  }
0xe4: {  	v38 =	vld [tilespmem:s23+$0x80];
	v27 =	vadd.f32 v61, v27;
	v32 =	vmax.f32 v32, v61;
	v24 =	vadd.f32 v62, v24  }
0xe5: {  	v39 =	vld [tilespmem:s23+$0x90];
	v30 =	vmax.f32 v30, v62;
	v22 =	vadd.f32 v63, v22;
	v28 =	vmax.f32 v28, v63  }
.Ltmp11:
0xe6: {  	_ = 	snop;
	(pc) =	sbr.rel .LBB2_12-.Ltmp11, $1  }
0xe7: {  	_ =	sdelay $0x3  }
.LBB2_14:
0xe8: {  	[tilespmem:$0x6780] =	vst v34  }
0xe9: {  	[tilespmem:$0x6980] =	vst v31  }
0xea: {  	[tilespmem:$0x6790] =	vst v33  }
0xeb: {  	[tilespmem:$0x6990] =	vst v29  }
0xec: {  	[tilespmem:$0x67A0] =	vst v32  }
0xed: {  	[tilespmem:$0x69A0] =	vst v27  }
0xee: {  	[tilespmem:$0x67B0] =	vst v30  }
0xef: {  	[tilespmem:$0x69B0] =	vst v24  }
0xf0: {  	[tilespmem:$0x67C0] =	vst v28  }
0xf1: {  	[tilespmem:$0x69C0] =	vst v22  }
0xf2: {  	[tilespmem:$0x67D0] =	vst v26  }
0xf3: {  	[tilespmem:$0x69D0] =	vst v20  }
0xf4: {  	[tilespmem:$0x67E0] =	vst v25  }
0xf5: {  	[tilespmem:$0x69E0] =	vst v17  }
0xf6: {  	[tilespmem:$0x67F0] =	vst v23  }
0xf7: {  	p0 =	sgt.s32 s17, $0x1;
	[tilespmem:$0x69F0] =	vst v15  }
0xf8: {  	[tilespmem:$0x6800] =	vst v21;
	s17 =	simm.s32 @!p0 $0x1  }
0xf9: {  	[tilespmem:$0x6A00] =	vst v13;
	s16 =	scvt.s32.f32 s17  }
0xfa: {  	[tilespmem:$0x6810] =	vst v19  }
0xfb: {  	[tilespmem:$0x6A10] =	vst v11;
	v35 =	vmov s16  }
0xfc: {  	[tilespmem:$0x6820] =	vst v18;
	(erf) = vrcp.f32 v35  }
0xfd: {  	[tilespmem:$0x6A20] =	vst v9  }
0xfe: {  	[tilespmem:$0x6830] =	vst v16  }
0xff: {  	[tilespmem:$0x6A30] =	vst v8  }
0x100: {  	[tilespmem:$0x6840] =	vst v14  }
0x101: {  	[tilespmem:$0x6A40] =	vst v6  }
0x102: {  	[tilespmem:$0x6850] =	vst v12  }
0x103: {  	[tilespmem:$0x6A50] =	vst v5  }
0x104: {  	[tilespmem:$0x6860] =	vst v10  }
0x105: {  	[tilespmem:$0x6A60] =	vst v4;
	v35 =	vpop (erf)  }
0x106: {  	[tilespmem:$0x6870] =	vst v7;
	v36 =	vmul.f32 v31, v35  }
0x107: {  	[tilespmem:$0x6A70] =	vst v3;
	v31 =	vmul.f32 v29, v35  }
0x108: {  	v29 =	vmul.f32 v27, v35;
	[tilespmem:$0x6880] =	vst v36  }
0x109: {  	v27 =	vmul.f32 v24, v35;
	[tilespmem:$0x6890] =	vst v31  }
0x10a: {  	v24 =	vmul.f32 v22, v35;
	[tilespmem:$0x68A0] =	vst v29  }
0x10b: {  	v22 =	vmul.f32 v20, v35;
	[tilespmem:$0x68B0] =	vst v27  }
0x10c: {  	v20 =	vmul.f32 v17, v35;
	[tilespmem:$0x68C0] =	vst v24  }
0x10d: {  	v17 =	vmul.f32 v15, v35;
	[tilespmem:$0x68D0] =	vst v22  }
0x10e: {  	s16 =	ssub.s32 s14, s15;
	v15 =	vmul.f32 v13, v35;
	[tilespmem:$0x68E0] =	vst v20  }
0x10f: {  	s30 =	sadd.s32 $0x3F, s16;
	v13 =	vmul.f32 v11, v35;
	[tilespmem:$0x68F0] =	vst v17  }
0x110: {  	v30 =	vimm.f32 $0.0e+00;
	v16 =	vimm.f32 $0.0e+00;
	s18 =	sand.u32 $0x3F, s30;
	v11 =	vmul.f32 v9, v35;
	[tilespmem:$0x6900] =	vst v15  }
0x111: {  	v14 =	vimm.f32 $0.0e+00;
	v10 =	vimm.f32 $0.0e+00;
	s31 =	sshra.s32 s30, $0x1F;
	p1 =	slt.s32 s30, $0x1;
	p6 =	sne.s32 s18, $0x0;
	v9 =	vmul.f32 v8, v35;
	[tilespmem:$0x6910] =	vst v13  }
0x112: {  	v32 =	vimm.f32 $-Inf;
	v28 =	vimm.f32 $-Inf;
	s18 =	sshrl.u32 s31, $0x1A;
	p0 =	por !p1, !p6;
	v8 =	vmul.f32 v6, v35;
	[tilespmem:$0x6920] =	vst v11  }
0x113: {  	v26 =	vimm.f32 $-Inf;
	v25 =	vimm.f32 $-Inf;
	s17 =	sadd.s32 s18, s30;
	s18 =	simm.s32 $0x1;
	p0 =	por !p0, !p0;
	v6 =	vmul.f32 v5, v35;
	[tilespmem:$0x6930] =	vst v9  }
0x114: {  	v23 =	vimm.f32 $-Inf;
	v21 =	vimm.f32 $-Inf;
	s17 =	sshra.s32 s17, $0x6;
	s18 =	simm.s32 @!p0 $0x0;
	v5 =	vmul.f32 v4, v35;
	[tilespmem:$0x6940] =	vst v8  }
0x115: {  	v19 =	vimm.f32 $-Inf;
	v18 =	vimm.f32 $-Inf;
	s17 =	ssub.s32 s17, s18;
	v4 =	vmul.f32 v3, v35;
	[tilespmem:$0x6950] =	vst v6  }
0x116: {  	v12 =	vimm.f32 $-Inf;
	v7 =	vimm.f32 $-Inf;
	p0 =	slt.s32 s17, $0x1;
	v3 =	vimm.f32 $0.0e+00;
	[tilespmem:$0x6960] =	vst v5  }
.Ltmp12:
0x117: {  	[tilespmem:$0x6970] =	vst v4;
	v27 =	vimm.f32 $0.0e+00;
	v24 =	vimm.f32 $0.0e+00;
	v22 =	vimm.f32 $0.0e+00;
	(pc) =	sbr.rel @p0 .LBB2_21-.Ltmp12, $4  }
0x118: {  	v20 =	vimm.f32 $0.0e+00;
	v17 =	vimm.f32 $0.0e+00;
	v11 =	vimm.f32 $0.0e+00;
	[hbm4b:s7+s3] =	stream.linear.scatter [tilespmem:s12], [sflag:$0x1], $0x300, $0x38;
	[tilespmem:$0x6A80] =	vst v63  }
0x119: {  	v8 =	vimm.f32 $0.0e+00;
	v6 =	vimm.f32 $0.0e+00;
	v5 =	vimm.f32 $0.0e+00;
	_ =	swait.ge [sflag:s10], $0x300  }
0x11a: {  	v4 =	vimm.f32 $0.0e+00;
	v31 =	vimm.f32 $-Inf;
	v29 =	vimm.f32 $-Inf;
	[sflag:s10] =	ssyncset.done $0x0  }
0x11b: {  	v15 =	vimm.f32 $-Inf;
	v13 =	vimm.f32 $-Inf;
	v9 =	vimm.f32 $-Inf;
	[sflag:s10] =	ssyncadd.s32 $0xFFFFFD00  }
0x11c: {  	v3 =	vimm.f32 $0.0e+00;
	v7 =	vimm.f32 $-Inf  }
0x11d: {  	v9 =	vimm.f32 $-Inf;
	v12 =	vimm.f32 $-Inf;
	v13 =	vimm.f32 $-Inf  }
0x11e: {  	v15 =	vimm.f32 $-Inf;
	v18 =	vimm.f32 $-Inf;
	v19 =	vimm.f32 $-Inf  }
0x11f: {  	v21 =	vimm.f32 $-Inf;
	v23 =	vimm.f32 $-Inf;
	v25 =	vimm.f32 $-Inf  }
0x120: {  	v26 =	vimm.f32 $-Inf;
	v28 =	vimm.f32 $-Inf;
	v29 =	vimm.f32 $-Inf  }
0x121: {  	v31 =	vimm.f32 $-Inf;
	v32 =	vimm.f32 $-Inf;
	v1 =	vimm.f32 $-Inf  }
.Ltmp13:
0x122: {  	v4 =	vimm.f32 $0.0e+00;
	v5 =	vimm.f32 $0.0e+00;
	v6 =	vimm.f32 $0.0e+00;
	(pc) =	sbr.rel .LBB2_16-.Ltmp13, $4  }
0x123: {  	v8 =	vimm.f32 $0.0e+00;
	v10 =	vimm.f32 $0.0e+00;
	v11 =	vimm.f32 $0.0e+00  }
0x124: {  	s18 =	sshll.u32 s15, $0xA;
	v14 =	vimm.f32 $0.0e+00;
	v16 =	vimm.f32 $0.0e+00;
	v17 =	vimm.f32 $0.0e+00  }
0x125: {  	v20 =	vimm.f32 $0.0e+00;
	v22 =	vimm.f32 $0.0e+00;
	v24 =	vimm.f32 $0.0e+00;
	s18 =	sshra.s32 s18, $0x2  }
0x126: {  	s19 =	simm.s32 $0x0;
	s20 =	smov.u32 s15;
	v27 =	vimm.f32 $0.0e+00;
	v30 =	vimm.f32 $0.0e+00;
	v2 =	vimm.f32 $0.0e+00;
	s18 =	sadd.s32 $0x2780, s18  }
.LBB2_19:
0x127: {  	v38 =	vld [tilespmem:s22+$0xA0]  }
0x128: {  	v39 =	vld [tilespmem:s22+$0xB0]  }
0x129: {  	v40 =	vld [tilespmem:s22+$0xC0]  }
0x12a: {  	v26 =	vmax.f32 v26, v33;
	v62 =	vld [tilespmem:s22+$0xD0];
	v25 =	vmax.f32 v25, v34  }
0x12b: {  	v63 =	vld [tilespmem:s22+$0xE0];
	v23 =	vmax.f32 v23, v35;
	v20 =	vadd.f32 v33, v20;
	v17 =	vadd.f32 v34, v17  }
0x12c: {  	v21 =	vmax.f32 v21, v36;
	v16 =	vadd.f32 v35, v16;
	v14 =	vadd.f32 v36, v14  }
0x12d: {  	v19 =	vmax.f32 v19, v37;
	v11 =	vadd.f32 v37, v11;
	v10 =	vadd.f32 v38, v10  }
0x12e: {  	v18 =	vmax.f32 v18, v38;
	v8 =	vadd.f32 v39, v8;
	v15 =	vmax.f32 v15, v39  }
0x12f: {  	v6 =	vadd.f32 v40, v6;
	v13 =	vmax.f32 v13, v40;
	v5 =	vadd.f32 v62, v5  }
0x130: {  	v12 =	vmax.f32 v12, v62;
	v4 =	vadd.f32 v63, v4;
	v9 =	vmax.f32 v9, v63  }
.LBB2_20:
0x131: {  	s19 =	sadd.s32 $0x1, s19  }
0x132: {  	p0 =	sne.s32 s19, s17  }
.Ltmp14:
0x133: {  	_ = 	snop;
	(pc) =	sbr.rel @!p0 .LBB2_21-.Ltmp14, $2  }
0x134: {  	_ =	sdelay $0x2  }
0x135: {  	s20 =	sadd.s32 $0x40, s20;
	s18 =	sadd.s32 $0x4000, s18  }
.LBB2_16:
0x136: {  	s21 =	sshll.u32 s19, $0x6  }
0x137: {  	s21 =	sadd.s32 s15, s21  }
0x138: {  	p0 =	slt.s32 s21, $0x26D0;
	s22 =	smov.u32 s21  }
0x139: {  	s24 =	ssub.s32 s14, s21;
	s22 =	simm.s32 @!p0 $0x26D0  }
0x13a: {  	p0 =	slt.s32 s24, $0x40;
	s23 =	sshll.u32 s22, $0x5  }
0x13b: {  	s24 =	simm.s32 @!p0 $0x40;
	s25 =	sand.u32 $0x1FFFFFE0, s23;
	s23 =	ssub.s32 s21, s22  }
0x13c: {  	s21 =	sadd.s32 s24, s23  }
0x13d: {  	p0 =	sge.s32 s23, s21  }
.Ltmp15:
0x13e: {  	s31 =	sadd.s32 s4, s25;
	(pc) =	sbr.rel @p0 .LBB2_20-.Ltmp15, $4  }
0x13f: {  	[tilespmem:s11], [sflag:$0x1] =	stream.linear.gather [hbm4b:s31+s3], $0x4000, $0x38;
	[tilespmem:$0x6A80] =	vst v63  }
0x140: {  	_ =	swait.ge [sflag:s10], $0x4000  }
0x141: {  	[sflag:s10] =	ssyncset.done $0x0  }
0x142: {  	[sflag:s10] =	ssyncadd.s32 $0xFFFFC000  }
0x143: {  	p0 =	slt.s32 s20, $0x26D0;
	s22 =	smov.u32 s20  }
0x144: {  	s22 =	simm.s32 @!p0 $0x26D0  }
0x145: {  	s22 =	sshll.u32 s22, $0xA  }
0x146: {  	s22 =	ssub.s32 $0x0, s22  }
0x147: {  	[dreg:$0x4] =	wrdreg s22  }
0x148: {  	s22 =	rddreg [dreg:$0x4]  }
0x149: {  	s22 =	sshra.s32 s22, $0x2  }
0x14a: {  	s22 =	sadd.s32 s22, s18  }
0x14b: {  	v34 =	vld [tilespmem:s22+$0xF0]  }
0x14c: {  	v35 =	vld [tilespmem:s22+$0x0]  }
0x14d: {  	v36 =	vld [tilespmem:s22+$0x10]  }
0x14e: {  	v37 =	vld [tilespmem:s22+$0x20]  }
0x14f: {  	s23 =	sadd.s32 $0x1, s23;
	v38 =	vld [tilespmem:s22+$0x30]  }
0x150: {  	p0 =	slt.s32 s23, s21;
	v39 =	vld [tilespmem:s22+$0x40]  }
.Ltmp16:
0x151: {  	v33 =	vld [tilespmem:s22+$0x50];
	(pc) =	sbr.rel @!p0 .LBB2_19-.Ltmp16, $4  }
0x152: {  	v3 =	vadd.f32 v34, v3;
	v7 =	vmax.f32 v7, v34;
	v2 =	vadd.f32 v35, v2;
	v34 =	vld [tilespmem:s22+$0x60]  }
0x153: {  	v1 =	vmax.f32 v1, v35;
	v30 =	vadd.f32 v36, v30;
	v32 =	vmax.f32 v32, v36;
	v35 =	vld [tilespmem:s22+$0x70]  }
0x154: {  	v27 =	vadd.f32 v37, v27;
	v31 =	vmax.f32 v31, v37;
	v24 =	vadd.f32 v38, v24;
	v36 =	vld [tilespmem:s22+$0x80]  }
0x155: {  	s24 =	smov.u32 s18;
	v29 =	vmax.f32 v29, v38;
	v22 =	vadd.f32 v39, v22;
	v28 =	vmax.f32 v28, v39;
	v37 =	vld [tilespmem:s22+$0x90]  }
.LBB2_18:
0x156: {  	v54 =	vld [tilespmem:s22+$0xA0]  }
0x157: {  	v55 =	vld [tilespmem:s22+$0xB0]  }
0x158: {  	s25 =	rddreg [dreg:$0x4];
	v56 =	vld [tilespmem:s22+$0xC0]  }
0x159: {  	v57 =	vld [tilespmem:s22+$0xD0];
	s24 =	sadd.s32 $0x100, s24;
	s25 =	sshra.s32 s25, $0x2  }
0x15a: {  	v58 =	vld [tilespmem:s22+$0xE0];
	s22 =	sadd.s32 s25, s24  }
0x15b: {  	v20 =	vadd.f32 v33, v20;
	v26 =	vmax.f32 v26, v33;
	v38 =	vld [tilespmem:s22+$0xF0]  }
0x15c: {  	v17 =	vadd.f32 v34, v17;
	v25 =	vmax.f32 v25, v34;
	v16 =	vadd.f32 v35, v16;
	v59 =	vld [tilespmem:s22+$0x0]  }
0x15d: {  	v23 =	vmax.f32 v23, v35;
	v14 =	vadd.f32 v36, v14;
	v21 =	vmax.f32 v21, v36;
	v60 =	vld [tilespmem:s22+$0x10]  }
0x15e: {  	v11 =	vadd.f32 v37, v11;
	v19 =	vmax.f32 v19, v37;
	v61 =	vld [tilespmem:s22+$0x20];
	v10 =	vadd.f32 v54, v10  }
0x15f: {  	s23 =	sadd.s32 $0x1, s23;
	v62 =	vld [tilespmem:s22+$0x30];
	v18 =	vmax.f32 v18, v54;
	v8 =	vadd.f32 v55, v8;
	v15 =	vmax.f32 v15, v55  }
0x160: {  	p0 =	slt.s32 s23, s21;
	v63 =	vld [tilespmem:s22+$0x40];
	v6 =	vadd.f32 v56, v6;
	v13 =	vmax.f32 v13, v56;
	v5 =	vadd.f32 v57, v5  }
.Ltmp17:
0x161: {  	v33 =	vld [tilespmem:s22+$0x50];
	v12 =	vmax.f32 v12, v57;
	v4 =	vadd.f32 v58, v4;
	v9 =	vmax.f32 v9, v58;
	(pc) =	sbr.rel @p0 .LBB2_18-.Ltmp17, $4  }
0x162: {  	v34 =	vld [tilespmem:s22+$0x60];
	v3 =	vadd.f32 v38, v3;
	v7 =	vmax.f32 v7, v38;
	v2 =	vadd.f32 v59, v2  }
0x163: {  	v35 =	vld [tilespmem:s22+$0x70];
	v1 =	vmax.f32 v1, v59;
	v30 =	vadd.f32 v60, v30;
	v32 =	vmax.f32 v32, v60  }
0x164: {  	v36 =	vld [tilespmem:s22+$0x80];
	v27 =	vadd.f32 v61, v27;
	v31 =	vmax.f32 v31, v61;
	v24 =	vadd.f32 v62, v24  }
0x165: {  	v37 =	vld [tilespmem:s22+$0x90];
	v29 =	vmax.f32 v29, v62;
	v22 =	vadd.f32 v63, v22;
	v28 =	vmax.f32 v28, v63  }
.Ltmp18:
0x166: {  	_ = 	snop;
	(pc) =	sbr.rel .LBB2_19-.Ltmp18, $1  }
0x167: {  	_ =	sdelay $0x3  }
.LBB2_22:
0x168: {  	_ =	sfence.sel $0x180000  }
0x169: {  	[bflag:$0x0] =	sbarrier.arrive $0xFFFF  }
0x16a: {  	p0 =	sne.s32 s1, $0x0;
	_ =	strace $0x90000047  }
0x16b: {  	s0 =	sadd.s32 @!p0 $0x100000, s0;
	[bflag:$0x2] =	sbarrier.arrive $0xFFFF  }
0x16c: {  	[sflag:s0] =	ssyncadd.tile.s32 @!p0 $0x1;
	_ =	shalt  }
.Lfunc_end2:
_tile_overlayer_lowered:
.L_overlay_start_2:
0x16d: {  	(tag) =	ssettag $0x2  }
0x16e: {  	s0 =	rddreg [dreg:$0x0];
	s2 =	stileid.u32  }
0x16f: {  	s1 =	rddreg [dreg:$0x1];
	p0 =	sne.s32 s2, $0x0  }
0x170: {  	s3 =	rddreg [dreg:$0x2];
	[bflag:$0x3] =	sbarrier.arrive $0xFFFF;
	s2 =	simm.s32 @!p0 $0x1C01  }
0x171: {  	[timem:s3], [sflag:s2] =	dma.local @!p0 [hbm:s0], s1  }
0x172: {  	s0 =	simm.s32 @!p0 $0x1  }
0x173: {  	_ =	swait.ge @!p0 [sflag:s0], s1  }
0x174: {  	s1 =	ssub.s32 @!p0 $0x0, s1;
	[sflag:s0] =	ssyncset.done @!p0 $0x0  }
0x175: {  	[sflag:s0] =	ssyncadd.s32 @!p0 s1  }
0x176: {  	[bflag:$0x3] =	sbarrier.arrive $0xFFFF  }
0x177: {  	_ =	shalt  }

</sc_bundles>
